<compile_context>
chip_gen: v7x
topology: tpu7x:2x2x1
jax: 0.10.2.dev20260603
libtpu: 0.0.44.dev20260713+nightly
codegen_flags: <defaults>
</compile_context>

<pallas_src>
import functools

import jax
import jax.numpy as jnp
from jax import lax
from jax.experimental import pallas as pl
from jax.experimental.pallas import tpu as pltpu
from jax.experimental.pallas import tpu_sc as plsc

R = 128
N = 32768
L = 16
NV = N // L
K = 1024
KS = K * (1.0 - 2.0 ** -12)
WPL = K // L
NC = 2
NS = 16
NW = NC * NS
RPW = R // NW
ACC = 4
NBUF = 3
SHW = 6

_mesh = plsc.VectorSubcoreMesh(
    core_axis_name="c", subcore_axis_name="s", num_cores=NC, num_subcores=NS
)


@functools.partial(
    pl.kernel,
    out_type=jax.ShapeDtypeStruct((R, N), jnp.float32),
    mesh=_mesh,
    compiler_params=pltpu.CompilerParams(needs_layout_passes=False),
    scratch_types=[
        pltpu.VMEM((N,), jnp.float32),
        pltpu.VMEM((N,), jnp.float32),
        pltpu.VMEM((N,), jnp.float32),
        pltpu.VMEM((K,), jnp.float32),
        pltpu.VMEM((K,), jnp.float32),
        pltpu.SemaphoreType.DMA,
        pltpu.SemaphoreType.DMA,
        pltpu.SemaphoreType.DMA,
        pltpu.SemaphoreType.DMA,
        pltpu.SemaphoreType.DMA,
        pltpu.SemaphoreType.DMA,
    ],
)
def _sparsemax_sc(x_hbm, out_hbm, b0, b1, b2, cnt_v, sum_v,
                  is0, is1, is2, os0, os1, os2):
    wid = lax.axis_index("s") * NC + lax.axis_index("c")
    bufs = (b0, b1, b2)
    isems = (is0, is1, is2)
    osems = (os0, os1, os2)

    zeros = jnp.zeros((L,), jnp.float32)
    ones = jnp.ones((L,), jnp.float32)
    lane_i = lax.iota(jnp.int32, L)
    lane_f = lane_i.astype(jnp.float32)
    inv_k = jnp.float32(1.0 / KS)

    @plsc.parallel_loop(0, WPL, unroll=4)
    def _(w):
        cnt_v[pl.ds(w * L, L)] = zeros
        sum_v[pl.ds(w * L, L)] = zeros

    row0 = wid * RPW
    in_h = {}
    out_h = {}
    for j in range(min(NBUF, RPW)):
        in_h[j] = pltpu.async_copy(x_hbm.at[row0 + j], bufs[j], isems[j])

    in_h[0].wait()

    @plsc.parallel_loop(0, NV, ACC, unroll=2,
                        carry=tuple(jnp.full((L,), -jnp.inf, jnp.float32)
                                    for _ in range(ACC)))
    def m_accs0(i, accs):
        return tuple(
            jnp.maximum(a, b0[pl.ds((i + u) * L, L)])
            for u, a in enumerate(accs)
        )
    m_vec = functools.reduce(jnp.maximum, m_accs0)

    for j in range(RPW):
        b = j % NBUF
        row_v = bufs[b]
        if j >= NBUF - 1 and j + 1 < RPW:
            out_h[j + 1 - NBUF].wait()
            in_h[j + 1] = pltpu.async_copy(
                x_hbm.at[row0 + j + 1], bufs[(j + 1) % NBUF], isems[(j + 1) % NBUF]
            )

        m_s = jnp.max(m_vec)
        lo_s = m_s - jnp.float32(1.0)
        lo_v = jnp.full((L,), lo_s, jnp.float32)

        kf_v = jnp.full((L,), jnp.float32(KS), jnp.float32)

        @plsc.parallel_loop(0, NV, unroll=16)
        def _(i):
            x = row_v[pl.ds(i * L, L)]
            t = (x - lo_v) * kf_v
            idx = t.astype(jnp.int32)
            sidx = ((idx << 4) | (idx >> SHW)) & (K - 1)
            m = x >= lo_v
            plsc.addupdate_scatter(cnt_v, [sidx], ones, mask=m)
            plsc.addupdate_scatter(sum_v, [sidx], x, mask=m)

        lane_base = lo_v + lane_f * jnp.float32(WPL / KS)

        @plsc.parallel_loop(0, WPL, unroll=8, carry=(zeros, zeros))
        def tot(w, carry):
            c_run, s_run = carry
            sl = pl.ds(w * L, L)
            return c_run + cnt_v[sl], s_run + sum_v[sl]
        c_tot, s_tot = tot

        tc_excl = lax.rev(plsc.cumsum(lax.rev(c_tot, (0,))), (0,)) - c_tot
        ts_excl = lax.rev(plsc.cumsum(lax.rev(s_tot, (0,))), (0,)) - s_tot

        @plsc.parallel_loop(0, WPL, unroll=8,
                            carry=(tc_excl, ts_excl,
                                   jnp.full((L,), -3.0, jnp.float32)))
        def scan2(wr, carry):
            c_run, s_run, acc = carry
            w = WPL - 1 - wr
            sl = pl.ds(w * L, L)
            cs = c_run + cnt_v[sl]
            ss = s_run + sum_v[sl]
            edge = lane_base + w * inv_k
            g = ss - edge * cs - jnp.float32(1.0)
            r = (ss - jnp.float32(1.0)) / jnp.maximum(cs, jnp.float32(1e-30))
            cnt_v[sl] = zeros
            sum_v[sl] = zeros
            return cs, ss, jnp.maximum(acc, jnp.where(g >= 0, r, jnp.float32(-3.0)))
        rmax = scan2[2]
        tau1_v = jnp.full(
            (L,), jnp.clip(jnp.max(rmax), lo_s, m_s - jnp.float32(1.0 / N)),
            jnp.float32)

        if j + 1 < RPW:
            nxt_v = bufs[(j + 1) % NBUF]
            in_h[j + 1].wait()

            @plsc.parallel_loop(0, NV, ACC, unroll=2,
                                carry=tuple(jnp.full((L,), -jnp.inf, jnp.float32)
                                            for _ in range(ACC)))
            def cm_accs(i, accs):
                outs = []
                for u, a in enumerate(accs):
                    sl = pl.ds((i + u) * L, L)
                    row_v[sl] = jnp.maximum(row_v[sl] - tau1_v, zeros)
                    outs.append(jnp.maximum(a, nxt_v[sl]))
                return tuple(outs)
            m_vec = functools.reduce(jnp.maximum, cm_accs)
        else:
            @plsc.parallel_loop(0, NV, unroll=8)
            def _(i):
                sl = pl.ds(i * L, L)
                row_v[sl] = jnp.maximum(row_v[sl] - tau1_v, zeros)

        out_h[j] = pltpu.async_copy(row_v, out_hbm.at[row0 + j], osems[b])

    waited = {j + 1 - NBUF for j in range(RPW) if j >= NBUF - 1 and j + 1 < RPW}
    for j in range(RPW):
        if j not in waited:
            out_h[j].wait()


def kernel(input):
    return _sparsemax_sc(input)

# --- scband reference (transcript-rebuilt; emitter-appended) ---
"""Pipeline reference for scband-sparsemax-60670708023728 (READ-ONLY COPY).

The authoritative reference and input builder live on the scoring server;
editing this copy changes nothing except your own understanding.
"""

import jax, jax.numpy as jnp
import numpy as np


def setup_inputs(seed: int = 0) -> dict:
    key = jax.random.key(seed)
    input = jax.random.normal(key, (128, 32768), dtype=jnp.float32)
    return {"input": input}


def reference(input):
    x = input - jnp.max(input, axis=-1, keepdims=True)
    # sort descending along last dim
    zs = -jnp.sort(-x, axis=-1)
    n = x.shape[-1]
    rng = jnp.arange(1, n + 1, dtype=x.dtype).reshape((1,) * (x.ndim - 1) + (n,))
    bound = 1 + rng * zs
    cumulative = jnp.cumsum(zs, axis=-1)
    is_gt = (bound > cumulative).astype(x.dtype)
    k = jnp.max(is_gt * rng, axis=-1, keepdims=True)
    tau = (jnp.sum(is_gt * zs, axis=-1, keepdims=True) - 1) / k
    output = jnp.clip(x - tau, 0, None)
    return output

if __name__ == "__main__":
    import jax
    _d = setup_inputs()
    print(jax.jit(kernel)(*tuple(_d.values())))

</pallas_src>

<mosaic_0001>
#map = affine_map<(d0, d1) -> (0, 0)>
module attributes {stable_mosaic.version = 14 : i64} {
  func.func @_sparsemax_sc(%arg0: i32, %arg1: i32, %arg2: memref<128x32768xf32, #tpu.memory_space<hbm>>, %arg3: memref<128x32768xf32, #tpu.memory_space<hbm>>, %arg4: memref<32768xf32, #tpu.memory_space<vmem>>, %arg5: memref<32768xf32, #tpu.memory_space<vmem>>, %arg6: memref<32768xf32, #tpu.memory_space<vmem>>, %arg7: memref<1024xf32, #tpu.memory_space<vmem>>, %arg8: memref<1024xf32, #tpu.memory_space<vmem>>, %arg9: memref<!tpu.dma_semaphore, #tpu.memory_space<semaphore_mem>>, %arg10: memref<!tpu.dma_semaphore, #tpu.memory_space<semaphore_mem>>, %arg11: memref<!tpu.dma_semaphore, #tpu.memory_space<semaphore_mem>>, %arg12: memref<!tpu.dma_semaphore, #tpu.memory_space<semaphore_mem>>, %arg13: memref<!tpu.dma_semaphore, #tpu.memory_space<semaphore_mem>>, %arg14: memref<!tpu.dma_semaphore, #tpu.memory_space<semaphore_mem>>) attributes {dimension_semantics = [#tpu.dimension_semantics<core_parallel>, #tpu.dimension_semantics<subcore_parallel>], iteration_bounds = array<i64: 2, 16>, scalar_prefetch = 0 : i64, scratch_operands = 11 : i64, tpu.core_type = #tpu.core_type<sc_vector_subcore>, window_params = [{transform_indices = #map}, {transform_indices = #map}]} {
    %mul3A = arith.constant 2 : i32
    %mul3A_0 = arith.muli %arg1, %mul3A : i32
    %add3A = arith.addi %mul3A_0, %arg0 : i32
    %broadcast_in_dim3A = arith.constant 0.000000e+00 : f32
    %broadcast_in_dim3A_1 = vector.broadcast %broadcast_in_dim3A : f32 to vector<16xf32>
    %broadcast_in_dim3A_2 = arith.constant 1.000000e+00 : f32
    %broadcast_in_dim3A_3 = vector.broadcast %broadcast_in_dim3A_2 : f32 to vector<16xf32>
    %iota3A = tpu.iota {dimensions = array<i32: 0>} : vector<16xi32>
    %convert_element_type3A = arith.sitofp %iota3A : vector<16xi32> to vector<16xf32>
    %parallel_loop3A = arith.constant 0 : i32
    %parallel_loop3A_4 = arith.constant 64 : i32
    %parallel_loop3A_5 = arith.constant 1 : i32
    scf.for %parallel_loop3A_433 = %parallel_loop3A to %parallel_loop3A_4 step %parallel_loop3A_5  : i32 {
      %parallel_loop3A_434 = arith.constant 16 : i32
      %parallel_loop3A_435 = arith.muli %parallel_loop3A_433, %parallel_loop3A_434 : i32
      %parallel_loop3A_436 = arith.index_cast %parallel_loop3A_435 : i32 to index
      %parallel_loop3A_437 = tpu.vector_load %arg7[%parallel_loop3A_436] {strides = array<i32>} : memref<1024xf32, #tpu.memory_space<vmem>>, vector<16xf32>,
      tpu.vector_store %arg7[%parallel_loop3A_436], %broadcast_in_dim3A_1 {strides = array<i32>} : memref<1024xf32, #tpu.memory_space<vmem>>, vector<16xf32>,
      %parallel_loop3A_438 = arith.constant 16 : i32
      %parallel_loop3A_439 = arith.muli %parallel_loop3A_433, %parallel_loop3A_438 : i32
      %parallel_loop3A_440 = arith.index_cast %parallel_loop3A_439 : i32 to index
      %parallel_loop3A_441 = tpu.vector_load %arg8[%parallel_loop3A_440] {strides = array<i32>} : memref<1024xf32, #tpu.memory_space<vmem>>, vector<16xf32>,
      tpu.vector_store %arg8[%parallel_loop3A_440], %broadcast_in_dim3A_1 {strides = array<i32>} : memref<1024xf32, #tpu.memory_space<vmem>>, vector<16xf32>,
    } {sc.loop_unroll_factor = 4 : i64, sc.parallel_access}
    %mul3A_6 = arith.constant 4 : i32
    %mul3A_7 = arith.muli %add3A, %mul3A_6 : i32
    %add3A_8 = arith.constant 0 : i32
    %add3A_9 = arith.addi %mul3A_7, %add3A_8 : i32
    %dma_start3A = arith.constant 0 : i32
    %dma_start3A_10 = tpu.memref_slice %arg2[%add3A_9, %dma_start3A] : memref<128x32768xf32, #tpu.memory_space<hbm>> -> memref<1x32768xf32, #tpu.memory_space<hbm>>
    %dma_start3A_11 = tpu.memref_squeeze %dma_start3A_10 : memref<1x32768xf32, #tpu.memory_space<hbm>> -> memref<32768xf32, #tpu.memory_space<hbm>>
    %dma_start3A_12 = arith.constant 0 : i32
    %dma_start3A_13 = tpu.memref_slice %arg2[%add3A_9, %dma_start3A_12] : memref<128x32768xf32, #tpu.memory_space<hbm>> -> memref<1x32768xf32, #tpu.memory_space<hbm>>
    %dma_start3A_14 = tpu.memref_squeeze %dma_start3A_13 : memref<1x32768xf32, #tpu.memory_space<hbm>> -> memref<32768xf32, #tpu.memory_space<hbm>>
    tpu.enqueue_dma source(%dma_start3A_14 : memref<32768xf32, #tpu.memory_space<hbm>>) target(%arg4 : memref<32768xf32, #tpu.memory_space<vmem>>) target_semaphore(%arg9 : memref<!tpu.dma_semaphore, #tpu.memory_space<semaphore_mem>>)
    %add3A_15 = arith.constant 1 : i32
    %add3A_16 = arith.addi %mul3A_7, %add3A_15 : i32
    %dma_start3A_17 = arith.constant 0 : i32
    %dma_start3A_18 = tpu.memref_slice %arg2[%add3A_16, %dma_start3A_17] : memref<128x32768xf32, #tpu.memory_space<hbm>> -> memref<1x32768xf32, #tpu.memory_space<hbm>>
    %dma_start3A_19 = tpu.memref_squeeze %dma_start3A_18 : memref<1x32768xf32, #tpu.memory_space<hbm>> -> memref<32768xf32, #tpu.memory_space<hbm>>
    %dma_start3A_20 = arith.constant 0 : i32
    %dma_start3A_21 = tpu.memref_slice %arg2[%add3A_16, %dma_start3A_20] : memref<128x32768xf32, #tpu.memory_space<hbm>> -> memref<1x32768xf32, #tpu.memory_space<hbm>>
    %dma_start3A_22 = tpu.memref_squeeze %dma_start3A_21 : memref<1x32768xf32, #tpu.memory_space<hbm>> -> memref<32768xf32, #tpu.memory_space<hbm>>
    tpu.enqueue_dma source(%dma_start3A_22 : memref<32768xf32, #tpu.memory_space<hbm>>) target(%arg5 : memref<32768xf32, #tpu.memory_space<vmem>>) target_semaphore(%arg10 : memref<!tpu.dma_semaphore, #tpu.memory_space<semaphore_mem>>)
    %add3A_23 = arith.constant 2 : i32
    %add3A_24 = arith.addi %mul3A_7, %add3A_23 : i32
    %dma_start3A_25 = arith.constant 0 : i32
    %dma_start3A_26 = tpu.memref_slice %arg2[%add3A_24, %dma_start3A_25] : memref<128x32768xf32, #tpu.memory_space<hbm>> -> memref<1x32768xf32, #tpu.memory_space<hbm>>
    %dma_start3A_27 = tpu.memref_squeeze %dma_start3A_26 : memref<1x32768xf32, #tpu.memory_space<hbm>> -> memref<32768xf32, #tpu.memory_space<hbm>>
    %dma_start3A_28 = arith.constant 0 : i32
    %dma_start3A_29 = tpu.memref_slice %arg2[%add3A_24, %dma_start3A_28] : memref<128x32768xf32, #tpu.memory_space<hbm>> -> memref<1x32768xf32, #tpu.memory_space<hbm>>
    %dma_start3A_30 = tpu.memref_squeeze %dma_start3A_29 : memref<1x32768xf32, #tpu.memory_space<hbm>> -> memref<32768xf32, #tpu.memory_space<hbm>>
    tpu.enqueue_dma source(%dma_start3A_30 : memref<32768xf32, #tpu.memory_space<hbm>>) target(%arg6 : memref<32768xf32, #tpu.memory_space<vmem>>) target_semaphore(%arg11 : memref<!tpu.dma_semaphore, #tpu.memory_space<semaphore_mem>>)
    %dma_wait3A = arith.constant 0 : i32
    %dma_wait3A_31 = tpu.memref_slice %arg2[%add3A_9, %dma_wait3A] : memref<128x32768xf32, #tpu.memory_space<hbm>> -> memref<1x32768xf32, #tpu.memory_space<hbm>>
    %dma_wait3A_32 = tpu.memref_squeeze %dma_wait3A_31 : memref<1x32768xf32, #tpu.memory_space<hbm>> -> memref<32768xf32, #tpu.memory_space<hbm>>
    %dma_wait3A_33 = arith.constant 0 : i32
    %dma_wait3A_34 = tpu.memref_slice %arg2[%add3A_9, %dma_wait3A_33] : memref<128x32768xf32, #tpu.memory_space<hbm>> -> memref<1x32768xf32, #tpu.memory_space<hbm>>
    %dma_wait3A_35 = tpu.memref_squeeze %dma_wait3A_34 : memref<1x32768xf32, #tpu.memory_space<hbm>> -> memref<32768xf32, #tpu.memory_space<hbm>>
    tpu.wait_dma2 semaphore(%arg9 : memref<!tpu.dma_semaphore, #tpu.memory_space<semaphore_mem>>) src(%dma_wait3A_35 : memref<32768xf32, #tpu.memory_space<hbm>>) dst(%arg4 : memref<32768xf32, #tpu.memory_space<vmem>>)
    %broadcast_in_dim3A_36 = arith.constant 0xFF800000 : f32
    %broadcast_in_dim3A_37 = vector.broadcast %broadcast_in_dim3A_36 : f32 to vector<16xf32>
    %broadcast_in_dim3A_38 = arith.constant 0xFF800000 : f32
    %broadcast_in_dim3A_39 = vector.broadcast %broadcast_in_dim3A_38 : f32 to vector<16xf32>
    %broadcast_in_dim3A_40 = arith.constant 0xFF800000 : f32
    %broadcast_in_dim3A_41 = vector.broadcast %broadcast_in_dim3A_40 : f32 to vector<16xf32>
    %broadcast_in_dim3A_42 = arith.constant 0xFF800000 : f32
    %broadcast_in_dim3A_43 = vector.broadcast %broadcast_in_dim3A_42 : f32 to vector<16xf32>
    %parallel_loop3A_44 = arith.constant 0 : i32
    %parallel_loop3A_45 = arith.constant 2048 : i32
    %parallel_loop3A_46 = arith.constant 4 : i32
    %parallel_loop3A_47:4 = scf.for %parallel_loop3A_433 = %parallel_loop3A_44 to %parallel_loop3A_45 step %parallel_loop3A_46 iter_args(%parallel_loop3A_434 = %broadcast_in_dim3A_37, %parallel_loop3A_435 = %broadcast_in_dim3A_39, %parallel_loop3A_436 = %broadcast_in_dim3A_41, %parallel_loop3A_437 = %broadcast_in_dim3A_43) -> (vector<16xf32>, vector<16xf32>, vector<16xf32>, vector<16xf32>)  : i32 {
      %parallel_loop3A_438 = arith.constant 0 : i32
      %parallel_loop3A_439 = arith.addi %parallel_loop3A_433, %parallel_loop3A_438 : i32
      %parallel_loop3A_440 = arith.constant 16 : i32
      %parallel_loop3A_441 = arith.muli %parallel_loop3A_439, %parallel_loop3A_440 : i32
      %parallel_loop3A_442 = arith.index_cast %parallel_loop3A_441 : i32 to index
      %parallel_loop3A_443 = tpu.vector_load %arg4[%parallel_loop3A_442] {strides = array<i32>} : memref<32768xf32, #tpu.memory_space<vmem>>, vector<16xf32>,
      %parallel_loop3A_444 = arith.maximumf %parallel_loop3A_434, %parallel_loop3A_443 : vector<16xf32>
      %parallel_loop3A_445 = arith.constant 1 : i32
      %parallel_loop3A_446 = arith.addi %parallel_loop3A_433, %parallel_loop3A_445 : i32
      %parallel_loop3A_447 = arith.constant 16 : i32
      %parallel_loop3A_448 = arith.muli %parallel_loop3A_446, %parallel_loop3A_447 : i32
      %parallel_loop3A_449 = arith.index_cast %parallel_loop3A_448 : i32 to index
      %parallel_loop3A_450 = tpu.vector_load %arg4[%parallel_loop3A_449] {strides = array<i32>} : memref<32768xf32, #tpu.memory_space<vmem>>, vector<16xf32>,
      %parallel_loop3A_451 = arith.maximumf %parallel_loop3A_435, %parallel_loop3A_450 : vector<16xf32>
      %parallel_loop3A_452 = arith.constant 2 : i32
      %parallel_loop3A_453 = arith.addi %parallel_loop3A_433, %parallel_loop3A_452 : i32
      %parallel_loop3A_454 = arith.constant 16 : i32
      %parallel_loop3A_455 = arith.muli %parallel_loop3A_453, %parallel_loop3A_454 : i32
      %parallel_loop3A_456 = arith.index_cast %parallel_loop3A_455 : i32 to index
      %parallel_loop3A_457 = tpu.vector_load %arg4[%parallel_loop3A_456] {strides = array<i32>} : memref<32768xf32, #tpu.memory_space<vmem>>, vector<16xf32>,
      %parallel_loop3A_458 = arith.maximumf %parallel_loop3A_436, %parallel_loop3A_457 : vector<16xf32>
      %parallel_loop3A_459 = arith.constant 3 : i32
      %parallel_loop3A_460 = arith.addi %parallel_loop3A_433, %parallel_loop3A_459 : i32
      %parallel_loop3A_461 = arith.constant 16 : i32
      %parallel_loop3A_462 = arith.muli %parallel_loop3A_460, %parallel_loop3A_461 : i32
      %parallel_loop3A_463 = arith.index_cast %parallel_loop3A_462 : i32 to index
      %parallel_loop3A_464 = tpu.vector_load %arg4[%parallel_loop3A_463] {strides = array<i32>} : memref<32768xf32, #tpu.memory_space<vmem>>, vector<16xf32>,
      %parallel_loop3A_465 = arith.maximumf %parallel_loop3A_437, %parallel_loop3A_464 : vector<16xf32>
      scf.yield %parallel_loop3A_444, %parallel_loop3A_451, %parallel_loop3A_458, %parallel_loop3A_465 : vector<16xf32>, vector<16xf32>, vector<16xf32>, vector<16xf32>
    } {sc.loop_unroll_factor = 2 : i64, sc.parallel_access}
    %max3A = arith.maximumf %parallel_loop3A_47#0, %parallel_loop3A_47#1 : vector<16xf32>
    %max3A_48 = arith.maximumf %max3A, %parallel_loop3A_47#2 : vector<16xf32>
    %max3A_49 = arith.maximumf %max3A_48, %parallel_loop3A_47#3 : vector<16xf32>
    %reduce_max3A = arith.constant true
    %reduce_max3A_50 = vector.broadcast %reduce_max3A : i1 to vector<16xi1>
    %reduce_max3A_51 = tpu.scan <max>, %max3A_49 masked %reduce_max3A_50 : vector<16xf32>, vector<16xi1> -> vector<16xf32>
    %reduce_max3A_52 = vector.extract %reduce_max3A_51[15] : f32 from vector<16xf32>
    %sub3A = arith.constant 1.000000e+00 : f32
    %sub3A_53 = arith.subf %reduce_max3A_52, %sub3A : f32
    %broadcast_in_dim3A_54 = vector.broadcast %sub3A_53 : f32 to vector<16xf32>
    %broadcast_in_dim3A_55 = arith.constant 1.023750e+03 : f32
    %broadcast_in_dim3A_56 = vector.broadcast %broadcast_in_dim3A_55 : f32 to vector<16xf32>
    %parallel_loop3A_57 = arith.constant 0 : i32
    %parallel_loop3A_58 = arith.constant 2048 : i32
    %parallel_loop3A_59 = arith.constant 1 : i32
    scf.for %parallel_loop3A_433 = %parallel_loop3A_57 to %parallel_loop3A_58 step %parallel_loop3A_59  : i32 {
      %parallel_loop3A_434 = arith.constant 16 : i32
      %parallel_loop3A_435 = arith.muli %parallel_loop3A_433, %parallel_loop3A_434 : i32
      %parallel_loop3A_436 = arith.index_cast %parallel_loop3A_435 : i32 to index
      %parallel_loop3A_437 = tpu.vector_load %arg4[%parallel_loop3A_436] {strides = array<i32>} : memref<32768xf32, #tpu.memory_space<vmem>>, vector<16xf32>,
      %parallel_loop3A_438 = arith.subf %parallel_loop3A_437, %broadcast_in_dim3A_54 : vector<16xf32>
      %parallel_loop3A_439 = arith.mulf %parallel_loop3A_438, %broadcast_in_dim3A_56 : vector<16xf32>
      %parallel_loop3A_440 = arith.fptosi %parallel_loop3A_439 : vector<16xf32> to vector<16xi32>
      %parallel_loop3A_441 = arith.constant 4 : i32
      %parallel_loop3A_442 = vector.broadcast %parallel_loop3A_441 : i32 to vector<16xi32>
      %parallel_loop3A_443 = arith.shli %parallel_loop3A_440, %parallel_loop3A_442 : vector<16xi32>
      %parallel_loop3A_444 = arith.constant 6 : i32
      %parallel_loop3A_445 = vector.broadcast %parallel_loop3A_444 : i32 to vector<16xi32>
      %parallel_loop3A_446 = arith.shrsi %parallel_loop3A_440, %parallel_loop3A_445 : vector<16xi32>
      %parallel_loop3A_447 = arith.ori %parallel_loop3A_443, %parallel_loop3A_446 : vector<16xi32>
      %parallel_loop3A_448 = arith.constant 1023 : i32
      %parallel_loop3A_449 = vector.broadcast %parallel_loop3A_448 : i32 to vector<16xi32>
      %parallel_loop3A_450 = arith.andi %parallel_loop3A_447, %parallel_loop3A_449 : vector<16xi32>
      %parallel_loop3A_451 = arith.cmpf oge, %parallel_loop3A_437, %broadcast_in_dim3A_54 : vector<16xf32>
      tpu.vector_store_idx %arg7[%parallel_loop3A_450], %broadcast_in_dim3A_3 masked %parallel_loop3A_451 {add = true} : memref<1024xf32, #tpu.memory_space<vmem>>[vector<16xi32>], vector<16xf32>, vector<16xi1>
      tpu.vector_store_idx %arg8[%parallel_loop3A_450], %parallel_loop3A_437 masked %parallel_loop3A_451 {add = true} : memref<1024xf32, #tpu.memory_space<vmem>>[vector<16xi32>], vector<16xf32>, vector<16xi1>
    } {sc.loop_unroll_factor = 16 : i64, sc.parallel_access}
    %mul3A_60 = arith.constant 0.0625152662 : f32
    %mul3A_61 = vector.broadcast %mul3A_60 : f32 to vector<16xf32>
    %mul3A_62 = arith.mulf %convert_element_type3A, %mul3A_61 : vector<16xf32>
    %add3A_63 = arith.addf %broadcast_in_dim3A_54, %mul3A_62 : vector<16xf32>
    %parallel_loop3A_64 = arith.constant 0 : i32
    %parallel_loop3A_65 = arith.constant 64 : i32
    %parallel_loop3A_66 = arith.constant 1 : i32
    %parallel_loop3A_67:2 = scf.for %parallel_loop3A_433 = %parallel_loop3A_64 to %parallel_loop3A_65 step %parallel_loop3A_66 iter_args(%parallel_loop3A_434 = %broadcast_in_dim3A_1, %parallel_loop3A_435 = %broadcast_in_dim3A_1) -> (vector<16xf32>, vector<16xf32>)  : i32 {
      %parallel_loop3A_436 = arith.constant 16 : i32
      %parallel_loop3A_437 = arith.muli %parallel_loop3A_433, %parallel_loop3A_436 : i32
      %parallel_loop3A_438 = arith.index_cast %parallel_loop3A_437 : i32 to index
      %parallel_loop3A_439 = tpu.vector_load %arg7[%parallel_loop3A_438] {strides = array<i32>} : memref<1024xf32, #tpu.memory_space<vmem>>, vector<16xf32>,
      %parallel_loop3A_440 = arith.addf %parallel_loop3A_434, %parallel_loop3A_439 : vector<16xf32>
      %parallel_loop3A_441 = arith.index_cast %parallel_loop3A_437 : i32 to index
      %parallel_loop3A_442 = tpu.vector_load %arg8[%parallel_loop3A_441] {strides = array<i32>} : memref<1024xf32, #tpu.memory_space<vmem>>, vector<16xf32>,
      %parallel_loop3A_443 = arith.addf %parallel_loop3A_435, %parallel_loop3A_442 : vector<16xf32>
      scf.yield %parallel_loop3A_440, %parallel_loop3A_443 : vector<16xf32>, vector<16xf32>
    } {sc.loop_unroll_factor = 8 : i64, sc.parallel_access}
    %rev3A = arith.constant 15 : i32
    %rev3A_68 = vector.broadcast %rev3A : i32 to vector<16xi32>
    %rev3A_69 = tpu.iota {dimensions = array<i32: 0>} : vector<16xi32>
    %rev3A_70 = arith.subi %rev3A_68, %rev3A_69 : vector<16xi32>
    %rev3A_71 = tpu.dynamic_gather %parallel_loop3A_67#0[%rev3A_70] in [0] : vector<16xf32>, vector<16xi32> -> vector<16xf32>
    %broadcast_in_dim3A_72 = arith.constant true
    %broadcast_in_dim3A_73 = vector.broadcast %broadcast_in_dim3A_72 : i1 to vector<16xi1>
    %masked_cumsum3A = tpu.scan <sum>, %rev3A_71 masked %broadcast_in_dim3A_73 : vector<16xf32>, vector<16xi1> -> vector<16xf32>
    %rev3A_74 = arith.constant 15 : i32
    %rev3A_75 = vector.broadcast %rev3A_74 : i32 to vector<16xi32>
    %rev3A_76 = tpu.iota {dimensions = array<i32: 0>} : vector<16xi32>
    %rev3A_77 = arith.subi %rev3A_75, %rev3A_76 : vector<16xi32>
    %rev3A_78 = tpu.dynamic_gather %masked_cumsum3A[%rev3A_77] in [0] : vector<16xf32>, vector<16xi32> -> vector<16xf32>
    %sub3A_79 = arith.subf %rev3A_78, %parallel_loop3A_67#0 : vector<16xf32>
    %rev3A_80 = arith.constant 15 : i32
    %rev3A_81 = vector.broadcast %rev3A_80 : i32 to vector<16xi32>
    %rev3A_82 = tpu.iota {dimensions = array<i32: 0>} : vector<16xi32>
    %rev3A_83 = arith.subi %rev3A_81, %rev3A_82 : vector<16xi32>
    %rev3A_84 = tpu.dynamic_gather %parallel_loop3A_67#1[%rev3A_83] in [0] : vector<16xf32>, vector<16xi32> -> vector<16xf32>
    %broadcast_in_dim3A_85 = arith.constant true
    %broadcast_in_dim3A_86 = vector.broadcast %broadcast_in_dim3A_85 : i1 to vector<16xi1>
    %masked_cumsum3A_87 = tpu.scan <sum>, %rev3A_84 masked %broadcast_in_dim3A_86 : vector<16xf32>, vector<16xi1> -> vector<16xf32>
    %rev3A_88 = arith.constant 15 : i32
    %rev3A_89 = vector.broadcast %rev3A_88 : i32 to vector<16xi32>
    %rev3A_90 = tpu.iota {dimensions = array<i32: 0>} : vector<16xi32>
    %rev3A_91 = arith.subi %rev3A_89, %rev3A_90 : vector<16xi32>
    %rev3A_92 = tpu.dynamic_gather %masked_cumsum3A_87[%rev3A_91] in [0] : vector<16xf32>, vector<16xi32> -> vector<16xf32>
    %sub3A_93 = arith.subf %rev3A_92, %parallel_loop3A_67#1 : vector<16xf32>
    %broadcast_in_dim3A_94 = arith.constant -3.000000e+00 : f32
    %broadcast_in_dim3A_95 = vector.broadcast %broadcast_in_dim3A_94 : f32 to vector<16xf32>
    %parallel_loop3A_96 = arith.constant 0 : i32
    %parallel_loop3A_97 = arith.constant 64 : i32
    %parallel_loop3A_98 = arith.constant 1 : i32
    %parallel_loop3A_99 = arith.constant 9.768010e-04 : f32
    %parallel_loop3A_100:3 = scf.for %parallel_loop3A_433 = %parallel_loop3A_96 to %parallel_loop3A_97 step %parallel_loop3A_98 iter_args(%parallel_loop3A_434 = %sub3A_79, %parallel_loop3A_435 = %sub3A_93, %parallel_loop3A_436 = %broadcast_in_dim3A_95) -> (vector<16xf32>, vector<16xf32>, vector<16xf32>)  : i32 {
      %parallel_loop3A_437 = arith.constant 63 : i32
      %parallel_loop3A_438 = arith.subi %parallel_loop3A_437, %parallel_loop3A_433 : i32
      %parallel_loop3A_439 = arith.constant 16 : i32
      %parallel_loop3A_440 = arith.muli %parallel_loop3A_438, %parallel_loop3A_439 : i32
      %parallel_loop3A_441 = arith.index_cast %parallel_loop3A_440 : i32 to index
      %parallel_loop3A_442 = tpu.vector_load %arg7[%parallel_loop3A_441] {strides = array<i32>} : memref<1024xf32, #tpu.memory_space<vmem>>, vector<16xf32>,
      %parallel_loop3A_443 = arith.addf %parallel_loop3A_434, %parallel_loop3A_442 : vector<16xf32>
      %parallel_loop3A_444 = arith.index_cast %parallel_loop3A_440 : i32 to index
      %parallel_loop3A_445 = tpu.vector_load %arg8[%parallel_loop3A_444] {strides = array<i32>} : memref<1024xf32, #tpu.memory_space<vmem>>, vector<16xf32>,
      %parallel_loop3A_446 = arith.addf %parallel_loop3A_435, %parallel_loop3A_445 : vector<16xf32>
      %parallel_loop3A_447 = arith.sitofp %parallel_loop3A_438 : i32 to f32
      %parallel_loop3A_448 = arith.mulf %parallel_loop3A_447, %parallel_loop3A_99 : f32
      %parallel_loop3A_449 = vector.broadcast %parallel_loop3A_448 : f32 to vector<16xf32>
      %parallel_loop3A_450 = arith.addf %add3A_63, %parallel_loop3A_449 : vector<16xf32>
      %parallel_loop3A_451 = arith.mulf %parallel_loop3A_450, %parallel_loop3A_443 : vector<16xf32>
      %parallel_loop3A_452 = arith.subf %parallel_loop3A_446, %parallel_loop3A_451 : vector<16xf32>
      %parallel_loop3A_453 = arith.constant 1.000000e+00 : f32
      %parallel_loop3A_454 = vector.broadcast %parallel_loop3A_453 : f32 to vector<16xf32>
      %parallel_loop3A_455 = arith.subf %parallel_loop3A_452, %parallel_loop3A_454 : vector<16xf32>
      %parallel_loop3A_456 = arith.constant 1.000000e+00 : f32
      %parallel_loop3A_457 = vector.broadcast %parallel_loop3A_456 : f32 to vector<16xf32>
      %parallel_loop3A_458 = arith.subf %parallel_loop3A_446, %parallel_loop3A_457 : vector<16xf32>
      %parallel_loop3A_459 = arith.constant 1.000000e-30 : f32
      %parallel_loop3A_460 = vector.broadcast %parallel_loop3A_459 : f32 to vector<16xf32>
      %parallel_loop3A_461 = arith.maximumf %parallel_loop3A_443, %parallel_loop3A_460 : vector<16xf32>
      %parallel_loop3A_462 = arith.divf %parallel_loop3A_458, %parallel_loop3A_461 : vector<16xf32>
      %parallel_loop3A_463 = arith.index_cast %parallel_loop3A_440 : i32 to index
      %parallel_loop3A_464 = tpu.vector_load %arg7[%parallel_loop3A_463] {strides = array<i32>} : memref<1024xf32, #tpu.memory_space<vmem>>, vector<16xf32>,
      tpu.vector_store %arg7[%parallel_loop3A_463], %broadcast_in_dim3A_1 {strides = array<i32>} : memref<1024xf32, #tpu.memory_space<vmem>>, vector<16xf32>,
      %parallel_loop3A_465 = arith.index_cast %parallel_loop3A_440 : i32 to index
      %parallel_loop3A_466 = tpu.vector_load %arg8[%parallel_loop3A_465] {strides = array<i32>} : memref<1024xf32, #tpu.memory_space<vmem>>, vector<16xf32>,
      tpu.vector_store %arg8[%parallel_loop3A_465], %broadcast_in_dim3A_1 {strides = array<i32>} : memref<1024xf32, #tpu.memory_space<vmem>>, vector<16xf32>,
      %parallel_loop3A_467 = arith.constant 0.000000e+00 : f32
      %parallel_loop3A_468 = vector.broadcast %parallel_loop3A_467 : f32 to vector<16xf32>
      %parallel_loop3A_469 = arith.cmpf oge, %parallel_loop3A_455, %parallel_loop3A_468 : vector<16xf32>
      %parallel_loop3A_470 = arith.constant -3.000000e+00 : f32
      %parallel_loop3A_471 = vector.broadcast %parallel_loop3A_470 : f32 to vector<16xf32>
      %parallel_loop3A_472 = arith.select %parallel_loop3A_469, %parallel_loop3A_462, %parallel_loop3A_471 : vector<16xi1>, vector<16xf32>
      %parallel_loop3A_473 = arith.maximumf %parallel_loop3A_436, %parallel_loop3A_472 : vector<16xf32>
      scf.yield %parallel_loop3A_443, %parallel_loop3A_446, %parallel_loop3A_473 : vector<16xf32>, vector<16xf32>, vector<16xf32>
    } {sc.loop_unroll_factor = 8 : i64, sc.parallel_access}
    %reduce_max3A_101 = arith.constant true
    %reduce_max3A_102 = vector.broadcast %reduce_max3A_101 : i1 to vector<16xi1>
    %reduce_max3A_103 = tpu.scan <max>, %parallel_loop3A_100#2 masked %reduce_max3A_102 : vector<16xf32>, vector<16xi1> -> vector<16xf32>
    %reduce_max3A_104 = vector.extract %reduce_max3A_103[15] : f32 from vector<16xf32>
    %sub3A_105 = arith.constant 3.05175781E-5 : f32
    %sub3A_106 = arith.subf %reduce_max3A_52, %sub3A_105 : f32
    %max3A_107 = arith.maximumf %sub3A_53, %reduce_max3A_104 : f32
    %min3A = arith.minimumf %sub3A_106, %max3A_107 : f32
    %broadcast_in_dim3A_108 = vector.broadcast %min3A : f32 to vector<16xf32>
    %dma_wait3A_109 = arith.constant 0 : i32
    %dma_wait3A_110 = tpu.memref_slice %arg2[%add3A_16, %dma_wait3A_109] : memref<128x32768xf32, #tpu.memory_space<hbm>> -> memref<1x32768xf32, #tpu.memory_space<hbm>>
    %dma_wait3A_111 = tpu.memref_squeeze %dma_wait3A_110 : memref<1x32768xf32, #tpu.memory_space<hbm>> -> memref<32768xf32, #tpu.memory_space<hbm>>
    %dma_wait3A_112 = arith.constant 0 : i32
    %dma_wait3A_113 = tpu.memref_slice %arg2[%add3A_16, %dma_wait3A_112] : memref<128x32768xf32, #tpu.memory_space<hbm>> -> memref<1x32768xf32, #tpu.memory_space<hbm>>
    %dma_wait3A_114 = tpu.memref_squeeze %dma_wait3A_113 : memref<1x32768xf32, #tpu.memory_space<hbm>> -> memref<32768xf32, #tpu.memory_space<hbm>>
    tpu.wait_dma2 semaphore(%arg10 : memref<!tpu.dma_semaphore, #tpu.memory_space<semaphore_mem>>) src(%dma_wait3A_114 : memref<32768xf32, #tpu.memory_space<hbm>>) dst(%arg5 : memref<32768xf32, #tpu.memory_space<vmem>>)
    %broadcast_in_dim3A_115 = arith.constant 0xFF800000 : f32
    %broadcast_in_dim3A_116 = vector.broadcast %broadcast_in_dim3A_115 : f32 to vector<16xf32>
    %broadcast_in_dim3A_117 = arith.constant 0xFF800000 : f32
    %broadcast_in_dim3A_118 = vector.broadcast %broadcast_in_dim3A_117 : f32 to vector<16xf32>
    %broadcast_in_dim3A_119 = arith.constant 0xFF800000 : f32
    %broadcast_in_dim3A_120 = vector.broadcast %broadcast_in_dim3A_119 : f32 to vector<16xf32>
    %broadcast_in_dim3A_121 = arith.constant 0xFF800000 : f32
    %broadcast_in_dim3A_122 = vector.broadcast %broadcast_in_dim3A_121 : f32 to vector<16xf32>
    %parallel_loop3A_123 = arith.constant 0 : i32
    %parallel_loop3A_124 = arith.constant 2048 : i32
    %parallel_loop3A_125 = arith.constant 4 : i32
    %parallel_loop3A_126:4 = scf.for %parallel_loop3A_433 = %parallel_loop3A_123 to %parallel_loop3A_124 step %parallel_loop3A_125 iter_args(%parallel_loop3A_434 = %broadcast_in_dim3A_116, %parallel_loop3A_435 = %broadcast_in_dim3A_118, %parallel_loop3A_436 = %broadcast_in_dim3A_120, %parallel_loop3A_437 = %broadcast_in_dim3A_122) -> (vector<16xf32>, vector<16xf32>, vector<16xf32>, vector<16xf32>)  : i32 {
      %parallel_loop3A_438 = arith.constant 0 : i32
      %parallel_loop3A_439 = arith.addi %parallel_loop3A_433, %parallel_loop3A_438 : i32
      %parallel_loop3A_440 = arith.constant 16 : i32
      %parallel_loop3A_441 = arith.muli %parallel_loop3A_439, %parallel_loop3A_440 : i32
      %parallel_loop3A_442 = arith.index_cast %parallel_loop3A_441 : i32 to index
      %parallel_loop3A_443 = tpu.vector_load %arg4[%parallel_loop3A_442] {strides = array<i32>} : memref<32768xf32, #tpu.memory_space<vmem>>, vector<16xf32>,
      %parallel_loop3A_444 = arith.subf %parallel_loop3A_443, %broadcast_in_dim3A_108 : vector<16xf32>
      %parallel_loop3A_445 = arith.maximumf %parallel_loop3A_444, %broadcast_in_dim3A_1 : vector<16xf32>
      %parallel_loop3A_446 = arith.index_cast %parallel_loop3A_441 : i32 to index
      %parallel_loop3A_447 = tpu.vector_load %arg4[%parallel_loop3A_446] {strides = array<i32>} : memref<32768xf32, #tpu.memory_space<vmem>>, vector<16xf32>,
      tpu.vector_store %arg4[%parallel_loop3A_446], %parallel_loop3A_445 {strides = array<i32>} : memref<32768xf32, #tpu.memory_space<vmem>>, vector<16xf32>,
      %parallel_loop3A_448 = arith.index_cast %parallel_loop3A_441 : i32 to index
      %parallel_loop3A_449 = tpu.vector_load %arg5[%parallel_loop3A_448] {strides = array<i32>} : memref<32768xf32, #tpu.memory_space<vmem>>, vector<16xf32>,
      %parallel_loop3A_450 = arith.maximumf %parallel_loop3A_434, %parallel_loop3A_449 : vector<16xf32>
      %parallel_loop3A_451 = arith.constant 1 : i32
      %parallel_loop3A_452 = arith.addi %parallel_loop3A_433, %parallel_loop3A_451 : i32
      %parallel_loop3A_453 = arith.constant 16 : i32
      %parallel_loop3A_454 = arith.muli %parallel_loop3A_452, %parallel_loop3A_453 : i32
      %parallel_loop3A_455 = arith.index_cast %parallel_loop3A_454 : i32 to index
      %parallel_loop3A_456 = tpu.vector_load %arg4[%parallel_loop3A_455] {strides = array<i32>} : memref<32768xf32, #tpu.memory_space<vmem>>, vector<16xf32>,
      %parallel_loop3A_457 = arith.subf %parallel_loop3A_456, %broadcast_in_dim3A_108 : vector<16xf32>
      %parallel_loop3A_458 = arith.maximumf %parallel_loop3A_457, %broadcast_in_dim3A_1 : vector<16xf32>
      %parallel_loop3A_459 = arith.index_cast %parallel_loop3A_454 : i32 to index
      %parallel_loop3A_460 = tpu.vector_load %arg4[%parallel_loop3A_459] {strides = array<i32>} : memref<32768xf32, #tpu.memory_space<vmem>>, vector<16xf32>,
      tpu.vector_store %arg4[%parallel_loop3A_459], %parallel_loop3A_458 {strides = array<i32>} : memref<32768xf32, #tpu.memory_space<vmem>>, vector<16xf32>,
      %parallel_loop3A_461 = arith.index_cast %parallel_loop3A_454 : i32 to index
      %parallel_loop3A_462 = tpu.vector_load %arg5[%parallel_loop3A_461] {strides = array<i32>} : memref<32768xf32, #tpu.memory_space<vmem>>, vector<16xf32>,
      %parallel_loop3A_463 = arith.maximumf %parallel_loop3A_435, %parallel_loop3A_462 : vector<16xf32>
      %parallel_loop3A_464 = arith.constant 2 : i32
      %parallel_loop3A_465 = arith.addi %parallel_loop3A_433, %parallel_loop3A_464 : i32
      %parallel_loop3A_466 = arith.constant 16 : i32
      %parallel_loop3A_467 = arith.muli %parallel_loop3A_465, %parallel_loop3A_466 : i32
      %parallel_loop3A_468 = arith.index_cast %parallel_loop3A_467 : i32 to index
      %parallel_loop3A_469 = tpu.vector_load %arg4[%parallel_loop3A_468] {strides = array<i32>} : memref<32768xf32, #tpu.memory_space<vmem>>, vector<16xf32>,
      %parallel_loop3A_470 = arith.subf %parallel_loop3A_469, %broadcast_in_dim3A_108 : vector<16xf32>
      %parallel_loop3A_471 = arith.maximumf %parallel_loop3A_470, %broadcast_in_dim3A_1 : vector<16xf32>
      %parallel_loop3A_472 = arith.index_cast %parallel_loop3A_467 : i32 to index
      %parallel_loop3A_473 = tpu.vector_load %arg4[%parallel_loop3A_472] {strides = array<i32>} : memref<32768xf32, #tpu.memory_space<vmem>>, vector<16xf32>,
      tpu.vector_store %arg4[%parallel_loop3A_472], %parallel_loop3A_471 {strides = array<i32>} : memref<32768xf32, #tpu.memory_space<vmem>>, vector<16xf32>,
      %parallel_loop3A_474 = arith.index_cast %parallel_loop3A_467 : i32 to index
      %parallel_loop3A_475 = tpu.vector_load %arg5[%parallel_loop3A_474] {strides = array<i32>} : memref<32768xf32, #tpu.memory_space<vmem>>, vector<16xf32>,
      %parallel_loop3A_476 = arith.maximumf %parallel_loop3A_436, %parallel_loop3A_475 : vector<16xf32>
      %parallel_loop3A_477 = arith.constant 3 : i32
      %parallel_loop3A_478 = arith.addi %parallel_loop3A_433, %parallel_loop3A_477 : i32
      %parallel_loop3A_479 = arith.constant 16 : i32
      %parallel_loop3A_480 = arith.muli %parallel_loop3A_478, %parallel_loop3A_479 : i32
      %parallel_loop3A_481 = arith.index_cast %parallel_loop3A_480 : i32 to index
      %parallel_loop3A_482 = tpu.vector_load %arg4[%parallel_loop3A_481] {strides = array<i32>} : memref<32768xf32, #tpu.memory_space<vmem>>, vector<16xf32>,
      %parallel_loop3A_483 = arith.subf %parallel_loop3A_482, %broadcast_in_dim3A_108 : vector<16xf32>
      %parallel_loop3A_484 = arith.maximumf %parallel_loop3A_483, %broadcast_in_dim3A_1 : vector<16xf32>
      %parallel_loop3A_485 = arith.index_cast %parallel_loop3A_480 : i32 to index
      %parallel_loop3A_486 = tpu.vector_load %arg4[%parallel_loop3A_485] {strides = array<i32>} : memref<32768xf32, #tpu.memory_space<vmem>>, vector<16xf32>,
      tpu.vector_store %arg4[%parallel_loop3A_485], %parallel_loop3A_484 {strides = array<i32>} : memref<32768xf32, #tpu.memory_space<vmem>>, vector<16xf32>,
      %parallel_loop3A_487 = arith.index_cast %parallel_loop3A_480 : i32 to index
      %parallel_loop3A_488 = tpu.vector_load %arg5[%parallel_loop3A_487] {strides = array<i32>} : memref<32768xf32, #tpu.memory_space<vmem>>, vector<16xf32>,
      %parallel_loop3A_489 = arith.maximumf %parallel_loop3A_437, %parallel_loop3A_488 : vector<16xf32>
      scf.yield %parallel_loop3A_450, %parallel_loop3A_463, %parallel_loop3A_476, %parallel_loop3A_489 : vector<16xf32>, vector<16xf32>, vector<16xf32>, vector<16xf32>
    } {sc.loop_unroll_factor = 2 : i64, sc.parallel_access}
    %max3A_127 = arith.maximumf %parallel_loop3A_126#0, %parallel_loop3A_126#1 : vector<16xf32>
    %max3A_128 = arith.maximumf %max3A_127, %parallel_loop3A_126#2 : vector<16xf32>
    %max3A_129 = arith.maximumf %max3A_128, %parallel_loop3A_126#3 : vector<16xf32>
    %add3A_130 = arith.constant 0 : i32
    %add3A_131 = arith.addi %mul3A_7, %add3A_130 : i32
    %dma_start3A_132 = arith.constant 0 : i32
    %dma_start3A_133 = tpu.memref_slice %arg3[%add3A_131, %dma_start3A_132] : memref<128x32768xf32, #tpu.memory_space<hbm>> -> memref<1x32768xf32, #tpu.memory_space<hbm>>
    %dma_start3A_134 = tpu.memref_squeeze %dma_start3A_133 : memref<1x32768xf32, #tpu.memory_space<hbm>> -> memref<32768xf32, #tpu.memory_space<hbm>>
    %dma_start3A_135 = arith.constant 0 : i32
    %dma_start3A_136 = tpu.memref_slice %arg3[%add3A_131, %dma_start3A_135] : memref<128x32768xf32, #tpu.memory_space<hbm>> -> memref<1x32768xf32, #tpu.memory_space<hbm>>
    %dma_start3A_137 = tpu.memref_squeeze %dma_start3A_136 : memref<1x32768xf32, #tpu.memory_space<hbm>> -> memref<32768xf32, #tpu.memory_space<hbm>>
    tpu.enqueue_dma source(%arg4 : memref<32768xf32, #tpu.memory_space<vmem>>) target(%dma_start3A_137 : memref<32768xf32, #tpu.memory_space<hbm>>) target_semaphore(%arg12 : memref<!tpu.dma_semaphore, #tpu.memory_space<semaphore_mem>>)
    %reduce_max3A_138 = arith.constant true
    %reduce_max3A_139 = vector.broadcast %reduce_max3A_138 : i1 to vector<16xi1>
    %reduce_max3A_140 = tpu.scan <max>, %max3A_129 masked %reduce_max3A_139 : vector<16xf32>, vector<16xi1> -> vector<16xf32>
    %reduce_max3A_141 = vector.extract %reduce_max3A_140[15] : f32 from vector<16xf32>
    %sub3A_142 = arith.constant 1.000000e+00 : f32
    %sub3A_143 = arith.subf %reduce_max3A_141, %sub3A_142 : f32
    %broadcast_in_dim3A_144 = vector.broadcast %sub3A_143 : f32 to vector<16xf32>
    %broadcast_in_dim3A_145 = arith.constant 1.023750e+03 : f32
    %broadcast_in_dim3A_146 = vector.broadcast %broadcast_in_dim3A_145 : f32 to vector<16xf32>
    %parallel_loop3A_147 = arith.constant 0 : i32
    %parallel_loop3A_148 = arith.constant 2048 : i32
    %parallel_loop3A_149 = arith.constant 1 : i32
    scf.for %parallel_loop3A_433 = %parallel_loop3A_147 to %parallel_loop3A_148 step %parallel_loop3A_149  : i32 {
      %parallel_loop3A_434 = arith.constant 16 : i32
      %parallel_loop3A_435 = arith.muli %parallel_loop3A_433, %parallel_loop3A_434 : i32
      %parallel_loop3A_436 = arith.index_cast %parallel_loop3A_435 : i32 to index
      %parallel_loop3A_437 = tpu.vector_load %arg5[%parallel_loop3A_436] {strides = array<i32>} : memref<32768xf32, #tpu.memory_space<vmem>>, vector<16xf32>,
      %parallel_loop3A_438 = arith.subf %parallel_loop3A_437, %broadcast_in_dim3A_144 : vector<16xf32>
      %parallel_loop3A_439 = arith.mulf %parallel_loop3A_438, %broadcast_in_dim3A_146 : vector<16xf32>
      %parallel_loop3A_440 = arith.fptosi %parallel_loop3A_439 : vector<16xf32> to vector<16xi32>
      %parallel_loop3A_441 = arith.constant 4 : i32
      %parallel_loop3A_442 = vector.broadcast %parallel_loop3A_441 : i32 to vector<16xi32>
      %parallel_loop3A_443 = arith.shli %parallel_loop3A_440, %parallel_loop3A_442 : vector<16xi32>
      %parallel_loop3A_444 = arith.constant 6 : i32
      %parallel_loop3A_445 = vector.broadcast %parallel_loop3A_444 : i32 to vector<16xi32>
      %parallel_loop3A_446 = arith.shrsi %parallel_loop3A_440, %parallel_loop3A_445 : vector<16xi32>
      %parallel_loop3A_447 = arith.ori %parallel_loop3A_443, %parallel_loop3A_446 : vector<16xi32>
      %parallel_loop3A_448 = arith.constant 1023 : i32
      %parallel_loop3A_449 = vector.broadcast %parallel_loop3A_448 : i32 to vector<16xi32>
      %parallel_loop3A_450 = arith.andi %parallel_loop3A_447, %parallel_loop3A_449 : vector<16xi32>
      %parallel_loop3A_451 = arith.cmpf oge, %parallel_loop3A_437, %broadcast_in_dim3A_144 : vector<16xf32>
      tpu.vector_store_idx %arg7[%parallel_loop3A_450], %broadcast_in_dim3A_3 masked %parallel_loop3A_451 {add = true} : memref<1024xf32, #tpu.memory_space<vmem>>[vector<16xi32>], vector<16xf32>, vector<16xi1>
      tpu.vector_store_idx %arg8[%parallel_loop3A_450], %parallel_loop3A_437 masked %parallel_loop3A_451 {add = true} : memref<1024xf32, #tpu.memory_space<vmem>>[vector<16xi32>], vector<16xf32>, vector<16xi1>
    } {sc.loop_unroll_factor = 16 : i64, sc.parallel_access}
    %mul3A_150 = arith.constant 0.0625152662 : f32
    %mul3A_151 = vector.broadcast %mul3A_150 : f32 to vector<16xf32>
    %mul3A_152 = arith.mulf %convert_element_type3A, %mul3A_151 : vector<16xf32>
    %add3A_153 = arith.addf %broadcast_in_dim3A_144, %mul3A_152 : vector<16xf32>
    %parallel_loop3A_154 = arith.constant 0 : i32
    %parallel_loop3A_155 = arith.constant 64 : i32
    %parallel_loop3A_156 = arith.constant 1 : i32
    %parallel_loop3A_157:2 = scf.for %parallel_loop3A_433 = %parallel_loop3A_154 to %parallel_loop3A_155 step %parallel_loop3A_156 iter_args(%parallel_loop3A_434 = %broadcast_in_dim3A_1, %parallel_loop3A_435 = %broadcast_in_dim3A_1) -> (vector<16xf32>, vector<16xf32>)  : i32 {
      %parallel_loop3A_436 = arith.constant 16 : i32
      %parallel_loop3A_437 = arith.muli %parallel_loop3A_433, %parallel_loop3A_436 : i32
      %parallel_loop3A_438 = arith.index_cast %parallel_loop3A_437 : i32 to index
      %parallel_loop3A_439 = tpu.vector_load %arg7[%parallel_loop3A_438] {strides = array<i32>} : memref<1024xf32, #tpu.memory_space<vmem>>, vector<16xf32>,
      %parallel_loop3A_440 = arith.addf %parallel_loop3A_434, %parallel_loop3A_439 : vector<16xf32>
      %parallel_loop3A_441 = arith.index_cast %parallel_loop3A_437 : i32 to index
      %parallel_loop3A_442 = tpu.vector_load %arg8[%parallel_loop3A_441] {strides = array<i32>} : memref<1024xf32, #tpu.memory_space<vmem>>, vector<16xf32>,
      %parallel_loop3A_443 = arith.addf %parallel_loop3A_435, %parallel_loop3A_442 : vector<16xf32>
      scf.yield %parallel_loop3A_440, %parallel_loop3A_443 : vector<16xf32>, vector<16xf32>
    } {sc.loop_unroll_factor = 8 : i64, sc.parallel_access}
    %rev3A_158 = arith.constant 15 : i32
    %rev3A_159 = vector.broadcast %rev3A_158 : i32 to vector<16xi32>
    %rev3A_160 = tpu.iota {dimensions = array<i32: 0>} : vector<16xi32>
    %rev3A_161 = arith.subi %rev3A_159, %rev3A_160 : vector<16xi32>
    %rev3A_162 = tpu.dynamic_gather %parallel_loop3A_157#0[%rev3A_161] in [0] : vector<16xf32>, vector<16xi32> -> vector<16xf32>
    %broadcast_in_dim3A_163 = arith.constant true
    %broadcast_in_dim3A_164 = vector.broadcast %broadcast_in_dim3A_163 : i1 to vector<16xi1>
    %masked_cumsum3A_165 = tpu.scan <sum>, %rev3A_162 masked %broadcast_in_dim3A_164 : vector<16xf32>, vector<16xi1> -> vector<16xf32>
    %rev3A_166 = arith.constant 15 : i32
    %rev3A_167 = vector.broadcast %rev3A_166 : i32 to vector<16xi32>
    %rev3A_168 = tpu.iota {dimensions = array<i32: 0>} : vector<16xi32>
    %rev3A_169 = arith.subi %rev3A_167, %rev3A_168 : vector<16xi32>
    %rev3A_170 = tpu.dynamic_gather %masked_cumsum3A_165[%rev3A_169] in [0] : vector<16xf32>, vector<16xi32> -> vector<16xf32>
    %sub3A_171 = arith.subf %rev3A_170, %parallel_loop3A_157#0 : vector<16xf32>
    %rev3A_172 = arith.constant 15 : i32
    %rev3A_173 = vector.broadcast %rev3A_172 : i32 to vector<16xi32>
    %rev3A_174 = tpu.iota {dimensions = array<i32: 0>} : vector<16xi32>
    %rev3A_175 = arith.subi %rev3A_173, %rev3A_174 : vector<16xi32>
    %rev3A_176 = tpu.dynamic_gather %parallel_loop3A_157#1[%rev3A_175] in [0] : vector<16xf32>, vector<16xi32> -> vector<16xf32>
    %broadcast_in_dim3A_177 = arith.constant true
    %broadcast_in_dim3A_178 = vector.broadcast %broadcast_in_dim3A_177 : i1 to vector<16xi1>
    %masked_cumsum3A_179 = tpu.scan <sum>, %rev3A_176 masked %broadcast_in_dim3A_178 : vector<16xf32>, vector<16xi1> -> vector<16xf32>
    %rev3A_180 = arith.constant 15 : i32
    %rev3A_181 = vector.broadcast %rev3A_180 : i32 to vector<16xi32>
    %rev3A_182 = tpu.iota {dimensions = array<i32: 0>} : vector<16xi32>
    %rev3A_183 = arith.subi %rev3A_181, %rev3A_182 : vector<16xi32>
    %rev3A_184 = tpu.dynamic_gather %masked_cumsum3A_179[%rev3A_183] in [0] : vector<16xf32>, vector<16xi32> -> vector<16xf32>
    %sub3A_185 = arith.subf %rev3A_184, %parallel_loop3A_157#1 : vector<16xf32>
    %broadcast_in_dim3A_186 = arith.constant -3.000000e+00 : f32
    %broadcast_in_dim3A_187 = vector.broadcast %broadcast_in_dim3A_186 : f32 to vector<16xf32>
    %parallel_loop3A_188 = arith.constant 0 : i32
    %parallel_loop3A_189 = arith.constant 64 : i32
    %parallel_loop3A_190 = arith.constant 1 : i32
    %parallel_loop3A_191 = arith.constant 9.768010e-04 : f32
    %parallel_loop3A_192:3 = scf.for %parallel_loop3A_433 = %parallel_loop3A_188 to %parallel_loop3A_189 step %parallel_loop3A_190 iter_args(%parallel_loop3A_434 = %sub3A_171, %parallel_loop3A_435 = %sub3A_185, %parallel_loop3A_436 = %broadcast_in_dim3A_187) -> (vector<16xf32>, vector<16xf32>, vector<16xf32>)  : i32 {
      %parallel_loop3A_437 = arith.constant 63 : i32
      %parallel_loop3A_438 = arith.subi %parallel_loop3A_437, %parallel_loop3A_433 : i32
      %parallel_loop3A_439 = arith.constant 16 : i32
      %parallel_loop3A_440 = arith.muli %parallel_loop3A_438, %parallel_loop3A_439 : i32
      %parallel_loop3A_441 = arith.index_cast %parallel_loop3A_440 : i32 to index
      %parallel_loop3A_442 = tpu.vector_load %arg7[%parallel_loop3A_441] {strides = array<i32>} : memref<1024xf32, #tpu.memory_space<vmem>>, vector<16xf32>,
      %parallel_loop3A_443 = arith.addf %parallel_loop3A_434, %parallel_loop3A_442 : vector<16xf32>
      %parallel_loop3A_444 = arith.index_cast %parallel_loop3A_440 : i32 to index
      %parallel_loop3A_445 = tpu.vector_load %arg8[%parallel_loop3A_444] {strides = array<i32>} : memref<1024xf32, #tpu.memory_space<vmem>>, vector<16xf32>,
      %parallel_loop3A_446 = arith.addf %parallel_loop3A_435, %parallel_loop3A_445 : vector<16xf32>
      %parallel_loop3A_447 = arith.sitofp %parallel_loop3A_438 : i32 to f32
      %parallel_loop3A_448 = arith.mulf %parallel_loop3A_447, %parallel_loop3A_191 : f32
      %parallel_loop3A_449 = vector.broadcast %parallel_loop3A_448 : f32 to vector<16xf32>
      %parallel_loop3A_450 = arith.addf %add3A_153, %parallel_loop3A_449 : vector<16xf32>
      %parallel_loop3A_451 = arith.mulf %parallel_loop3A_450, %parallel_loop3A_443 : vector<16xf32>
      %parallel_loop3A_452 = arith.subf %parallel_loop3A_446, %parallel_loop3A_451 : vector<16xf32>
      %parallel_loop3A_453 = arith.constant 1.000000e+00 : f32
      %parallel_loop3A_454 = vector.broadcast %parallel_loop3A_453 : f32 to vector<16xf32>
      %parallel_loop3A_455 = arith.subf %parallel_loop3A_452, %parallel_loop3A_454 : vector<16xf32>
      %parallel_loop3A_456 = arith.constant 1.000000e+00 : f32
      %parallel_loop3A_457 = vector.broadcast %parallel_loop3A_456 : f32 to vector<16xf32>
      %parallel_loop3A_458 = arith.subf %parallel_loop3A_446, %parallel_loop3A_457 : vector<16xf32>
      %parallel_loop3A_459 = arith.constant 1.000000e-30 : f32
      %parallel_loop3A_460 = vector.broadcast %parallel_loop3A_459 : f32 to vector<16xf32>
      %parallel_loop3A_461 = arith.maximumf %parallel_loop3A_443, %parallel_loop3A_460 : vector<16xf32>
      %parallel_loop3A_462 = arith.divf %parallel_loop3A_458, %parallel_loop3A_461 : vector<16xf32>
      %parallel_loop3A_463 = arith.index_cast %parallel_loop3A_440 : i32 to index
      %parallel_loop3A_464 = tpu.vector_load %arg7[%parallel_loop3A_463] {strides = array<i32>} : memref<1024xf32, #tpu.memory_space<vmem>>, vector<16xf32>,
      tpu.vector_store %arg7[%parallel_loop3A_463], %broadcast_in_dim3A_1 {strides = array<i32>} : memref<1024xf32, #tpu.memory_space<vmem>>, vector<16xf32>,
      %parallel_loop3A_465 = arith.index_cast %parallel_loop3A_440 : i32 to index
      %parallel_loop3A_466 = tpu.vector_load %arg8[%parallel_loop3A_465] {strides = array<i32>} : memref<1024xf32, #tpu.memory_space<vmem>>, vector<16xf32>,
      tpu.vector_store %arg8[%parallel_loop3A_465], %broadcast_in_dim3A_1 {strides = array<i32>} : memref<1024xf32, #tpu.memory_space<vmem>>, vector<16xf32>,
      %parallel_loop3A_467 = arith.constant 0.000000e+00 : f32
      %parallel_loop3A_468 = vector.broadcast %parallel_loop3A_467 : f32 to vector<16xf32>
      %parallel_loop3A_469 = arith.cmpf oge, %parallel_loop3A_455, %parallel_loop3A_468 : vector<16xf32>
      %parallel_loop3A_470 = arith.constant -3.000000e+00 : f32
      %parallel_loop3A_471 = vector.broadcast %parallel_loop3A_470 : f32 to vector<16xf32>
      %parallel_loop3A_472 = arith.select %parallel_loop3A_469, %parallel_loop3A_462, %parallel_loop3A_471 : vector<16xi1>, vector<16xf32>
      %parallel_loop3A_473 = arith.maximumf %parallel_loop3A_436, %parallel_loop3A_472 : vector<16xf32>
      scf.yield %parallel_loop3A_443, %parallel_loop3A_446, %parallel_loop3A_473 : vector<16xf32>, vector<16xf32>, vector<16xf32>
    } {sc.loop_unroll_factor = 8 : i64, sc.parallel_access}
    %reduce_max3A_193 = arith.constant true
    %reduce_max3A_194 = vector.broadcast %reduce_max3A_193 : i1 to vector<16xi1>
    %reduce_max3A_195 = tpu.scan <max>, %parallel_loop3A_192#2 masked %reduce_max3A_194 : vector<16xf32>, vector<16xi1> -> vector<16xf32>
    %reduce_max3A_196 = vector.extract %reduce_max3A_195[15] : f32 from vector<16xf32>
    %sub3A_197 = arith.constant 3.05175781E-5 : f32
    %sub3A_198 = arith.subf %reduce_max3A_141, %sub3A_197 : f32
    %max3A_199 = arith.maximumf %sub3A_143, %reduce_max3A_196 : f32
    %min3A_200 = arith.minimumf %sub3A_198, %max3A_199 : f32
    %broadcast_in_dim3A_201 = vector.broadcast %min3A_200 : f32 to vector<16xf32>
    %dma_wait3A_202 = arith.constant 0 : i32
    %dma_wait3A_203 = tpu.memref_slice %arg2[%add3A_24, %dma_wait3A_202] : memref<128x32768xf32, #tpu.memory_space<hbm>> -> memref<1x32768xf32, #tpu.memory_space<hbm>>
    %dma_wait3A_204 = tpu.memref_squeeze %dma_wait3A_203 : memref<1x32768xf32, #tpu.memory_space<hbm>> -> memref<32768xf32, #tpu.memory_space<hbm>>
    %dma_wait3A_205 = arith.constant 0 : i32
    %dma_wait3A_206 = tpu.memref_slice %arg2[%add3A_24, %dma_wait3A_205] : memref<128x32768xf32, #tpu.memory_space<hbm>> -> memref<1x32768xf32, #tpu.memory_space<hbm>>
    %dma_wait3A_207 = tpu.memref_squeeze %dma_wait3A_206 : memref<1x32768xf32, #tpu.memory_space<hbm>> -> memref<32768xf32, #tpu.memory_space<hbm>>
    tpu.wait_dma2 semaphore(%arg11 : memref<!tpu.dma_semaphore, #tpu.memory_space<semaphore_mem>>) src(%dma_wait3A_207 : memref<32768xf32, #tpu.memory_space<hbm>>) dst(%arg6 : memref<32768xf32, #tpu.memory_space<vmem>>)
    %broadcast_in_dim3A_208 = arith.constant 0xFF800000 : f32
    %broadcast_in_dim3A_209 = vector.broadcast %broadcast_in_dim3A_208 : f32 to vector<16xf32>
    %broadcast_in_dim3A_210 = arith.constant 0xFF800000 : f32
    %broadcast_in_dim3A_211 = vector.broadcast %broadcast_in_dim3A_210 : f32 to vector<16xf32>
    %broadcast_in_dim3A_212 = arith.constant 0xFF800000 : f32
    %broadcast_in_dim3A_213 = vector.broadcast %broadcast_in_dim3A_212 : f32 to vector<16xf32>
    %broadcast_in_dim3A_214 = arith.constant 0xFF800000 : f32
    %broadcast_in_dim3A_215 = vector.broadcast %broadcast_in_dim3A_214 : f32 to vector<16xf32>
    %parallel_loop3A_216 = arith.constant 0 : i32
    %parallel_loop3A_217 = arith.constant 2048 : i32
    %parallel_loop3A_218 = arith.constant 4 : i32
    %parallel_loop3A_219:4 = scf.for %parallel_loop3A_433 = %parallel_loop3A_216 to %parallel_loop3A_217 step %parallel_loop3A_218 iter_args(%parallel_loop3A_434 = %broadcast_in_dim3A_209, %parallel_loop3A_435 = %broadcast_in_dim3A_211, %parallel_loop3A_436 = %broadcast_in_dim3A_213, %parallel_loop3A_437 = %broadcast_in_dim3A_215) -> (vector<16xf32>, vector<16xf32>, vector<16xf32>, vector<16xf32>)  : i32 {
      %parallel_loop3A_438 = arith.constant 0 : i32
      %parallel_loop3A_439 = arith.addi %parallel_loop3A_433, %parallel_loop3A_438 : i32
      %parallel_loop3A_440 = arith.constant 16 : i32
      %parallel_loop3A_441 = arith.muli %parallel_loop3A_439, %parallel_loop3A_440 : i32
      %parallel_loop3A_442 = arith.index_cast %parallel_loop3A_441 : i32 to index
      %parallel_loop3A_443 = tpu.vector_load %arg5[%parallel_loop3A_442] {strides = array<i32>} : memref<32768xf32, #tpu.memory_space<vmem>>, vector<16xf32>,
      %parallel_loop3A_444 = arith.subf %parallel_loop3A_443, %broadcast_in_dim3A_201 : vector<16xf32>
      %parallel_loop3A_445 = arith.maximumf %parallel_loop3A_444, %broadcast_in_dim3A_1 : vector<16xf32>
      %parallel_loop3A_446 = arith.index_cast %parallel_loop3A_441 : i32 to index
      %parallel_loop3A_447 = tpu.vector_load %arg5[%parallel_loop3A_446] {strides = array<i32>} : memref<32768xf32, #tpu.memory_space<vmem>>, vector<16xf32>,
      tpu.vector_store %arg5[%parallel_loop3A_446], %parallel_loop3A_445 {strides = array<i32>} : memref<32768xf32, #tpu.memory_space<vmem>>, vector<16xf32>,
      %parallel_loop3A_448 = arith.index_cast %parallel_loop3A_441 : i32 to index
      %parallel_loop3A_449 = tpu.vector_load %arg6[%parallel_loop3A_448] {strides = array<i32>} : memref<32768xf32, #tpu.memory_space<vmem>>, vector<16xf32>,
      %parallel_loop3A_450 = arith.maximumf %parallel_loop3A_434, %parallel_loop3A_449 : vector<16xf32>
      %parallel_loop3A_451 = arith.constant 1 : i32
      %parallel_loop3A_452 = arith.addi %parallel_loop3A_433, %parallel_loop3A_451 : i32
      %parallel_loop3A_453 = arith.constant 16 : i32
      %parallel_loop3A_454 = arith.muli %parallel_loop3A_452, %parallel_loop3A_453 : i32
      %parallel_loop3A_455 = arith.index_cast %parallel_loop3A_454 : i32 to index
      %parallel_loop3A_456 = tpu.vector_load %arg5[%parallel_loop3A_455] {strides = array<i32>} : memref<32768xf32, #tpu.memory_space<vmem>>, vector<16xf32>,
      %parallel_loop3A_457 = arith.subf %parallel_loop3A_456, %broadcast_in_dim3A_201 : vector<16xf32>
      %parallel_loop3A_458 = arith.maximumf %parallel_loop3A_457, %broadcast_in_dim3A_1 : vector<16xf32>
      %parallel_loop3A_459 = arith.index_cast %parallel_loop3A_454 : i32 to index
      %parallel_loop3A_460 = tpu.vector_load %arg5[%parallel_loop3A_459] {strides = array<i32>} : memref<32768xf32, #tpu.memory_space<vmem>>, vector<16xf32>,
      tpu.vector_store %arg5[%parallel_loop3A_459], %parallel_loop3A_458 {strides = array<i32>} : memref<32768xf32, #tpu.memory_space<vmem>>, vector<16xf32>,
      %parallel_loop3A_461 = arith.index_cast %parallel_loop3A_454 : i32 to index
      %parallel_loop3A_462 = tpu.vector_load %arg6[%parallel_loop3A_461] {strides = array<i32>} : memref<32768xf32, #tpu.memory_space<vmem>>, vector<16xf32>,
      %parallel_loop3A_463 = arith.maximumf %parallel_loop3A_435, %parallel_loop3A_462 : vector<16xf32>
      %parallel_loop3A_464 = arith.constant 2 : i32
      %parallel_loop3A_465 = arith.addi %parallel_loop3A_433, %parallel_loop3A_464 : i32
      %parallel_loop3A_466 = arith.constant 16 : i32
      %parallel_loop3A_467 = arith.muli %parallel_loop3A_465, %parallel_loop3A_466 : i32
      %parallel_loop3A_468 = arith.index_cast %parallel_loop3A_467 : i32 to index
      %parallel_loop3A_469 = tpu.vector_load %arg5[%parallel_loop3A_468] {strides = array<i32>} : memref<32768xf32, #tpu.memory_space<vmem>>, vector<16xf32>,
      %parallel_loop3A_470 = arith.subf %parallel_loop3A_469, %broadcast_in_dim3A_201 : vector<16xf32>
      %parallel_loop3A_471 = arith.maximumf %parallel_loop3A_470, %broadcast_in_dim3A_1 : vector<16xf32>
      %parallel_loop3A_472 = arith.index_cast %parallel_loop3A_467 : i32 to index
      %parallel_loop3A_473 = tpu.vector_load %arg5[%parallel_loop3A_472] {strides = array<i32>} : memref<32768xf32, #tpu.memory_space<vmem>>, vector<16xf32>,
      tpu.vector_store %arg5[%parallel_loop3A_472], %parallel_loop3A_471 {strides = array<i32>} : memref<32768xf32, #tpu.memory_space<vmem>>, vector<16xf32>,
      %parallel_loop3A_474 = arith.index_cast %parallel_loop3A_467 : i32 to index
      %parallel_loop3A_475 = tpu.vector_load %arg6[%parallel_loop3A_474] {strides = array<i32>} : memref<32768xf32, #tpu.memory_space<vmem>>, vector<16xf32>,
      %parallel_loop3A_476 = arith.maximumf %parallel_loop3A_436, %parallel_loop3A_475 : vector<16xf32>
      %parallel_loop3A_477 = arith.constant 3 : i32
      %parallel_loop3A_478 = arith.addi %parallel_loop3A_433, %parallel_loop3A_477 : i32
      %parallel_loop3A_479 = arith.constant 16 : i32
      %parallel_loop3A_480 = arith.muli %parallel_loop3A_478, %parallel_loop3A_479 : i32
      %parallel_loop3A_481 = arith.index_cast %parallel_loop3A_480 : i32 to index
      %parallel_loop3A_482 = tpu.vector_load %arg5[%parallel_loop3A_481] {strides = array<i32>} : memref<32768xf32, #tpu.memory_space<vmem>>, vector<16xf32>,
      %parallel_loop3A_483 = arith.subf %parallel_loop3A_482, %broadcast_in_dim3A_201 : vector<16xf32>
      %parallel_loop3A_484 = arith.maximumf %parallel_loop3A_483, %broadcast_in_dim3A_1 : vector<16xf32>
      %parallel_loop3A_485 = arith.index_cast %parallel_loop3A_480 : i32 to index
      %parallel_loop3A_486 = tpu.vector_load %arg5[%parallel_loop3A_485] {strides = array<i32>} : memref<32768xf32, #tpu.memory_space<vmem>>, vector<16xf32>,
      tpu.vector_store %arg5[%parallel_loop3A_485], %parallel_loop3A_484 {strides = array<i32>} : memref<32768xf32, #tpu.memory_space<vmem>>, vector<16xf32>,
      %parallel_loop3A_487 = arith.index_cast %parallel_loop3A_480 : i32 to index
      %parallel_loop3A_488 = tpu.vector_load %arg6[%parallel_loop3A_487] {strides = array<i32>} : memref<32768xf32, #tpu.memory_space<vmem>>, vector<16xf32>,
      %parallel_loop3A_489 = arith.maximumf %parallel_loop3A_437, %parallel_loop3A_488 : vector<16xf32>
      scf.yield %parallel_loop3A_450, %parallel_loop3A_463, %parallel_loop3A_476, %parallel_loop3A_489 : vector<16xf32>, vector<16xf32>, vector<16xf32>, vector<16xf32>
    } {sc.loop_unroll_factor = 2 : i64, sc.parallel_access}
    %max3A_220 = arith.maximumf %parallel_loop3A_219#0, %parallel_loop3A_219#1 : vector<16xf32>
    %max3A_221 = arith.maximumf %max3A_220, %parallel_loop3A_219#2 : vector<16xf32>
    %max3A_222 = arith.maximumf %max3A_221, %parallel_loop3A_219#3 : vector<16xf32>
    %add3A_223 = arith.constant 1 : i32
    %add3A_224 = arith.addi %mul3A_7, %add3A_223 : i32
    %dma_start3A_225 = arith.constant 0 : i32
    %dma_start3A_226 = tpu.memref_slice %arg3[%add3A_224, %dma_start3A_225] : memref<128x32768xf32, #tpu.memory_space<hbm>> -> memref<1x32768xf32, #tpu.memory_space<hbm>>
    %dma_start3A_227 = tpu.memref_squeeze %dma_start3A_226 : memref<1x32768xf32, #tpu.memory_space<hbm>> -> memref<32768xf32, #tpu.memory_space<hbm>>
    %dma_start3A_228 = arith.constant 0 : i32
    %dma_start3A_229 = tpu.memref_slice %arg3[%add3A_224, %dma_start3A_228] : memref<128x32768xf32, #tpu.memory_space<hbm>> -> memref<1x32768xf32, #tpu.memory_space<hbm>>
    %dma_start3A_230 = tpu.memref_squeeze %dma_start3A_229 : memref<1x32768xf32, #tpu.memory_space<hbm>> -> memref<32768xf32, #tpu.memory_space<hbm>>
    tpu.enqueue_dma source(%arg5 : memref<32768xf32, #tpu.memory_space<vmem>>) target(%dma_start3A_230 : memref<32768xf32, #tpu.memory_space<hbm>>) target_semaphore(%arg13 : memref<!tpu.dma_semaphore, #tpu.memory_space<semaphore_mem>>)
    %dma_wait3A_231 = arith.constant 0 : i32
    %dma_wait3A_232 = tpu.memref_slice %arg3[%add3A_131, %dma_wait3A_231] : memref<128x32768xf32, #tpu.memory_space<hbm>> -> memref<1x32768xf32, #tpu.memory_space<hbm>>
    %dma_wait3A_233 = tpu.memref_squeeze %dma_wait3A_232 : memref<1x32768xf32, #tpu.memory_space<hbm>> -> memref<32768xf32, #tpu.memory_space<hbm>>
    %dma_wait3A_234 = arith.constant 0 : i32
    %dma_wait3A_235 = tpu.memref_slice %arg3[%add3A_131, %dma_wait3A_234] : memref<128x32768xf32, #tpu.memory_space<hbm>> -> memref<1x32768xf32, #tpu.memory_space<hbm>>
    %dma_wait3A_236 = tpu.memref_squeeze %dma_wait3A_235 : memref<1x32768xf32, #tpu.memory_space<hbm>> -> memref<32768xf32, #tpu.memory_space<hbm>>
    tpu.wait_dma2 semaphore(%arg12 : memref<!tpu.dma_semaphore, #tpu.memory_space<semaphore_mem>>) src(%arg4 : memref<32768xf32, #tpu.memory_space<vmem>>) dst(%dma_wait3A_236 : memref<32768xf32, #tpu.memory_space<hbm>>)
    %add3A_237 = arith.constant 2 : i32
    %add3A_238 = arith.addi %mul3A_7, %add3A_237 : i32
    %add3A_239 = arith.constant 1 : i32
    %add3A_240 = arith.addi %add3A_238, %add3A_239 : i32
    %dma_start3A_241 = arith.constant 0 : i32
    %dma_start3A_242 = tpu.memref_slice %arg2[%add3A_240, %dma_start3A_241] : memref<128x32768xf32, #tpu.memory_space<hbm>> -> memref<1x32768xf32, #tpu.memory_space<hbm>>
    %dma_start3A_243 = tpu.memref_squeeze %dma_start3A_242 : memref<1x32768xf32, #tpu.memory_space<hbm>> -> memref<32768xf32, #tpu.memory_space<hbm>>
    %dma_start3A_244 = arith.constant 0 : i32
    %dma_start3A_245 = tpu.memref_slice %arg2[%add3A_240, %dma_start3A_244] : memref<128x32768xf32, #tpu.memory_space<hbm>> -> memref<1x32768xf32, #tpu.memory_space<hbm>>
    %dma_start3A_246 = tpu.memref_squeeze %dma_start3A_245 : memref<1x32768xf32, #tpu.memory_space<hbm>> -> memref<32768xf32, #tpu.memory_space<hbm>>
    tpu.enqueue_dma source(%dma_start3A_246 : memref<32768xf32, #tpu.memory_space<hbm>>) target(%arg4 : memref<32768xf32, #tpu.memory_space<vmem>>) target_semaphore(%arg9 : memref<!tpu.dma_semaphore, #tpu.memory_space<semaphore_mem>>)
    %reduce_max3A_247 = arith.constant true
    %reduce_max3A_248 = vector.broadcast %reduce_max3A_247 : i1 to vector<16xi1>
    %reduce_max3A_249 = tpu.scan <max>, %max3A_222 masked %reduce_max3A_248 : vector<16xf32>, vector<16xi1> -> vector<16xf32>
    %reduce_max3A_250 = vector.extract %reduce_max3A_249[15] : f32 from vector<16xf32>
    %sub3A_251 = arith.constant 1.000000e+00 : f32
    %sub3A_252 = arith.subf %reduce_max3A_250, %sub3A_251 : f32
    %broadcast_in_dim3A_253 = vector.broadcast %sub3A_252 : f32 to vector<16xf32>
    %broadcast_in_dim3A_254 = arith.constant 1.023750e+03 : f32
    %broadcast_in_dim3A_255 = vector.broadcast %broadcast_in_dim3A_254 : f32 to vector<16xf32>
    %parallel_loop3A_256 = arith.constant 0 : i32
    %parallel_loop3A_257 = arith.constant 2048 : i32
    %parallel_loop3A_258 = arith.constant 1 : i32
    scf.for %parallel_loop3A_433 = %parallel_loop3A_256 to %parallel_loop3A_257 step %parallel_loop3A_258  : i32 {
      %parallel_loop3A_434 = arith.constant 16 : i32
      %parallel_loop3A_435 = arith.muli %parallel_loop3A_433, %parallel_loop3A_434 : i32
      %parallel_loop3A_436 = arith.index_cast %parallel_loop3A_435 : i32 to index
      %parallel_loop3A_437 = tpu.vector_load %arg6[%parallel_loop3A_436] {strides = array<i32>} : memref<32768xf32, #tpu.memory_space<vmem>>, vector<16xf32>,
      %parallel_loop3A_438 = arith.subf %parallel_loop3A_437, %broadcast_in_dim3A_253 : vector<16xf32>
      %parallel_loop3A_439 = arith.mulf %parallel_loop3A_438, %broadcast_in_dim3A_255 : vector<16xf32>
      %parallel_loop3A_440 = arith.fptosi %parallel_loop3A_439 : vector<16xf32> to vector<16xi32>
      %parallel_loop3A_441 = arith.constant 4 : i32
      %parallel_loop3A_442 = vector.broadcast %parallel_loop3A_441 : i32 to vector<16xi32>
      %parallel_loop3A_443 = arith.shli %parallel_loop3A_440, %parallel_loop3A_442 : vector<16xi32>
      %parallel_loop3A_444 = arith.constant 6 : i32
      %parallel_loop3A_445 = vector.broadcast %parallel_loop3A_444 : i32 to vector<16xi32>
      %parallel_loop3A_446 = arith.shrsi %parallel_loop3A_440, %parallel_loop3A_445 : vector<16xi32>
      %parallel_loop3A_447 = arith.ori %parallel_loop3A_443, %parallel_loop3A_446 : vector<16xi32>
      %parallel_loop3A_448 = arith.constant 1023 : i32
      %parallel_loop3A_449 = vector.broadcast %parallel_loop3A_448 : i32 to vector<16xi32>
      %parallel_loop3A_450 = arith.andi %parallel_loop3A_447, %parallel_loop3A_449 : vector<16xi32>
      %parallel_loop3A_451 = arith.cmpf oge, %parallel_loop3A_437, %broadcast_in_dim3A_253 : vector<16xf32>
      tpu.vector_store_idx %arg7[%parallel_loop3A_450], %broadcast_in_dim3A_3 masked %parallel_loop3A_451 {add = true} : memref<1024xf32, #tpu.memory_space<vmem>>[vector<16xi32>], vector<16xf32>, vector<16xi1>
      tpu.vector_store_idx %arg8[%parallel_loop3A_450], %parallel_loop3A_437 masked %parallel_loop3A_451 {add = true} : memref<1024xf32, #tpu.memory_space<vmem>>[vector<16xi32>], vector<16xf32>, vector<16xi1>
    } {sc.loop_unroll_factor = 16 : i64, sc.parallel_access}
    %mul3A_259 = arith.constant 0.0625152662 : f32
    %mul3A_260 = vector.broadcast %mul3A_259 : f32 to vector<16xf32>
    %mul3A_261 = arith.mulf %convert_element_type3A, %mul3A_260 : vector<16xf32>
    %add3A_262 = arith.addf %broadcast_in_dim3A_253, %mul3A_261 : vector<16xf32>
    %parallel_loop3A_263 = arith.constant 0 : i32
    %parallel_loop3A_264 = arith.constant 64 : i32
    %parallel_loop3A_265 = arith.constant 1 : i32
    %parallel_loop3A_266:2 = scf.for %parallel_loop3A_433 = %parallel_loop3A_263 to %parallel_loop3A_264 step %parallel_loop3A_265 iter_args(%parallel_loop3A_434 = %broadcast_in_dim3A_1, %parallel_loop3A_435 = %broadcast_in_dim3A_1) -> (vector<16xf32>, vector<16xf32>)  : i32 {
      %parallel_loop3A_436 = arith.constant 16 : i32
      %parallel_loop3A_437 = arith.muli %parallel_loop3A_433, %parallel_loop3A_436 : i32
      %parallel_loop3A_438 = arith.index_cast %parallel_loop3A_437 : i32 to index
      %parallel_loop3A_439 = tpu.vector_load %arg7[%parallel_loop3A_438] {strides = array<i32>} : memref<1024xf32, #tpu.memory_space<vmem>>, vector<16xf32>,
      %parallel_loop3A_440 = arith.addf %parallel_loop3A_434, %parallel_loop3A_439 : vector<16xf32>
      %parallel_loop3A_441 = arith.index_cast %parallel_loop3A_437 : i32 to index
      %parallel_loop3A_442 = tpu.vector_load %arg8[%parallel_loop3A_441] {strides = array<i32>} : memref<1024xf32, #tpu.memory_space<vmem>>, vector<16xf32>,
      %parallel_loop3A_443 = arith.addf %parallel_loop3A_435, %parallel_loop3A_442 : vector<16xf32>
      scf.yield %parallel_loop3A_440, %parallel_loop3A_443 : vector<16xf32>, vector<16xf32>
    } {sc.loop_unroll_factor = 8 : i64, sc.parallel_access}
    %rev3A_267 = arith.constant 15 : i32
    %rev3A_268 = vector.broadcast %rev3A_267 : i32 to vector<16xi32>
    %rev3A_269 = tpu.iota {dimensions = array<i32: 0>} : vector<16xi32>
    %rev3A_270 = arith.subi %rev3A_268, %rev3A_269 : vector<16xi32>
    %rev3A_271 = tpu.dynamic_gather %parallel_loop3A_266#0[%rev3A_270] in [0] : vector<16xf32>, vector<16xi32> -> vector<16xf32>
    %broadcast_in_dim3A_272 = arith.constant true
    %broadcast_in_dim3A_273 = vector.broadcast %broadcast_in_dim3A_272 : i1 to vector<16xi1>
    %masked_cumsum3A_274 = tpu.scan <sum>, %rev3A_271 masked %broadcast_in_dim3A_273 : vector<16xf32>, vector<16xi1> -> vector<16xf32>
    %rev3A_275 = arith.constant 15 : i32
    %rev3A_276 = vector.broadcast %rev3A_275 : i32 to vector<16xi32>
    %rev3A_277 = tpu.iota {dimensions = array<i32: 0>} : vector<16xi32>
    %rev3A_278 = arith.subi %rev3A_276, %rev3A_277 : vector<16xi32>
    %rev3A_279 = tpu.dynamic_gather %masked_cumsum3A_274[%rev3A_278] in [0] : vector<16xf32>, vector<16xi32> -> vector<16xf32>
    %sub3A_280 = arith.subf %rev3A_279, %parallel_loop3A_266#0 : vector<16xf32>
    %rev3A_281 = arith.constant 15 : i32
    %rev3A_282 = vector.broadcast %rev3A_281 : i32 to vector<16xi32>
    %rev3A_283 = tpu.iota {dimensions = array<i32: 0>} : vector<16xi32>
    %rev3A_284 = arith.subi %rev3A_282, %rev3A_283 : vector<16xi32>
    %rev3A_285 = tpu.dynamic_gather %parallel_loop3A_266#1[%rev3A_284] in [0] : vector<16xf32>, vector<16xi32> -> vector<16xf32>
    %broadcast_in_dim3A_286 = arith.constant true
    %broadcast_in_dim3A_287 = vector.broadcast %broadcast_in_dim3A_286 : i1 to vector<16xi1>
    %masked_cumsum3A_288 = tpu.scan <sum>, %rev3A_285 masked %broadcast_in_dim3A_287 : vector<16xf32>, vector<16xi1> -> vector<16xf32>
    %rev3A_289 = arith.constant 15 : i32
    %rev3A_290 = vector.broadcast %rev3A_289 : i32 to vector<16xi32>
    %rev3A_291 = tpu.iota {dimensions = array<i32: 0>} : vector<16xi32>
    %rev3A_292 = arith.subi %rev3A_290, %rev3A_291 : vector<16xi32>
    %rev3A_293 = tpu.dynamic_gather %masked_cumsum3A_288[%rev3A_292] in [0] : vector<16xf32>, vector<16xi32> -> vector<16xf32>
    %sub3A_294 = arith.subf %rev3A_293, %parallel_loop3A_266#1 : vector<16xf32>
    %broadcast_in_dim3A_295 = arith.constant -3.000000e+00 : f32
    %broadcast_in_dim3A_296 = vector.broadcast %broadcast_in_dim3A_295 : f32 to vector<16xf32>
    %parallel_loop3A_297 = arith.constant 0 : i32
    %parallel_loop3A_298 = arith.constant 64 : i32
    %parallel_loop3A_299 = arith.constant 1 : i32
    %parallel_loop3A_300 = arith.constant 9.768010e-04 : f32
    %parallel_loop3A_301:3 = scf.for %parallel_loop3A_433 = %parallel_loop3A_297 to %parallel_loop3A_298 step %parallel_loop3A_299 iter_args(%parallel_loop3A_434 = %sub3A_280, %parallel_loop3A_435 = %sub3A_294, %parallel_loop3A_436 = %broadcast_in_dim3A_296) -> (vector<16xf32>, vector<16xf32>, vector<16xf32>)  : i32 {
      %parallel_loop3A_437 = arith.constant 63 : i32
      %parallel_loop3A_438 = arith.subi %parallel_loop3A_437, %parallel_loop3A_433 : i32
      %parallel_loop3A_439 = arith.constant 16 : i32
      %parallel_loop3A_440 = arith.muli %parallel_loop3A_438, %parallel_loop3A_439 : i32
      %parallel_loop3A_441 = arith.index_cast %parallel_loop3A_440 : i32 to index
      %parallel_loop3A_442 = tpu.vector_load %arg7[%parallel_loop3A_441] {strides = array<i32>} : memref<1024xf32, #tpu.memory_space<vmem>>, vector<16xf32>,
      %parallel_loop3A_443 = arith.addf %parallel_loop3A_434, %parallel_loop3A_442 : vector<16xf32>
      %parallel_loop3A_444 = arith.index_cast %parallel_loop3A_440 : i32 to index
      %parallel_loop3A_445 = tpu.vector_load %arg8[%parallel_loop3A_444] {strides = array<i32>} : memref<1024xf32, #tpu.memory_space<vmem>>, vector<16xf32>,
      %parallel_loop3A_446 = arith.addf %parallel_loop3A_435, %parallel_loop3A_445 : vector<16xf32>
      %parallel_loop3A_447 = arith.sitofp %parallel_loop3A_438 : i32 to f32
      %parallel_loop3A_448 = arith.mulf %parallel_loop3A_447, %parallel_loop3A_300 : f32
      %parallel_loop3A_449 = vector.broadcast %parallel_loop3A_448 : f32 to vector<16xf32>
      %parallel_loop3A_450 = arith.addf %add3A_262, %parallel_loop3A_449 : vector<16xf32>
      %parallel_loop3A_451 = arith.mulf %parallel_loop3A_450, %parallel_loop3A_443 : vector<16xf32>
      %parallel_loop3A_452 = arith.subf %parallel_loop3A_446, %parallel_loop3A_451 : vector<16xf32>
      %parallel_loop3A_453 = arith.constant 1.000000e+00 : f32
      %parallel_loop3A_454 = vector.broadcast %parallel_loop3A_453 : f32 to vector<16xf32>
      %parallel_loop3A_455 = arith.subf %parallel_loop3A_452, %parallel_loop3A_454 : vector<16xf32>
      %parallel_loop3A_456 = arith.constant 1.000000e+00 : f32
      %parallel_loop3A_457 = vector.broadcast %parallel_loop3A_456 : f32 to vector<16xf32>
      %parallel_loop3A_458 = arith.subf %parallel_loop3A_446, %parallel_loop3A_457 : vector<16xf32>
      %parallel_loop3A_459 = arith.constant 1.000000e-30 : f32
      %parallel_loop3A_460 = vector.broadcast %parallel_loop3A_459 : f32 to vector<16xf32>
      %parallel_loop3A_461 = arith.maximumf %parallel_loop3A_443, %parallel_loop3A_460 : vector<16xf32>
      %parallel_loop3A_462 = arith.divf %parallel_loop3A_458, %parallel_loop3A_461 : vector<16xf32>
      %parallel_loop3A_463 = arith.index_cast %parallel_loop3A_440 : i32 to index
      %parallel_loop3A_464 = tpu.vector_load %arg7[%parallel_loop3A_463] {strides = array<i32>} : memref<1024xf32, #tpu.memory_space<vmem>>, vector<16xf32>,
      tpu.vector_store %arg7[%parallel_loop3A_463], %broadcast_in_dim3A_1 {strides = array<i32>} : memref<1024xf32, #tpu.memory_space<vmem>>, vector<16xf32>,
      %parallel_loop3A_465 = arith.index_cast %parallel_loop3A_440 : i32 to index
      %parallel_loop3A_466 = tpu.vector_load %arg8[%parallel_loop3A_465] {strides = array<i32>} : memref<1024xf32, #tpu.memory_space<vmem>>, vector<16xf32>,
      tpu.vector_store %arg8[%parallel_loop3A_465], %broadcast_in_dim3A_1 {strides = array<i32>} : memref<1024xf32, #tpu.memory_space<vmem>>, vector<16xf32>,
      %parallel_loop3A_467 = arith.constant 0.000000e+00 : f32
      %parallel_loop3A_468 = vector.broadcast %parallel_loop3A_467 : f32 to vector<16xf32>
      %parallel_loop3A_469 = arith.cmpf oge, %parallel_loop3A_455, %parallel_loop3A_468 : vector<16xf32>
      %parallel_loop3A_470 = arith.constant -3.000000e+00 : f32
      %parallel_loop3A_471 = vector.broadcast %parallel_loop3A_470 : f32 to vector<16xf32>
      %parallel_loop3A_472 = arith.select %parallel_loop3A_469, %parallel_loop3A_462, %parallel_loop3A_471 : vector<16xi1>, vector<16xf32>
      %parallel_loop3A_473 = arith.maximumf %parallel_loop3A_436, %parallel_loop3A_472 : vector<16xf32>
      scf.yield %parallel_loop3A_443, %parallel_loop3A_446, %parallel_loop3A_473 : vector<16xf32>, vector<16xf32>, vector<16xf32>
    } {sc.loop_unroll_factor = 8 : i64, sc.parallel_access}
    %reduce_max3A_302 = arith.constant true
    %reduce_max3A_303 = vector.broadcast %reduce_max3A_302 : i1 to vector<16xi1>
    %reduce_max3A_304 = tpu.scan <max>, %parallel_loop3A_301#2 masked %reduce_max3A_303 : vector<16xf32>, vector<16xi1> -> vector<16xf32>
    %reduce_max3A_305 = vector.extract %reduce_max3A_304[15] : f32 from vector<16xf32>
    %sub3A_306 = arith.constant 3.05175781E-5 : f32
    %sub3A_307 = arith.subf %reduce_max3A_250, %sub3A_306 : f32
    %max3A_308 = arith.maximumf %sub3A_252, %reduce_max3A_305 : f32
    %min3A_309 = arith.minimumf %sub3A_307, %max3A_308 : f32
    %broadcast_in_dim3A_310 = vector.broadcast %min3A_309 : f32 to vector<16xf32>
    %dma_wait3A_311 = arith.constant 0 : i32
    %dma_wait3A_312 = tpu.memref_slice %arg2[%add3A_240, %dma_wait3A_311] : memref<128x32768xf32, #tpu.memory_space<hbm>> -> memref<1x32768xf32, #tpu.memory_space<hbm>>
    %dma_wait3A_313 = tpu.memref_squeeze %dma_wait3A_312 : memref<1x32768xf32, #tpu.memory_space<hbm>> -> memref<32768xf32, #tpu.memory_space<hbm>>
    %dma_wait3A_314 = arith.constant 0 : i32
    %dma_wait3A_315 = tpu.memref_slice %arg2[%add3A_240, %dma_wait3A_314] : memref<128x32768xf32, #tpu.memory_space<hbm>> -> memref<1x32768xf32, #tpu.memory_space<hbm>>
    %dma_wait3A_316 = tpu.memref_squeeze %dma_wait3A_315 : memref<1x32768xf32, #tpu.memory_space<hbm>> -> memref<32768xf32, #tpu.memory_space<hbm>>
    tpu.wait_dma2 semaphore(%arg9 : memref<!tpu.dma_semaphore, #tpu.memory_space<semaphore_mem>>) src(%dma_wait3A_316 : memref<32768xf32, #tpu.memory_space<hbm>>) dst(%arg4 : memref<32768xf32, #tpu.memory_space<vmem>>)
    %broadcast_in_dim3A_317 = arith.constant 0xFF800000 : f32
    %broadcast_in_dim3A_318 = vector.broadcast %broadcast_in_dim3A_317 : f32 to vector<16xf32>
    %broadcast_in_dim3A_319 = arith.constant 0xFF800000 : f32
    %broadcast_in_dim3A_320 = vector.broadcast %broadcast_in_dim3A_319 : f32 to vector<16xf32>
    %broadcast_in_dim3A_321 = arith.constant 0xFF800000 : f32
    %broadcast_in_dim3A_322 = vector.broadcast %broadcast_in_dim3A_321 : f32 to vector<16xf32>
    %broadcast_in_dim3A_323 = arith.constant 0xFF800000 : f32
    %broadcast_in_dim3A_324 = vector.broadcast %broadcast_in_dim3A_323 : f32 to vector<16xf32>
    %parallel_loop3A_325 = arith.constant 0 : i32
    %parallel_loop3A_326 = arith.constant 2048 : i32
    %parallel_loop3A_327 = arith.constant 4 : i32
    %parallel_loop3A_328:4 = scf.for %parallel_loop3A_433 = %parallel_loop3A_325 to %parallel_loop3A_326 step %parallel_loop3A_327 iter_args(%parallel_loop3A_434 = %broadcast_in_dim3A_318, %parallel_loop3A_435 = %broadcast_in_dim3A_320, %parallel_loop3A_436 = %broadcast_in_dim3A_322, %parallel_loop3A_437 = %broadcast_in_dim3A_324) -> (vector<16xf32>, vector<16xf32>, vector<16xf32>, vector<16xf32>)  : i32 {
      %parallel_loop3A_438 = arith.constant 0 : i32
      %parallel_loop3A_439 = arith.addi %parallel_loop3A_433, %parallel_loop3A_438 : i32
      %parallel_loop3A_440 = arith.constant 16 : i32
      %parallel_loop3A_441 = arith.muli %parallel_loop3A_439, %parallel_loop3A_440 : i32
      %parallel_loop3A_442 = arith.index_cast %parallel_loop3A_441 : i32 to index
      %parallel_loop3A_443 = tpu.vector_load %arg6[%parallel_loop3A_442] {strides = array<i32>} : memref<32768xf32, #tpu.memory_space<vmem>>, vector<16xf32>,
      %parallel_loop3A_444 = arith.subf %parallel_loop3A_443, %broadcast_in_dim3A_310 : vector<16xf32>
      %parallel_loop3A_445 = arith.maximumf %parallel_loop3A_444, %broadcast_in_dim3A_1 : vector<16xf32>
      %parallel_loop3A_446 = arith.index_cast %parallel_loop3A_441 : i32 to index
      %parallel_loop3A_447 = tpu.vector_load %arg6[%parallel_loop3A_446] {strides = array<i32>} : memref<32768xf32, #tpu.memory_space<vmem>>, vector<16xf32>,
      tpu.vector_store %arg6[%parallel_loop3A_446], %parallel_loop3A_445 {strides = array<i32>} : memref<32768xf32, #tpu.memory_space<vmem>>, vector<16xf32>,
      %parallel_loop3A_448 = arith.index_cast %parallel_loop3A_441 : i32 to index
      %parallel_loop3A_449 = tpu.vector_load %arg4[%parallel_loop3A_448] {strides = array<i32>} : memref<32768xf32, #tpu.memory_space<vmem>>, vector<16xf32>,
      %parallel_loop3A_450 = arith.maximumf %parallel_loop3A_434, %parallel_loop3A_449 : vector<16xf32>
      %parallel_loop3A_451 = arith.constant 1 : i32
      %parallel_loop3A_452 = arith.addi %parallel_loop3A_433, %parallel_loop3A_451 : i32
      %parallel_loop3A_453 = arith.constant 16 : i32
      %parallel_loop3A_454 = arith.muli %parallel_loop3A_452, %parallel_loop3A_453 : i32
      %parallel_loop3A_455 = arith.index_cast %parallel_loop3A_454 : i32 to index
      %parallel_loop3A_456 = tpu.vector_load %arg6[%parallel_loop3A_455] {strides = array<i32>} : memref<32768xf32, #tpu.memory_space<vmem>>, vector<16xf32>,
      %parallel_loop3A_457 = arith.subf %parallel_loop3A_456, %broadcast_in_dim3A_310 : vector<16xf32>
      %parallel_loop3A_458 = arith.maximumf %parallel_loop3A_457, %broadcast_in_dim3A_1 : vector<16xf32>
      %parallel_loop3A_459 = arith.index_cast %parallel_loop3A_454 : i32 to index
      %parallel_loop3A_460 = tpu.vector_load %arg6[%parallel_loop3A_459] {strides = array<i32>} : memref<32768xf32, #tpu.memory_space<vmem>>, vector<16xf32>,
      tpu.vector_store %arg6[%parallel_loop3A_459], %parallel_loop3A_458 {strides = array<i32>} : memref<32768xf32, #tpu.memory_space<vmem>>, vector<16xf32>,
      %parallel_loop3A_461 = arith.index_cast %parallel_loop3A_454 : i32 to index
      %parallel_loop3A_462 = tpu.vector_load %arg4[%parallel_loop3A_461] {strides = array<i32>} : memref<32768xf32, #tpu.memory_space<vmem>>, vector<16xf32>,
      %parallel_loop3A_463 = arith.maximumf %parallel_loop3A_435, %parallel_loop3A_462 : vector<16xf32>
      %parallel_loop3A_464 = arith.constant 2 : i32
      %parallel_loop3A_465 = arith.addi %parallel_loop3A_433, %parallel_loop3A_464 : i32
      %parallel_loop3A_466 = arith.constant 16 : i32
      %parallel_loop3A_467 = arith.muli %parallel_loop3A_465, %parallel_loop3A_466 : i32
      %parallel_loop3A_468 = arith.index_cast %parallel_loop3A_467 : i32 to index
      %parallel_loop3A_469 = tpu.vector_load %arg6[%parallel_loop3A_468] {strides = array<i32>} : memref<32768xf32, #tpu.memory_space<vmem>>, vector<16xf32>,
      %parallel_loop3A_470 = arith.subf %parallel_loop3A_469, %broadcast_in_dim3A_310 : vector<16xf32>
      %parallel_loop3A_471 = arith.maximumf %parallel_loop3A_470, %broadcast_in_dim3A_1 : vector<16xf32>
      %parallel_loop3A_472 = arith.index_cast %parallel_loop3A_467 : i32 to index
      %parallel_loop3A_473 = tpu.vector_load %arg6[%parallel_loop3A_472] {strides = array<i32>} : memref<32768xf32, #tpu.memory_space<vmem>>, vector<16xf32>,
      tpu.vector_store %arg6[%parallel_loop3A_472], %parallel_loop3A_471 {strides = array<i32>} : memref<32768xf32, #tpu.memory_space<vmem>>, vector<16xf32>,
      %parallel_loop3A_474 = arith.index_cast %parallel_loop3A_467 : i32 to index
      %parallel_loop3A_475 = tpu.vector_load %arg4[%parallel_loop3A_474] {strides = array<i32>} : memref<32768xf32, #tpu.memory_space<vmem>>, vector<16xf32>,
      %parallel_loop3A_476 = arith.maximumf %parallel_loop3A_436, %parallel_loop3A_475 : vector<16xf32>
      %parallel_loop3A_477 = arith.constant 3 : i32
      %parallel_loop3A_478 = arith.addi %parallel_loop3A_433, %parallel_loop3A_477 : i32
      %parallel_loop3A_479 = arith.constant 16 : i32
      %parallel_loop3A_480 = arith.muli %parallel_loop3A_478, %parallel_loop3A_479 : i32
      %parallel_loop3A_481 = arith.index_cast %parallel_loop3A_480 : i32 to index
      %parallel_loop3A_482 = tpu.vector_load %arg6[%parallel_loop3A_481] {strides = array<i32>} : memref<32768xf32, #tpu.memory_space<vmem>>, vector<16xf32>,
      %parallel_loop3A_483 = arith.subf %parallel_loop3A_482, %broadcast_in_dim3A_310 : vector<16xf32>
      %parallel_loop3A_484 = arith.maximumf %parallel_loop3A_483, %broadcast_in_dim3A_1 : vector<16xf32>
      %parallel_loop3A_485 = arith.index_cast %parallel_loop3A_480 : i32 to index
      %parallel_loop3A_486 = tpu.vector_load %arg6[%parallel_loop3A_485] {strides = array<i32>} : memref<32768xf32, #tpu.memory_space<vmem>>, vector<16xf32>,
      tpu.vector_store %arg6[%parallel_loop3A_485], %parallel_loop3A_484 {strides = array<i32>} : memref<32768xf32, #tpu.memory_space<vmem>>, vector<16xf32>,
      %parallel_loop3A_487 = arith.index_cast %parallel_loop3A_480 : i32 to index
      %parallel_loop3A_488 = tpu.vector_load %arg4[%parallel_loop3A_487] {strides = array<i32>} : memref<32768xf32, #tpu.memory_space<vmem>>, vector<16xf32>,
      %parallel_loop3A_489 = arith.maximumf %parallel_loop3A_437, %parallel_loop3A_488 : vector<16xf32>
      scf.yield %parallel_loop3A_450, %parallel_loop3A_463, %parallel_loop3A_476, %parallel_loop3A_489 : vector<16xf32>, vector<16xf32>, vector<16xf32>, vector<16xf32>
    } {sc.loop_unroll_factor = 2 : i64, sc.parallel_access}
    %max3A_329 = arith.maximumf %parallel_loop3A_328#0, %parallel_loop3A_328#1 : vector<16xf32>
    %max3A_330 = arith.maximumf %max3A_329, %parallel_loop3A_328#2 : vector<16xf32>
    %max3A_331 = arith.maximumf %max3A_330, %parallel_loop3A_328#3 : vector<16xf32>
    %add3A_332 = arith.constant 2 : i32
    %add3A_333 = arith.addi %mul3A_7, %add3A_332 : i32
    %dma_start3A_334 = arith.constant 0 : i32
    %dma_start3A_335 = tpu.memref_slice %arg3[%add3A_333, %dma_start3A_334] : memref<128x32768xf32, #tpu.memory_space<hbm>> -> memref<1x32768xf32, #tpu.memory_space<hbm>>
    %dma_start3A_336 = tpu.memref_squeeze %dma_start3A_335 : memref<1x32768xf32, #tpu.memory_space<hbm>> -> memref<32768xf32, #tpu.memory_space<hbm>>
    %dma_start3A_337 = arith.constant 0 : i32
    %dma_start3A_338 = tpu.memref_slice %arg3[%add3A_333, %dma_start3A_337] : memref<128x32768xf32, #tpu.memory_space<hbm>> -> memref<1x32768xf32, #tpu.memory_space<hbm>>
    %dma_start3A_339 = tpu.memref_squeeze %dma_start3A_338 : memref<1x32768xf32, #tpu.memory_space<hbm>> -> memref<32768xf32, #tpu.memory_space<hbm>>
    tpu.enqueue_dma source(%arg6 : memref<32768xf32, #tpu.memory_space<vmem>>) target(%dma_start3A_339 : memref<32768xf32, #tpu.memory_space<hbm>>) target_semaphore(%arg14 : memref<!tpu.dma_semaphore, #tpu.memory_space<semaphore_mem>>)
    %reduce_max3A_340 = arith.constant true
    %reduce_max3A_341 = vector.broadcast %reduce_max3A_340 : i1 to vector<16xi1>
    %reduce_max3A_342 = tpu.scan <max>, %max3A_331 masked %reduce_max3A_341 : vector<16xf32>, vector<16xi1> -> vector<16xf32>
    %reduce_max3A_343 = vector.extract %reduce_max3A_342[15] : f32 from vector<16xf32>
    %sub3A_344 = arith.constant 1.000000e+00 : f32
    %sub3A_345 = arith.subf %reduce_max3A_343, %sub3A_344 : f32
    %broadcast_in_dim3A_346 = vector.broadcast %sub3A_345 : f32 to vector<16xf32>
    %broadcast_in_dim3A_347 = arith.constant 1.023750e+03 : f32
    %broadcast_in_dim3A_348 = vector.broadcast %broadcast_in_dim3A_347 : f32 to vector<16xf32>
    %parallel_loop3A_349 = arith.constant 0 : i32
    %parallel_loop3A_350 = arith.constant 2048 : i32
    %parallel_loop3A_351 = arith.constant 1 : i32
    scf.for %parallel_loop3A_433 = %parallel_loop3A_349 to %parallel_loop3A_350 step %parallel_loop3A_351  : i32 {
      %parallel_loop3A_434 = arith.constant 16 : i32
      %parallel_loop3A_435 = arith.muli %parallel_loop3A_433, %parallel_loop3A_434 : i32
      %parallel_loop3A_436 = arith.index_cast %parallel_loop3A_435 : i32 to index
      %parallel_loop3A_437 = tpu.vector_load %arg4[%parallel_loop3A_436] {strides = array<i32>} : memref<32768xf32, #tpu.memory_space<vmem>>, vector<16xf32>,
      %parallel_loop3A_438 = arith.subf %parallel_loop3A_437, %broadcast_in_dim3A_346 : vector<16xf32>
      %parallel_loop3A_439 = arith.mulf %parallel_loop3A_438, %broadcast_in_dim3A_348 : vector<16xf32>
      %parallel_loop3A_440 = arith.fptosi %parallel_loop3A_439 : vector<16xf32> to vector<16xi32>
      %parallel_loop3A_441 = arith.constant 4 : i32
      %parallel_loop3A_442 = vector.broadcast %parallel_loop3A_441 : i32 to vector<16xi32>
      %parallel_loop3A_443 = arith.shli %parallel_loop3A_440, %parallel_loop3A_442 : vector<16xi32>
      %parallel_loop3A_444 = arith.constant 6 : i32
      %parallel_loop3A_445 = vector.broadcast %parallel_loop3A_444 : i32 to vector<16xi32>
      %parallel_loop3A_446 = arith.shrsi %parallel_loop3A_440, %parallel_loop3A_445 : vector<16xi32>
      %parallel_loop3A_447 = arith.ori %parallel_loop3A_443, %parallel_loop3A_446 : vector<16xi32>
      %parallel_loop3A_448 = arith.constant 1023 : i32
      %parallel_loop3A_449 = vector.broadcast %parallel_loop3A_448 : i32 to vector<16xi32>
      %parallel_loop3A_450 = arith.andi %parallel_loop3A_447, %parallel_loop3A_449 : vector<16xi32>
      %parallel_loop3A_451 = arith.cmpf oge, %parallel_loop3A_437, %broadcast_in_dim3A_346 : vector<16xf32>
      tpu.vector_store_idx %arg7[%parallel_loop3A_450], %broadcast_in_dim3A_3 masked %parallel_loop3A_451 {add = true} : memref<1024xf32, #tpu.memory_space<vmem>>[vector<16xi32>], vector<16xf32>, vector<16xi1>
      tpu.vector_store_idx %arg8[%parallel_loop3A_450], %parallel_loop3A_437 masked %parallel_loop3A_451 {add = true} : memref<1024xf32, #tpu.memory_space<vmem>>[vector<16xi32>], vector<16xf32>, vector<16xi1>
    } {sc.loop_unroll_factor = 16 : i64, sc.parallel_access}
    %mul3A_352 = arith.constant 0.0625152662 : f32
    %mul3A_353 = vector.broadcast %mul3A_352 : f32 to vector<16xf32>
    %mul3A_354 = arith.mulf %convert_element_type3A, %mul3A_353 : vector<16xf32>
    %add3A_355 = arith.addf %broadcast_in_dim3A_346, %mul3A_354 : vector<16xf32>
    %parallel_loop3A_356 = arith.constant 0 : i32
    %parallel_loop3A_357 = arith.constant 64 : i32
    %parallel_loop3A_358 = arith.constant 1 : i32
    %parallel_loop3A_359:2 = scf.for %parallel_loop3A_433 = %parallel_loop3A_356 to %parallel_loop3A_357 step %parallel_loop3A_358 iter_args(%parallel_loop3A_434 = %broadcast_in_dim3A_1, %parallel_loop3A_435 = %broadcast_in_dim3A_1) -> (vector<16xf32>, vector<16xf32>)  : i32 {
      %parallel_loop3A_436 = arith.constant 16 : i32
      %parallel_loop3A_437 = arith.muli %parallel_loop3A_433, %parallel_loop3A_436 : i32
      %parallel_loop3A_438 = arith.index_cast %parallel_loop3A_437 : i32 to index
      %parallel_loop3A_439 = tpu.vector_load %arg7[%parallel_loop3A_438] {strides = array<i32>} : memref<1024xf32, #tpu.memory_space<vmem>>, vector<16xf32>,
      %parallel_loop3A_440 = arith.addf %parallel_loop3A_434, %parallel_loop3A_439 : vector<16xf32>
      %parallel_loop3A_441 = arith.index_cast %parallel_loop3A_437 : i32 to index
      %parallel_loop3A_442 = tpu.vector_load %arg8[%parallel_loop3A_441] {strides = array<i32>} : memref<1024xf32, #tpu.memory_space<vmem>>, vector<16xf32>,
      %parallel_loop3A_443 = arith.addf %parallel_loop3A_435, %parallel_loop3A_442 : vector<16xf32>
      scf.yield %parallel_loop3A_440, %parallel_loop3A_443 : vector<16xf32>, vector<16xf32>
    } {sc.loop_unroll_factor = 8 : i64, sc.parallel_access}
    %rev3A_360 = arith.constant 15 : i32
    %rev3A_361 = vector.broadcast %rev3A_360 : i32 to vector<16xi32>
    %rev3A_362 = tpu.iota {dimensions = array<i32: 0>} : vector<16xi32>
    %rev3A_363 = arith.subi %rev3A_361, %rev3A_362 : vector<16xi32>
    %rev3A_364 = tpu.dynamic_gather %parallel_loop3A_359#0[%rev3A_363] in [0] : vector<16xf32>, vector<16xi32> -> vector<16xf32>
    %broadcast_in_dim3A_365 = arith.constant true
    %broadcast_in_dim3A_366 = vector.broadcast %broadcast_in_dim3A_365 : i1 to vector<16xi1>
    %masked_cumsum3A_367 = tpu.scan <sum>, %rev3A_364 masked %broadcast_in_dim3A_366 : vector<16xf32>, vector<16xi1> -> vector<16xf32>
    %rev3A_368 = arith.constant 15 : i32
    %rev3A_369 = vector.broadcast %rev3A_368 : i32 to vector<16xi32>
    %rev3A_370 = tpu.iota {dimensions = array<i32: 0>} : vector<16xi32>
    %rev3A_371 = arith.subi %rev3A_369, %rev3A_370 : vector<16xi32>
    %rev3A_372 = tpu.dynamic_gather %masked_cumsum3A_367[%rev3A_371] in [0] : vector<16xf32>, vector<16xi32> -> vector<16xf32>
    %sub3A_373 = arith.subf %rev3A_372, %parallel_loop3A_359#0 : vector<16xf32>
    %rev3A_374 = arith.constant 15 : i32
    %rev3A_375 = vector.broadcast %rev3A_374 : i32 to vector<16xi32>
    %rev3A_376 = tpu.iota {dimensions = array<i32: 0>} : vector<16xi32>
    %rev3A_377 = arith.subi %rev3A_375, %rev3A_376 : vector<16xi32>
    %rev3A_378 = tpu.dynamic_gather %parallel_loop3A_359#1[%rev3A_377] in [0] : vector<16xf32>, vector<16xi32> -> vector<16xf32>
    %broadcast_in_dim3A_379 = arith.constant true
    %broadcast_in_dim3A_380 = vector.broadcast %broadcast_in_dim3A_379 : i1 to vector<16xi1>
    %masked_cumsum3A_381 = tpu.scan <sum>, %rev3A_378 masked %broadcast_in_dim3A_380 : vector<16xf32>, vector<16xi1> -> vector<16xf32>
    %rev3A_382 = arith.constant 15 : i32
    %rev3A_383 = vector.broadcast %rev3A_382 : i32 to vector<16xi32>
    %rev3A_384 = tpu.iota {dimensions = array<i32: 0>} : vector<16xi32>
    %rev3A_385 = arith.subi %rev3A_383, %rev3A_384 : vector<16xi32>
    %rev3A_386 = tpu.dynamic_gather %masked_cumsum3A_381[%rev3A_385] in [0] : vector<16xf32>, vector<16xi32> -> vector<16xf32>
    %sub3A_387 = arith.subf %rev3A_386, %parallel_loop3A_359#1 : vector<16xf32>
    %broadcast_in_dim3A_388 = arith.constant -3.000000e+00 : f32
    %broadcast_in_dim3A_389 = vector.broadcast %broadcast_in_dim3A_388 : f32 to vector<16xf32>
    %parallel_loop3A_390 = arith.constant 0 : i32
    %parallel_loop3A_391 = arith.constant 64 : i32
    %parallel_loop3A_392 = arith.constant 1 : i32
    %parallel_loop3A_393 = arith.constant 9.768010e-04 : f32
    %parallel_loop3A_394:3 = scf.for %parallel_loop3A_433 = %parallel_loop3A_390 to %parallel_loop3A_391 step %parallel_loop3A_392 iter_args(%parallel_loop3A_434 = %sub3A_373, %parallel_loop3A_435 = %sub3A_387, %parallel_loop3A_436 = %broadcast_in_dim3A_389) -> (vector<16xf32>, vector<16xf32>, vector<16xf32>)  : i32 {
      %parallel_loop3A_437 = arith.constant 63 : i32
      %parallel_loop3A_438 = arith.subi %parallel_loop3A_437, %parallel_loop3A_433 : i32
      %parallel_loop3A_439 = arith.constant 16 : i32
      %parallel_loop3A_440 = arith.muli %parallel_loop3A_438, %parallel_loop3A_439 : i32
      %parallel_loop3A_441 = arith.index_cast %parallel_loop3A_440 : i32 to index
      %parallel_loop3A_442 = tpu.vector_load %arg7[%parallel_loop3A_441] {strides = array<i32>} : memref<1024xf32, #tpu.memory_space<vmem>>, vector<16xf32>,
      %parallel_loop3A_443 = arith.addf %parallel_loop3A_434, %parallel_loop3A_442 : vector<16xf32>
      %parallel_loop3A_444 = arith.index_cast %parallel_loop3A_440 : i32 to index
      %parallel_loop3A_445 = tpu.vector_load %arg8[%parallel_loop3A_444] {strides = array<i32>} : memref<1024xf32, #tpu.memory_space<vmem>>, vector<16xf32>,
      %parallel_loop3A_446 = arith.addf %parallel_loop3A_435, %parallel_loop3A_445 : vector<16xf32>
      %parallel_loop3A_447 = arith.sitofp %parallel_loop3A_438 : i32 to f32
      %parallel_loop3A_448 = arith.mulf %parallel_loop3A_447, %parallel_loop3A_393 : f32
      %parallel_loop3A_449 = vector.broadcast %parallel_loop3A_448 : f32 to vector<16xf32>
      %parallel_loop3A_450 = arith.addf %add3A_355, %parallel_loop3A_449 : vector<16xf32>
      %parallel_loop3A_451 = arith.mulf %parallel_loop3A_450, %parallel_loop3A_443 : vector<16xf32>
      %parallel_loop3A_452 = arith.subf %parallel_loop3A_446, %parallel_loop3A_451 : vector<16xf32>
      %parallel_loop3A_453 = arith.constant 1.000000e+00 : f32
      %parallel_loop3A_454 = vector.broadcast %parallel_loop3A_453 : f32 to vector<16xf32>
      %parallel_loop3A_455 = arith.subf %parallel_loop3A_452, %parallel_loop3A_454 : vector<16xf32>
      %parallel_loop3A_456 = arith.constant 1.000000e+00 : f32
      %parallel_loop3A_457 = vector.broadcast %parallel_loop3A_456 : f32 to vector<16xf32>
      %parallel_loop3A_458 = arith.subf %parallel_loop3A_446, %parallel_loop3A_457 : vector<16xf32>
      %parallel_loop3A_459 = arith.constant 1.000000e-30 : f32
      %parallel_loop3A_460 = vector.broadcast %parallel_loop3A_459 : f32 to vector<16xf32>
      %parallel_loop3A_461 = arith.maximumf %parallel_loop3A_443, %parallel_loop3A_460 : vector<16xf32>
      %parallel_loop3A_462 = arith.divf %parallel_loop3A_458, %parallel_loop3A_461 : vector<16xf32>
      %parallel_loop3A_463 = arith.index_cast %parallel_loop3A_440 : i32 to index
      %parallel_loop3A_464 = tpu.vector_load %arg7[%parallel_loop3A_463] {strides = array<i32>} : memref<1024xf32, #tpu.memory_space<vmem>>, vector<16xf32>,
      tpu.vector_store %arg7[%parallel_loop3A_463], %broadcast_in_dim3A_1 {strides = array<i32>} : memref<1024xf32, #tpu.memory_space<vmem>>, vector<16xf32>,
      %parallel_loop3A_465 = arith.index_cast %parallel_loop3A_440 : i32 to index
      %parallel_loop3A_466 = tpu.vector_load %arg8[%parallel_loop3A_465] {strides = array<i32>} : memref<1024xf32, #tpu.memory_space<vmem>>, vector<16xf32>,
      tpu.vector_store %arg8[%parallel_loop3A_465], %broadcast_in_dim3A_1 {strides = array<i32>} : memref<1024xf32, #tpu.memory_space<vmem>>, vector<16xf32>,
      %parallel_loop3A_467 = arith.constant 0.000000e+00 : f32
      %parallel_loop3A_468 = vector.broadcast %parallel_loop3A_467 : f32 to vector<16xf32>
      %parallel_loop3A_469 = arith.cmpf oge, %parallel_loop3A_455, %parallel_loop3A_468 : vector<16xf32>
      %parallel_loop3A_470 = arith.constant -3.000000e+00 : f32
      %parallel_loop3A_471 = vector.broadcast %parallel_loop3A_470 : f32 to vector<16xf32>
      %parallel_loop3A_472 = arith.select %parallel_loop3A_469, %parallel_loop3A_462, %parallel_loop3A_471 : vector<16xi1>, vector<16xf32>
      %parallel_loop3A_473 = arith.maximumf %parallel_loop3A_436, %parallel_loop3A_472 : vector<16xf32>
      scf.yield %parallel_loop3A_443, %parallel_loop3A_446, %parallel_loop3A_473 : vector<16xf32>, vector<16xf32>, vector<16xf32>
    } {sc.loop_unroll_factor = 8 : i64, sc.parallel_access}
    %reduce_max3A_395 = arith.constant true
    %reduce_max3A_396 = vector.broadcast %reduce_max3A_395 : i1 to vector<16xi1>
    %reduce_max3A_397 = tpu.scan <max>, %parallel_loop3A_394#2 masked %reduce_max3A_396 : vector<16xf32>, vector<16xi1> -> vector<16xf32>
    %reduce_max3A_398 = vector.extract %reduce_max3A_397[15] : f32 from vector<16xf32>
    %sub3A_399 = arith.constant 3.05175781E-5 : f32
    %sub3A_400 = arith.subf %reduce_max3A_343, %sub3A_399 : f32
    %max3A_401 = arith.maximumf %sub3A_345, %reduce_max3A_398 : f32
    %min3A_402 = arith.minimumf %sub3A_400, %max3A_401 : f32
    %broadcast_in_dim3A_403 = vector.broadcast %min3A_402 : f32 to vector<16xf32>
    %parallel_loop3A_404 = arith.constant 0 : i32
    %parallel_loop3A_405 = arith.constant 2048 : i32
    %parallel_loop3A_406 = arith.constant 1 : i32
    scf.for %parallel_loop3A_433 = %parallel_loop3A_404 to %parallel_loop3A_405 step %parallel_loop3A_406  : i32 {
      %parallel_loop3A_434 = arith.constant 16 : i32
      %parallel_loop3A_435 = arith.muli %parallel_loop3A_433, %parallel_loop3A_434 : i32
      %parallel_loop3A_436 = arith.index_cast %parallel_loop3A_435 : i32 to index
      %parallel_loop3A_437 = tpu.vector_load %arg4[%parallel_loop3A_436] {strides = array<i32>} : memref<32768xf32, #tpu.memory_space<vmem>>, vector<16xf32>,
      %parallel_loop3A_438 = arith.subf %parallel_loop3A_437, %broadcast_in_dim3A_403 : vector<16xf32>
      %parallel_loop3A_439 = arith.maximumf %parallel_loop3A_438, %broadcast_in_dim3A_1 : vector<16xf32>
      %parallel_loop3A_440 = arith.index_cast %parallel_loop3A_435 : i32 to index
      %parallel_loop3A_441 = tpu.vector_load %arg4[%parallel_loop3A_440] {strides = array<i32>} : memref<32768xf32, #tpu.memory_space<vmem>>, vector<16xf32>,
      tpu.vector_store %arg4[%parallel_loop3A_440], %parallel_loop3A_439 {strides = array<i32>} : memref<32768xf32, #tpu.memory_space<vmem>>, vector<16xf32>,
    } {sc.loop_unroll_factor = 8 : i64, sc.parallel_access}
    %add3A_407 = arith.constant 3 : i32
    %add3A_408 = arith.addi %mul3A_7, %add3A_407 : i32
    %dma_start3A_409 = arith.constant 0 : i32
    %dma_start3A_410 = tpu.memref_slice %arg3[%add3A_408, %dma_start3A_409] : memref<128x32768xf32, #tpu.memory_space<hbm>> -> memref<1x32768xf32, #tpu.memory_space<hbm>>
    %dma_start3A_411 = tpu.memref_squeeze %dma_start3A_410 : memref<1x32768xf32, #tpu.memory_space<hbm>> -> memref<32768xf32, #tpu.memory_space<hbm>>
    %dma_start3A_412 = arith.constant 0 : i32
    %dma_start3A_413 = tpu.memref_slice %arg3[%add3A_408, %dma_start3A_412] : memref<128x32768xf32, #tpu.memory_space<hbm>> -> memref<1x32768xf32, #tpu.memory_space<hbm>>
    %dma_start3A_414 = tpu.memref_squeeze %dma_start3A_413 : memref<1x32768xf32, #tpu.memory_space<hbm>> -> memref<32768xf32, #tpu.memory_space<hbm>>
    tpu.enqueue_dma source(%arg4 : memref<32768xf32, #tpu.memory_space<vmem>>) target(%dma_start3A_414 : memref<32768xf32, #tpu.memory_space<hbm>>) target_semaphore(%arg12 : memref<!tpu.dma_semaphore, #tpu.memory_space<semaphore_mem>>)
    %dma_wait3A_415 = arith.constant 0 : i32
    %dma_wait3A_416 = tpu.memref_slice %arg3[%add3A_224, %dma_wait3A_415] : memref<128x32768xf32, #tpu.memory_space<hbm>> -> memref<1x32768xf32, #tpu.memory_space<hbm>>
    %dma_wait3A_417 = tpu.memref_squeeze %dma_wait3A_416 : memref<1x32768xf32, #tpu.memory_space<hbm>> -> memref<32768xf32, #tpu.memory_space<hbm>>
    %dma_wait3A_418 = arith.constant 0 : i32
    %dma_wait3A_419 = tpu.memref_slice %arg3[%add3A_224, %dma_wait3A_418] : memref<128x32768xf32, #tpu.memory_space<hbm>> -> memref<1x32768xf32, #tpu.memory_space<hbm>>
    %dma_wait3A_420 = tpu.memref_squeeze %dma_wait3A_419 : memref<1x32768xf32, #tpu.memory_space<hbm>> -> memref<32768xf32, #tpu.memory_space<hbm>>
    tpu.wait_dma2 semaphore(%arg13 : memref<!tpu.dma_semaphore, #tpu.memory_space<semaphore_mem>>) src(%arg5 : memref<32768xf32, #tpu.memory_space<vmem>>) dst(%dma_wait3A_420 : memref<32768xf32, #tpu.memory_space<hbm>>)
    %dma_wait3A_421 = arith.constant 0 : i32
    %dma_wait3A_422 = tpu.memref_slice %arg3[%add3A_333, %dma_wait3A_421] : memref<128x32768xf32, #tpu.memory_space<hbm>> -> memref<1x32768xf32, #tpu.memory_space<hbm>>
    %dma_wait3A_423 = tpu.memref_squeeze %dma_wait3A_422 : memref<1x32768xf32, #tpu.memory_space<hbm>> -> memref<32768xf32, #tpu.memory_space<hbm>>
    %dma_wait3A_424 = arith.constant 0 : i32
    %dma_wait3A_425 = tpu.memref_slice %arg3[%add3A_333, %dma_wait3A_424] : memref<128x32768xf32, #tpu.memory_space<hbm>> -> memref<1x32768xf32, #tpu.memory_space<hbm>>
    %dma_wait3A_426 = tpu.memref_squeeze %dma_wait3A_425 : memref<1x32768xf32, #tpu.memory_space<hbm>> -> memref<32768xf32, #tpu.memory_space<hbm>>
    tpu.wait_dma2 semaphore(%arg14 : memref<!tpu.dma_semaphore, #tpu.memory_space<semaphore_mem>>) src(%arg6 : memref<32768xf32, #tpu.memory_space<vmem>>) dst(%dma_wait3A_426 : memref<32768xf32, #tpu.memory_space<hbm>>)
    %dma_wait3A_427 = arith.constant 0 : i32
    %dma_wait3A_428 = tpu.memref_slice %arg3[%add3A_408, %dma_wait3A_427] : memref<128x32768xf32, #tpu.memory_space<hbm>> -> memref<1x32768xf32, #tpu.memory_space<hbm>>
    %dma_wait3A_429 = tpu.memref_squeeze %dma_wait3A_428 : memref<1x32768xf32, #tpu.memory_space<hbm>> -> memref<32768xf32, #tpu.memory_space<hbm>>
    %dma_wait3A_430 = arith.constant 0 : i32
    %dma_wait3A_431 = tpu.memref_slice %arg3[%add3A_408, %dma_wait3A_430] : memref<128x32768xf32, #tpu.memory_space<hbm>> -> memref<1x32768xf32, #tpu.memory_space<hbm>>
    %dma_wait3A_432 = tpu.memref_squeeze %dma_wait3A_431 : memref<1x32768xf32, #tpu.memory_space<hbm>> -> memref<32768xf32, #tpu.memory_space<hbm>>
    tpu.wait_dma2 semaphore(%arg12 : memref<!tpu.dma_semaphore, #tpu.memory_space<semaphore_mem>>) src(%arg4 : memref<32768xf32, #tpu.memory_space<vmem>>) dst(%dma_wait3A_432 : memref<32768xf32, #tpu.memory_space<hbm>>)
    return
  }
}

</mosaic_0001>

<sc_bundles>
// kernel: kernel.3.cloned.1.call-start
scs
__scs_entry_jumppad:
0x0: {  	(pc) =	sbr.rel $0x88, $3  }
0x1: {  	(tag) =	ssettag $0x0;
	lr =	simm.s32 $0x1  }
0x2: {  	[smem:$0x3FA0] =	sst lr;
	_ =	strace $0xD0000000  }
0x3: {  	_ = 	snop  }
0x4: {  	_ = 	snop  }
0x5: {  	_ = 	snop  }
0x6: {  	_ = 	snop  }
0x7: {  	_ = 	snop  }
__scs_overlays_trampoline_lowered:
0x8: {  	[smem:$0x3FAF] =	sst s0  }
0x9: {  	[smem:$0x3FB0] =	sst s1  }
0xa: {  	[smem:$0x3FB1] =	sst s2  }
0xb: {  	[smem:$0x3FB2] =	sst s3  }
0xc: {  	[smem:$0x3FB3] =	sst s4  }
0xd: {  	[smem:$0x3FB4] =	sst s5  }
0xe: {  	[smem:$0x3FB5] =	sst s6  }
0xf: {  	[smem:$0x3FB6] =	sst s7  }
0x10: {  	[smem:$0x3FB7] =	sst s8  }
0x11: {  	[smem:$0x3FB8] =	sst s9;
	s0 =	simm.s32 @!p0 $0x0  }
0x12: {  	s1 =	sld [smem:$0x3F9E];
	s0 =	simm.s32 @p0 $0x1  }
0x13: {  	[smem:$0x3FB9] =	sst s0;
	s0 =	simm.s32 @!p1 $0x0  }
0x14: {  	s2 =	sld [smem:$0x3F9D];
	s0 =	simm.s32 @p1 $0x1  }
0x15: {  	[smem:$0x3FBA] =	sst s0;
	s0 =	simm.s32 @!p2 $0x0  }
0x16: {  	s3 =	sld [smem:$0x3FDB];
	s0 =	simm.s32 @p2 $0x1  }
0x17: {  	s4 =	simm.s32 $0x1BF5;
	[smem:$0x3FBC] =	sst s0  }
0x18: {  	s0 =	sld [smem:$0x3F9F];
	_ =	swait.ge [sflag:s4], $0x0  }
0x19: {  	s7 =	sld [smem:$0x3FA0]  }
0x1a: {  	s8 =	sadd.s32 $0xFFFFE003, lr  }
0x1b: {  	s9 =	sadd.s32 $0xFFFFFEF7, lr;
	s5 =	simm.s32 $0xFFFFFFFF;
	p2 =	slt.u32 s8, $0xFFFFF086  }
0x1c: {  	p1 =	slt.u32 s9, $0xF7A;
	s5 =	simm.s32 @!p2 $0x0  }
0x1d: {  	s5 =	simm.s32 @p1 $0x1;
	p0 =	seq.s32 s7, s2  }
0x1e: {  	s7 =	smul.u32 @!p0 $0xF7A, s2;
	p2 =	seq.s32 @!p0 s5, $0x0  }
0x1f: {  	s9 =	smul.u32 $0xF7A, s1;
	s8 =	simm.s32 @!p0 $0x1BF5;
	p2 =	por !p2, p0  }
0x20: {  	[sflag:s8] =	ssyncset.s32 @!p0 $0xFFFFF086;
	s6 =	sadd.s32 @!p0 s3, s7;
	s7 =	simm.s32 @!p0 $0x108  }
0x21: {  	s3 =	sadd.s32 s3, s9;
	s6 =	sadd.s32 @!p0 $0x88, s6;
	s7 =	simm.s32 @p2 $0x1082  }
0x22: {  	[simem:s7], [sflag:s8] =	dma.local @!p0 [hbm:s6], $0xF7A  }
0x23: {  	s9 =	sor.u32 $0xD0000000, s2;
	s6 =	simm.s32 $0x108;
	_ =	swait.ge @!p0 [sflag:s8], $0x0  }
0x24: {  	s3 =	sadd.s32 $0x88, s3;
	s6 =	simm.s32 @!p1 $0x1082;
	[sflag:s4] =	ssyncset.s32 $0xFFFFF086  }
0x25: {  	[simem:s6], [sflag:s4] =	dma.local [hbm:s3], $0xF7A  }
0x26: {  	[smem:$0x3FA0] =	sst s1;
	(tag) =	ssettag s2;
	_ =	strace s9  }
0x27: {  	s1 =	sld [smem:$0x3FB0]  }
0x28: {  	s2 =	sld [smem:$0x3FB1]  }
0x29: {  	s4 =	sld [smem:$0x3FB3]  }
0x2a: {  	p0 =	seq.s32 s5, $0x0;
	s5 =	sld [smem:$0x3FB4]  }
0x2b: {  	s6 =	sld [smem:$0x3FB5]  }
0x2c: {  	s7 =	sld [smem:$0x3FB6]  }
0x2d: {  	s3 =	simm.s32 $0x108;
	s8 =	sld [smem:$0x3FB7]  }
0x2e: {  	s3 =	simm.s32 @!p0 $0x1082;
	s9 =	sld [smem:$0x3FB8]  }
0x2f: {  	lr =	sadd.s32 s0, s3;
	s0 =	sld [smem:$0x3FAF]  }
0x30: {  	s3 =	sld [smem:$0x3FB2]  }
0x31: {  	[smem:$0x3FBB] =	sst s10  }
0x32: {  	s10 =	sld [smem:$0x3FB9];
	_ =	sdelay $0x3  }
0x33: {  	p0 =	seq.s32 s10, $0x1;
	s10 =	sld [smem:$0x3FBB];
	_ =	sdelay $0x3  }
0x34: {  	[smem:$0x3FBB] =	sst s10  }
0x35: {  	s10 =	sld [smem:$0x3FBA];
	_ =	sdelay $0x3  }
0x36: {  	p1 =	seq.s32 s10, $0x1;
	s10 =	sld [smem:$0x3FBB];
	_ =	sdelay $0x3  }
0x37: {  	[smem:$0x3FBB] =	sst s10  }
0x38: {  	s10 =	sld [smem:$0x3FBC]  }
0x39: {  	_ = 	snop;
	(pc) =	sbr.ind lr, $3  }
0x3a: {  	_ = 	snop  }
0x3b: {  	_ = 	snop  }
0x3c: {  	p2 =	seq.s32 s10, $0x1;
	s10 =	sld [smem:$0x3FBB]  }
0x3d: {  	_ =	shalt  }
0x3e: {  	_ =	shalt  }
0x3f: {  	_ =	shalt  }
0x40: {  	_ =	shalt  }
0x41: {  	_ =	shalt  }
0x42: {  	_ =	shalt  }
0x43: {  	_ =	shalt  }
0x44: {  	_ =	shalt  }
0x45: {  	_ =	shalt  }
0x46: {  	_ =	shalt  }
0x47: {  	_ =	shalt  }
0x48: {  	_ =	shalt  }
0x49: {  	_ =	shalt  }
0x4a: {  	_ =	shalt  }
0x4b: {  	_ =	shalt  }
0x4c: {  	_ =	shalt  }
0x4d: {  	_ =	shalt  }
0x4e: {  	_ =	shalt  }
0x4f: {  	_ =	shalt  }
0x50: {  	_ =	shalt  }
0x51: {  	_ =	shalt  }
0x52: {  	_ =	shalt  }
0x53: {  	_ =	shalt  }
0x54: {  	_ =	shalt  }
0x55: {  	_ =	shalt  }
0x56: {  	_ =	shalt  }
0x57: {  	_ =	shalt  }
0x58: {  	_ =	shalt  }
0x59: {  	_ =	shalt  }
0x5a: {  	_ =	shalt  }
0x5b: {  	_ =	shalt  }
0x5c: {  	_ =	shalt  }
0x5d: {  	_ =	shalt  }
0x5e: {  	_ =	shalt  }
0x5f: {  	_ =	shalt  }
0x60: {  	_ =	shalt  }
0x61: {  	_ =	shalt  }
0x62: {  	_ =	shalt  }
0x63: {  	_ =	shalt  }
0x64: {  	_ =	shalt  }
0x65: {  	_ =	shalt  }
0x66: {  	_ =	shalt  }
0x67: {  	_ =	shalt  }
0x68: {  	_ =	shalt  }
0x69: {  	_ =	shalt  }
0x6a: {  	_ =	shalt  }
0x6b: {  	_ =	shalt  }
0x6c: {  	_ =	shalt  }
0x6d: {  	_ =	shalt  }
0x6e: {  	_ =	shalt  }
0x6f: {  	_ =	shalt  }
0x70: {  	_ =	shalt  }
0x71: {  	_ =	shalt  }
0x72: {  	_ =	shalt  }
0x73: {  	_ =	shalt  }
0x74: {  	_ =	shalt  }
0x75: {  	_ =	shalt  }
0x76: {  	_ =	shalt  }
0x77: {  	_ =	shalt  }
0x78: {  	_ =	shalt  }
0x79: {  	_ =	shalt  }
0x7a: {  	_ =	shalt  }
0x7b: {  	_ =	shalt  }
0x7c: {  	_ =	shalt  }
0x7d: {  	_ =	shalt  }
0x7e: {  	_ =	shalt  }
0x7f: {  	_ =	shalt  }
0x80: {  	_ =	shalt  }
0x81: {  	_ =	shalt  }
0x82: {  	_ =	shalt  }
0x83: {  	_ =	shalt  }
0x84: {  	_ =	shalt  }
0x85: {  	_ =	shalt  }
0x86: {  	_ =	shalt  }
0x87: {  	_ =	shalt  }
.Lfunc_end0:
.L_simem_size_0:
called_computation_lowered:
.L_overlay_start_0:
0x88: {  	s2 =	sld [smem:$0x3FD9]  }
0x89: {  	s3 =	sld [smem:$0x3FFE];
	_ =	sdelay $0x1  }
0x8a: {  	s1 =	srdreg.scid  }
0x8b: {  	s0 =	sand.u32 $0x1, s1  }
0x8c: {  	s18 =	sshll.u32 s0, $0xA;
	s2 =	sadd.s32 s3, s2  }
0x8d: {  	s2 =	sadd.s32 s2, s18  }
0x8e: {  	[smem:$0x3FC7] =	sst s2  }
0x8f: {  	_ = 	snop  }
0x90: {  	s2 =	sld [smem:$0x3FC9]  }
0x91: {  	s19 =	sld [smem:$0x3FD0];
	(tm) =	ssettm $0x1  }
0x92: {  	s4 =	sld [smem:$0x3FFB];
	_ =	sdelay $0x3  }
0x93: {  	_ =	strace s4  }
0x94: {  	s4 =	sld [smem:$0x3FFC];
	_ =	sdelay $0x3  }
0x95: {  	_ =	strace s4  }
0x96: {  	s4 =	sld [smem:$0x3FFD];
	_ =	sdelay $0x3  }
0x97: {  	_ =	strace s4  }
0x98: {  	_ =	strace $0x8FFFFFFF  }
0x99: {  	s20 =	sld [smem:$0x3FDB];
	_ =	sdelay $0x1  }
0x9a: {  	s5 =	simm.s32 $_scs_section_size  }
0x9b: {  	s6 =	simm.s32 $_size__tile_overlayer_lowered;
	s7 =	simm.s32 $_tile_overlayer_lowered  }
0x9c: {  	s23 =	simm.s32 $0x1BFF;
	s22 =	sshll.u32 s7, $0x1;
	s4 =	sadd.s32 s5, s20  }
0x9d: {  	s8 =	simm.s32 $0x0;
	s21 =	sshll.u32 s6, $0x1;
	s6 =	sadd.s32 s22, s4  }
0x9e: {  	[timem:s8], [sflag:s23] =	dma.local [hbm:s6], s21  }
0x9f: {  	_ =	swait.ge [sflag:s23], s21  }
0xa0: {  	s5 =	ssub.s32 $0x0, s21;
	[sflag:s23] =	ssyncset.done $0x0  }
0xa1: {  	[sflag:s23] =	ssyncadd.s32 s5;
	_ =	sdelay $0x1  }
0xa2: {  	s24 =	simm.s32 $0x1B8B  }
0xa3: {  	_ =	swait.ge [sflag:s24], $0x1  }
0xa4: {  	[sflag:s24] =	ssyncset.done $0x0  }
0xa5: {  	s25 =	simm.s32 $0x1B8E;
	[sflag:s24] =	ssyncadd.s32 $0xFFFFFFFF  }
0xa6: {  	s26 =	simm.s32 $execute0_lowered;
	[smem:$0x3FD2] =	sst s25  }
0xa7: {  	s5 =	sshll.u32 s26, $0x1;
	_ =	strace $0x80000046;
	[dreg:$0x1] =	wrdreg $0xFFFFFFFF  }
0xa8: {  	s28 =	simm.s32 $_size_execute0_lowered;
	s4 =	sadd.s32 s4, s5;
	[dreg:$0x0] =	wrdreg $0x0  }
0xa9: {  	s5 =	sshll.u32 s28, $0x1;
	[dreg:$0x2] =	wrdreg s4  }
0xaa: {  	[dreg:$0x3] =	wrdreg s5  }
0xab: {  	[dreg:$0x4] =	wrdreg $0xC0  }
0xac: {  	_ =	task [dreg:s8], $0x5FFFF  }
0xad: {  	[dreg:$0x1] =	wrdreg $0xFFFFFFFF  }
0xae: {  	[dreg:$0x0] =	wrdreg $0x60  }
0xaf: {  	[dreg:$0x2] =	wrdreg s2  }
0xb0: {  	[dreg:$0x3] =	wrdreg s19  }
0xb1: {  	[dreg:$0x4] =	wrdreg $0x9  }
0xb2: {  	_ =	task.clear_ibuf [dreg:s8], $0x5FFFF;
	_ =	strace $0x90000046  }
0xb3: {  	s29 =	simm.s32 $0x9;
	_ =	strace $0x80000048  }
0xb4: {  	_ =	swait.ge [sflag:s29], $0x1  }
0xb5: {  	[sflag:s29] =	ssyncadd.s32 $0xFFFFFFFF  }
0xb6: {  	_ =	strace $0x90000048  }
0xb7: {  	_ =	sfence  }
0xb8: {  	s30 =	sld [smem:$0x0];
	_ =	sdelay $0x2  }
0xb9: {  	s31 =	sshll.u32 s1, $0xD;
	s1 =	sshrl.u32 s1, $0x2  }
0xba: {  	s3 =	sand.u32 $0x4000, s31;
	s1 =	sadd.s32 s1, s30  }
0xbb: {  	s0 =	sor.u32 s3, s0;
	s1 =	sshll.u32 s1, $0x11  }
0xbc: {  	s0 =	sor.u32 s1, s0  }
0xbd: {  	s0 =	sadd.s32 $0x8F2B, s0  }
0xbe: {  	[sflag:s0] =	ssyncadd.remote.s32 $0x1  }
0xbf: {  	_ =	sfence.sel $0xFFFF  }
0xc0: {  	[dreg:$0x0] =	wrdreg $0xFFFFFFFF;
	(pc) =	sbr.abs _section_cstart, $3  }
0xc1: {  	[dreg:$0x1] =	wrdreg $0xFFFFFFFF  }
0xc2: {  	_ =	task.clear_ibuf [dreg:s8], $0x2FFFF;
	_ =	strace $0x9FFFFFFF  }
0xc3: {  	(tm) =	ssettm $0x7FFFFFFF  }
tec
execute0_lowered:
.L_overlay_start_1:
0x0: {  	(tag) =	ssettag $0x1  }
0x1: {  	v0 =	vimm.f32 $9.377290010e-01;
	vm0 =	vcmask $0x300  }
0x2: {  	vm14 =	vcmask $0x704;
	v0 =	vsel vm0, $0x0, v0  }
0x3: {  	s8 =	rddreg [dreg:$0x0];
	vm15 =	vcmask $0xB08;
	v0 =	vsel vm14, $0x3D800801, v0  }
0x4: {  	s10 =	rddreg [dreg:$0x1];
	s3 =	srdreg.scid;
	vm4 =	vcmask $0xF0C;
	s2 =	simm.s32 $0x0;
	v0 =	vsel vm15, $0x3E000801, v0  }
0x5: {  	s0 =	stileid.u32;
	vm5 =	vcmask $0x1310;
	s16 =	simm.s32 $0x1;
	s17 =	simm.s32 $0x18000;
	v0 =	vsel vm4, $0x3E400C02, v0  }
0x6: {  	vm6 =	vcmask $0x1714;
	s18 =	simm.s32 $0x18400;
	s19 =	simm.s32 $0x2;
	s20 =	simm.s32 $0x3;
	v0 =	vsel vm5, $0x3E800801, v0  }
0x7: {  	vm7 =	vcmask $0x1B18;
	s21 =	simm.s32 $0x4;
	s22 =	simm.s32 $0x5;
	s23 =	simm.s32 $0x6;
	v0 =	vsel vm6, $0x3EA00A01, v0  }
0x8: {  	vm8 =	vcmask $0x1F1C;
	s24 =	simm.s32 $0x0;
	s3 =	sand.u32 $0x1, s3;
	s5 =	sshll.u32 s0, $0xF;
	v0 =	vsel vm7, $0x3EC00C02, v0  }
0x9: {  	vm9 =	vcmask $0x2320;
	[smem:$0x7FF] =	sst s2;
	s4 =	ssub.s32 $0x2, s3;
	s3 =	sshll.u32 s3, $0x6;
	v0 =	vsel vm8, $0x3EE00E02, v0  }
0xa: {  	vm10 =	vcmask $0x2724;
	_ =	strace $0x80000047;
	s6 =	sshrl.u32 s4, $0x1;
	s7 =	sor.u32 s3, s5;
	v0 =	vsel vm9, $0x3F000801, v0  }
0xb: {  	vm11 =	vcmask $0x2B28;
	s11 =	ssub.s32 s4, s6;
	s9 =	sor.u32 $0x10, s7;
	s29 =	sadd.s32 s8, s7;
	v0 =	vsel vm10, $0x3F100901, v0  }
0xc: {  	vm12 =	vcmask $0x2F2C;
	v1 =	vlaneseq.u32;
	s12 =	sor.u32 $0x20, s7;
	s6 =	sadd.s32 s10, s7;
	s13 =	sor.u32 $0x30, s7;
	v0 =	vsel vm11, $0x3F200A01, v0  }
0xd: {  	vm13 =	vcmask $0x3330;
	v3 =	vmul.u32 $0xFFFFFFFF, v1;
	[dreg:$0x3] =	wrdreg s29;
	s30 =	sadd.s32 s8, s9;
	s31 =	sadd.s32 s8, s12;
	v0 =	vsel vm12, $0x3F300B01, v0  }
0xe: {  	vm14 =	vcmask $0x3734;
	s7 =	sadd.s32 s10, s9;
	s8 =	sadd.s32 s8, s13;
	s9 =	sadd.s32 s10, s12;
	v2 =	vsel vm13, $0x3F400C02, v0  }
0xf: {  	vm15 =	vcmask $0x3B38;
	v3 =	vadd.s32 $0xF, v3;
	s10 =	sadd.s32 s10, s13;
	s11 =	smax.u32 s11, $0x1;
	[dreg:$0x4] =	wrdreg s30;
	v1 =	vsel vm14, $0x3F500D02, v2  }
0x10: {  	s12 =	simm.s32 $0x400;
	s13 =	simm.s32 $0x80;
	[dreg:$0x5] =	wrdreg s31;
	v0 =	vimm.f32 $0.0e+00;
	v2 =	vimm.f32 $1.000000000e+00;
	v1 =	vsel vm15, $0x3F600E02, v1  }
.LBB2_1:
0x11: {  	s26 =	simm.s32 $0x18020  }
0x12: {  	[tilespmem:s26+$0xFFFFFFF0] =	vst v0  }
0x13: {  	[tilespmem:s26+$0x0] =	vst v0  }
0x14: {  	[tilespmem:s26+$0x10] =	vst v0  }
0x15: {  	s25 =	simm.s32 $0x18420;
	[tilespmem:s26+$0xFFFFFFE0] =	vst v0  }
0x16: {  	[tilespmem:s25+$0xFFFFFFF0] =	vst v0  }
0x17: {  	[tilespmem:s25+$0x0] =	vst v0  }
0x18: {  	[tilespmem:s25+$0x10] =	vst v0  }
0x19: {  	s28 =	simm.s32 $0x18060;
	s26 =	simm.s32 $0x0;
	[tilespmem:s25+$0xFFFFFFE0] =	vst v0  }
.LBB2_2:
0x1a: {  	[tilespmem:s28+$0xFFFFFFF0] =	vst v0;
	s25 =	sadd.s32 $0x40, s25  }
0x1b: {  	s26 =	sadd.s32 $0x4, s26;
	[tilespmem:s25+$0xFFFFFFF0] =	vst v0  }
0x1c: {  	p0 =	slt.u32 s26, $0x3C;
	[tilespmem:s28+$0x0] =	vst v0  }
.Ltmp0:
0x1d: {  	[tilespmem:s25+$0x0] =	vst v0;
	(pc) =	sbr.rel @p0 .LBB2_2-.Ltmp0, $4  }
0x1e: {  	[tilespmem:s28+$0x10] =	vst v0  }
0x1f: {  	[tilespmem:s25+$0x10] =	vst v0  }
0x20: {  	[tilespmem:s28+$0xFFFFFFE0] =	vst v0  }
0x21: {  	s28 =	sadd.s32 $0x40, s28;
	[tilespmem:s25+$0xFFFFFFE0] =	vst v0  }
0x22: {  	s0 =	rddreg [dreg:$0x3]  }
0x23: {  	[tilespmem:s2], [sflag:$0x1] =	stream.strided.gather [hbm4b:s0+s13], $0x8000, s12, s13, $0x38;
	[tilespmem:$0x18800] =	vst v63  }
0x24: {  	s29 =	rddreg [dreg:$0x4];
	s1 =	simm.s32 $0x8000  }
0x25: {  	[tilespmem:s1], [sflag:$0x2] =	stream.strided.gather [hbm4b:s29+s13], $0x8000, s12, s13, $0x38;
	[tilespmem:$0x18800] =	vst v63  }
0x26: {  	s30 =	rddreg [dreg:$0x5];
	s31 =	simm.s32 $0x10000  }
0x27: {  	[tilespmem:s31], [sflag:$0x3] =	stream.strided.gather [hbm4b:s30+s13], $0x8000, s12, s13, $0x38;
	[tilespmem:$0x18800] =	vst v63  }
0x28: {  	_ =	swait.ge [sflag:s16], $0x8000  }
0x29: {  	[sflag:s16] =	ssyncset.done $0x0  }
0x2a: {  	s26 =	simm.s32 $0x40;
	[sflag:s16] =	ssyncadd.s32 $0xFFFF8000  }
0x2b: {  	v11 =	vld [tilespmem:s26+$0x0]  }
0x2c: {  	v4 =	vld [tilespmem:s26+$0x10]  }
0x2d: {  	v7 =	vld [tilespmem:s26+$0x20]  }
0x2e: {  	v6 =	vld [tilespmem:s26+$0xFFFFFFC0]  }
0x2f: {  	v5 =	vld [tilespmem:s26+$0xFFFFFFD0]  }
0x30: {  	v9 =	vld [tilespmem:s26+$0xFFFFFFE0]  }
0x31: {  	v8 =	vimm.f32 $-Inf;
	v12 =	vld [tilespmem:s26+$0xFFFFFFF0]  }
0x32: {  	s25 =	simm.s32 $0x0;
	v15 =	vimm.f32 $-Inf;
	v14 =	vimm.f32 $-Inf;
	v13 =	vimm.f32 $-Inf;
	v10 =	vld [tilespmem:s26+$0x30];
	s26 =	simm.s32 $0xC0  }
.LBB2_4:
0x33: {  	v16 =	vld [tilespmem:s26+$0x0]  }
0x34: {  	v6 =	vmax.f32 v8, v6;
	s25 =	sadd.s32 $0x8, s25;
	v17 =	vld [tilespmem:s26+$0x10]  }
0x35: {  	v8 =	vmax.f32 v6, v11;
	p0 =	slt.u32 s25, $0x7F8;
	v18 =	vld [tilespmem:s26+$0x20]  }
.Ltmp1:
0x36: {  	v19 =	vmax.f32 v15, v5;
	v9 =	vmax.f32 v14, v9;
	v6 =	vld [tilespmem:s26+$0xFFFFFFC0];
	v12 =	vmax.f32 v13, v12;
	(pc) =	sbr.rel @p0 .LBB2_4-.Ltmp1, $4  }
0x37: {  	v15 =	vmax.f32 v19, v4;
	v14 =	vmax.f32 v9, v7;
	v5 =	vld [tilespmem:s26+$0xFFFFFFD0];
	v13 =	vmax.f32 v12, v10  }
0x38: {  	v9 =	vld [tilespmem:s26+$0xFFFFFFE0];
	v11 =	vmov v16  }
0x39: {  	v12 =	vld [tilespmem:s26+$0xFFFFFFF0];
	v4 =	vmov v17  }
0x3a: {  	v10 =	vld [tilespmem:s26+$0x30];
	s26 =	sadd.s32 $0x80, s26;
	v7 =	vmov v18  }
0x3b: {  	_ = 	snop  }
0x3c: {  	v6 =	vmax.f32 v8, v6;
	v5 =	vmax.f32 v15, v5  }
0x3d: {  	v6 =	vmax.f32 v6, v11;
	v8 =	vmax.f32 v14, v9;
	v4 =	vmax.f32 v5, v4  }
0x3e: {  	v5 =	vmax.f32 v13, v12;
	v7 =	vmax.f32 v8, v7;
	v4 =	vmax.f32 v6, v4  }
0x3f: {  	v5 =	vmax.f32 v5, v10;
	v4 =	vmax.f32 v4, v7  }
0x40: {  	v4 =	vmax.f32 v4, v5  }
0x41: {  	(xrf0) =	vmax.scan.msk.f32 $0xffff, v4;
	_ =	sdelay $0x5  }
0x42: {  	v4, _, _ =	vpop (xrf0)  }
0x43: {  	(v2sf) =	vpush v4, $0xF;
	_ =	sdelay $0xa  }
0x44: {  	s28 =	simm.s32 $0x80  }
0x45: {  	v15 =	vld [tilespmem:s28+$0x40]  }
0x46: {  	v16 =	vld [tilespmem:s28+$0x70]  }
0x47: {  	v17 =	vld [tilespmem:s28+$0x60]  }
0x48: {  	v20 =	vld [tilespmem:s28+$0xFFFFFF80];
	s25 =	spop (v2sf)  }
0x49: {  	v21 =	vld [tilespmem:s28+$0xFFFFFFF0];
	s26 =	sadd.f32 $-1.000000000e+00, s25;
	_ =	sdelay $0x1  }
0x4a: {  	v4 =	vmov s26  }
0x4b: {  	v5 =	vsub.f32 v15, v4;
	v6 =	vsub.f32 v16, v4  }
0x4c: {  	v14 =	vld [tilespmem:s28+$0xFFFFFFA0];
	v7 =	vsub.f32 v17, v4;
	v8 =	vsub.f32 v20, v4  }
0x4d: {  	vm6 =	vge.f32 v20, v4;
	vm5 =	vge.f32 v15, v4;
	v28 =	vsub.f32 v21, v4  }
0x4e: {  	vm0 =	vge.f32 v17, v4;
	v5 =	vmul.f32 $1.023750000e+03, v5;
	v6 =	vmul.f32 $1.023750000e+03, v6  }
0x4f: {  	vm8 =	vge.f32 v16, v4;
	v7 =	vmul.f32 $1.023750000e+03, v7;
	v28 =	vmul.f32 $1.023750000e+03, v28  }
0x50: {  	vm7 =	vge.f32 v21, v4;
	v5 =	vtrunc.f32 v5;
	v6 =	vtrunc.f32 v6  }
0x51: {  	v33 =	vsub.f32 v14, v4;
	v7 =	vtrunc.f32 v7;
	v6 =	vcvt.f32.s32 v6  }
0x52: {  	vm4 =	vge.f32 v14, v4;
	v9 =	vcvt.f32.s32 v5;
	v5 =	vcvt.f32.s32 v7  }
0x53: {  	v11 =	vld [tilespmem:s28+$0x30];
	v8 =	vmul.f32 $1.023750000e+03, v8;
	v28 =	vtrunc.f32 v28;
	v7 =	vshll.u32 v6, $0x4  }
0x54: {  	v6 =	vshrl.u32 v6, $0x6;
	v12 =	vshll.u32 v5, $0x4;
	v13 =	vshrl.u32 v5, $0x6;
	v5 =	vld [tilespmem:s28+$0x10]  }
0x55: {  	v28 =	vcvt.f32.s32 v28;
	v6 =	vor.u32 v6, v7;
	v7 =	vtrunc.f32 v8;
	v8 =	vld [tilespmem:s28+$0x20]  }
0x56: {  	v12 =	vor.u32 v13, v12;
	v7 =	vcvt.f32.s32 v7;
	v19 =	vand.u32 $0x3FF, v6;
	v6 =	vld [tilespmem:s28+$0x0]  }
0x57: {  	v10 =	vshll.u32 v9, $0x4;
	v9 =	vshrl.u32 v9, $0x6;
	v22 =	vand.u32 $0x3FF, v12;
	v12 =	vld [tilespmem:s28+$0xFFFFFFD0]  }
0x58: {  	v9 =	vor.u32 v9, v10;
	v10 =	vshll.u32 v7, $0x4;
	v7 =	vshrl.u32 v7, $0x6  }
0x59: {  	v62 =	vshrl.u32 v28, $0x6;
	v25 =	vand.u32 $0x3FF, v9;
	v9 =	vor.u32 v7, v10  }
0x5a: {  	v18 =	vsub.f32 v5, v4;
	v23 =	vand.u32 $0x3FF, v9;
	v9 =	vsub.f32 v11, v4  }
0x5b: {  	v28 =	vshll.u32 v28, $0x4;
	v10 =	vld [tilespmem:s28+$0xFFFFFFC0];
	v13 =	vsub.f32 v8, v4;
	v26 =	vsub.f32 v6, v4  }
0x5c: {  	v29 =	vmul.f32 $1.023750000e+03, v18;
	v30 =	vsub.f32 v12, v4;
	v24 =	vmul.f32 $1.023750000e+03, v9;
	v9 =	vld [tilespmem:s28+$0xFFFFFFB0]  }
0x5d: {  	v28 =	vor.u32 v62, v28;
	v27 =	vmul.f32 $1.023750000e+03, v13;
	v26 =	vmul.f32 $1.023750000e+03, v26  }
0x5e: {  	v28 =	vand.u32 $0x3FF, v28;
	v7 =	vld [tilespmem:s28+$0xFFFFFFE0];
	v29 =	vtrunc.f32 v29;
	v30 =	vmul.f32 $1.023750000e+03, v30  }
0x5f: {  	vm2 =	vge.f32 v5, v4;
	v13 =	vld [tilespmem:s28+$0xFFFFFF90];
	v27 =	vtrunc.f32 v27;
	v31 =	vtrunc.f32 v24  }
0x60: {  	[tilespmem:v22+s17+$0x0] =	vst.idx.add.f32.msk vm0, v2;
	v32 =	vsub.f32 v10, v4;
	v29 =	vcvt.f32.s32 v29;
	v24 =	vtrunc.f32 v26  }
0x61: {  	[tilespmem:v19+s17+$0x0] =	vst.idx.add.f32.msk vm8, v2;
	v26 =	vcvt.f32.s32 v31;
	v27 =	vcvt.f32.s32 v27;
	v31 =	vsub.f32 v9, v4  }
0x62: {  	vm3 =	vge.f32 v12, v4;
	[tilespmem:v22+s18+$0x0] =	vst.idx.add.f32.msk vm0, v17;
	v30 =	vtrunc.f32 v30;
	v22 =	vmul.f32 $1.023750000e+03, v32  }
0x63: {  	[tilespmem:v19+s18+$0x0] =	vst.idx.add.f32.msk vm8, v16;
	v18 =	vsub.f32 v7, v4;
	v36 =	vmul.f32 $1.023750000e+03, v31;
	v31 =	vmul.f32 $1.023750000e+03, v33  }
0x64: {  	[tilespmem:v23+s17+$0x0] =	vst.idx.add.f32.msk vm6, v2;
	v19 =	vshll.u32 v29, $0x4;
	v30 =	vcvt.f32.s32 v30;
	v35 =	vsub.f32 v13, v4  }
0x65: {  	[tilespmem:v23+s18+$0x0] =	vst.idx.add.f32.msk vm6, v20;
	v23 =	vshrl.u32 v29, $0x6;
	v34 =	vshll.u32 v26, $0x4;
	v31 =	vtrunc.f32 v31  }
0x66: {  	v26 =	vshrl.u32 v26, $0x6;
	v17 =	vmul.f32 $1.023750000e+03, v35;
	v31 =	vcvt.f32.s32 v31  }
0x67: {  	vm1 =	vge.f32 v13, v4;
	vm0 =	vge.f32 v9, v4;
	v26 =	vor.u32 v26, v34  }
0x68: {  	v16 =	vtrunc.f32 v17;
	v63 =	vshll.u32 v31, $0x4;
	v17 =	vshrl.u32 v31, $0x6  }
0x69: {  	[tilespmem:v28+s17+$0x0] =	vst.idx.add.f32.msk vm7, v2;
	v22 =	vtrunc.f32 v22;
	v16 =	vcvt.f32.s32 v16;
	v17 =	vor.u32 v17, v63  }
0x6a: {  	[tilespmem:v28+s18+$0x0] =	vst.idx.add.f32.msk vm7, v21;
	v21 =	vshrl.u32 v30, $0x6;
	v31 =	vand.u32 $0x3FF, v17;
	v17 =	vcvt.f32.s32 v22  }
0x6b: {  	v20 =	vtrunc.f32 v36;
	v22 =	vshll.u32 v16, $0x4;
	v16 =	vshrl.u32 v16, $0x6  }
0x6c: {  	[tilespmem:v25+s17+$0x0] =	vst.idx.add.f32.msk vm5, v2;
	v16 =	vor.u32 v16, v22;
	v29 =	vshll.u32 v17, $0x4;
	v17 =	vshrl.u32 v17, $0x6  }
0x6d: {  	[tilespmem:v25+s18+$0x0] =	vst.idx.add.f32.msk vm5, v15;
	v22 =	vand.u32 $0x3FF, v16;
	v16 =	vshll.u32 v30, $0x4;
	v15 =	vor.u32 v17, v29  }
0x6e: {  	s30 =	simm.s32 $0x0;
	s31 =	simm.s32 $0x180;
	s29 =	simm.s32 $0x18440;
	v20 =	vcvt.f32.s32 v20;
	v17 =	vand.u32 $0x3FF, v15;
	v15 =	vor.u32 v21, v16;
	v16 =	vld [tilespmem:s28+$0x50]  }
.LBB2_6:
0x6f: {  	s30 =	sadd.s32 $0x10, s30;
	[tilespmem:v31+s17+$0x0] =	vst.idx.add.f32.msk vm4, v2;
	v21 =	vand.u32 $0x3FF, v15;
	v19 =	vor.u32 v23, v19;
	v25 =	vshll.u32 v27, $0x4;
	s28 =	simm.s32 $0x18040  }
0x70: {  	vm5 =	vge.f32 v10, v4;
	v15 =	vld [tilespmem:s31+$0x40];
	p0 =	slt.u32 s30, $0x7F0;
	v29 =	vshll.u32 v20, $0x4;
	v28 =	vand.u32 $0x3FF, v19  }
0x71: {  	v24 =	vcvt.f32.s32 v24;
	v27 =	vshrl.u32 v27, $0x6;
	v20 =	vshrl.u32 v20, $0x6;
	v19 =	vld [tilespmem:s31+$0x70]  }
0x72: {  	v18 =	vmul.f32 $1.023750000e+03, v18;
	v25 =	vor.u32 v27, v25;
	v29 =	vor.u32 v20, v29;
	v23 =	vld [tilespmem:s31+$0x60]  }
0x73: {  	v26 =	vand.u32 $0x3FF, v26;
	v34 =	vand.u32 $0x3FF, v25;
	v27 =	vand.u32 $0x3FF, v29;
	v20 =	vld [tilespmem:s31+$0xFFFFFF80]  }
0x74: {  	v18 =	vtrunc.f32 v18;
	v25 =	vshll.u32 v24, $0x4;
	v24 =	vshrl.u32 v24, $0x6;
	v35 =	vld [tilespmem:s31+$0xFFFFFF90]  }
0x75: {  	v18 =	vcvt.f32.s32 v18;
	v24 =	vor.u32 v24, v25;
	v25 =	vsub.f32 v16, v4;
	v30 =	vld [tilespmem:s31+$0xFFFFFFA0]  }
0x76: {  	v36 =	vand.u32 $0x3FF, v24;
	v32 =	vsub.f32 v15, v4;
	v29 =	vld [tilespmem:s31+$0xFFFFFFB0];
	v33 =	vsub.f32 v19, v4  }
0x77: {  	v38 =	vshll.u32 v18, $0x4;
	v39 =	vmul.f32 $1.023750000e+03, v25;
	v24 =	vld [tilespmem:s31+$0xFFFFFFC0];
	v37 =	vsub.f32 v23, v4  }
0x78: {  	v18 =	vshrl.u32 v18, $0x6;
	v41 =	vmul.f32 $1.023750000e+03, v32;
	v40 =	vld [tilespmem:s31+$0xFFFFFFD0];
	v33 =	vmul.f32 $1.023750000e+03, v33  }
0x79: {  	v18 =	vor.u32 v18, v38;
	v42 =	vsub.f32 v20, v4;
	v32 =	vld [tilespmem:s31+$0xFFFFFFE0];
	v37 =	vmul.f32 $1.023750000e+03, v37  }
0x7a: {  	v38 =	vtrunc.f32 v41;
	v25 =	vld [tilespmem:s31+$0xFFFFFFF0];
	v41 =	vtrunc.f32 v33;
	v33 =	vand.u32 $0x3FF, v18  }
0x7b: {  	vm7 =	vmmov vm2;
	v43 =	vld [tilespmem:s31+$0x0];
	v18 =	vtrunc.f32 v37;
	v37 =	vcvt.f32.s32 v41  }
0x7c: {  	vm2 =	vge.f32 v11, v4;
	v38 =	vcvt.f32.s32 v38;
	v41 =	vmul.f32 $1.023750000e+03, v42;
	v42 =	vld [tilespmem:s31+$0x10]  }
0x7d: {  	v18 =	vcvt.f32.s32 v18;
	v44 =	vshll.u32 v37, $0x4;
	v37 =	vshrl.u32 v37, $0x6;
	[tilespmem:v31+s18+$0x0] =	vst.idx.add.f32.msk vm4, v14;
	v14 =	vmovc v30  }
0x7e: {  	v30 =	vshll.u32 v38, $0x4;
	v38 =	vshrl.u32 v38, $0x6;
	v31 =	vld [tilespmem:s31+$0x20];
	v37 =	vor.u32 v37, v44  }
0x7f: {  	v45 =	vshll.u32 v18, $0x4;
	v18 =	vshrl.u32 v18, $0x6;
	v44 =	vld [tilespmem:s31+$0x30];
	v37 =	vand.u32 $0x3FF, v37  }
0x80: {  	v39 =	vtrunc.f32 v39;
	v41 =	vtrunc.f32 v41;
	v18 =	vor.u32 v18, v45;
	[tilespmem:v22+s17+$0x0] =	vst.idx.add.f32.msk vm1, v2  }
0x81: {  	v41 =	vcvt.f32.s32 v41;
	v30 =	vor.u32 v38, v30;
	v38 =	vand.u32 $0x3FF, v18;
	[tilespmem:v21+s17+$0x0] =	vst.idx.add.f32.msk vm3, v2  }
0x82: {  	vm9 =	vge.f32 v8, v4;
	v30 =	vand.u32 $0x3FF, v30;
	v18 =	vcvt.f32.s32 v39;
	[tilespmem:v28+s17+$0x0] =	vst.idx.add.f32.msk vm7, v2  }
0x83: {  	vm4 =	vge.f32 v6, v4;
	v39 =	vshll.u32 v41, $0x4;
	v41 =	vshrl.u32 v41, $0x6;
	[tilespmem:v17+s17+$0x0] =	vst.idx.add.f32.msk vm5, v2  }
0x84: {  	v39 =	vor.u32 v41, v39;
	[tilespmem:v21+s18+$0x0] =	vst.idx.add.f32.msk vm3, v12;
	v21 =	vshll.u32 v18, $0x4;
	v18 =	vshrl.u32 v18, $0x6;
	v12 =	vmovc v40  }
0x85: {  	vm12 =	vge.f32 v16, v4;
	v39 =	vand.u32 $0x3FF, v39;
	[tilespmem:v26+s17+$0x0] =	vst.idx.add.f32.msk vm2, v2;
	v18 =	vor.u32 v18, v21  }
0x86: {  	vm10 =	vge.f32 v7, v4;
	vm8 =	vge.f32 v20, v4;
	[tilespmem:v26+s18+$0x0] =	vst.idx.add.f32.msk vm2, v11;
	v26 =	vand.u32 $0x3FF, v18  }
0x87: {  	vm6 =	vge.f32 v15, v4;
	v18 =	vsub.f32 v44, v4;
	[tilespmem:v22+s18+$0x0] =	vst.idx.add.f32.msk vm1, v13;
	v13 =	vmov v35  }
0x88: {  	vm3 =	vge.f32 v23, v4;
	v21 =	vimm.f32 $0.0e+00;
	v11 =	vmovc v44;
	v22 =	vsub.f32 v31, v4;
	[tilespmem:v34+s17+$0x0] =	vst.idx.add.f32.msk vm9, v2  }
0x89: {  	vm2 =	vge.f32 v42, v4;
	v35 =	vsub.f32 v42, v4;
	v40 =	vmul.f32 $1.023750000e+03, v18;
	[tilespmem:v36+s17+$0x0] =	vst.idx.add.f32.msk vm4, v2  }
0x8a: {  	vm11 =	vge.f32 v19, v4;
	v41 =	vsub.f32 v43, v4;
	v22 =	vmul.f32 $1.023750000e+03, v22;
	[tilespmem:v34+s18+$0x0] =	vst.idx.add.f32.msk vm9, v8  }
0x8b: {  	v44 =	vsub.f32 v25, v4;
	vm9 =	vge.f32 v25, v4;
	v34 =	vmul.f32 $1.023750000e+03, v35;
	[tilespmem:v26+s17+$0x0] =	vst.idx.add.f32.msk vm12, v2  }
0x8c: {  	v18 =	vsub.f32 v32, v4;
	v35 =	vmul.f32 $1.023750000e+03, v41;
	v22 =	vtrunc.f32 v22;
	[tilespmem:v17+s18+$0x0] =	vst.idx.add.f32.msk vm5, v10;
	v10 =	vmovc v24  }
0x8d: {  	v41 =	vmul.f32 $1.023750000e+03, v44;
	v40 =	vtrunc.f32 v40;
	v8 =	vmovc v31;
	v17 =	vsub.f32 v12, v4;
	[tilespmem:v26+s18+$0x0] =	vst.idx.add.f32.msk vm12, v16  }
0x8e: {  	v24 =	vtrunc.f32 v35;
	v16 =	vsub.f32 v10, v4;
	v26 =	vcvt.f32.s32 v40;
	[tilespmem:v36+s18+$0x0] =	vst.idx.add.f32.msk vm4, v6;
	v6 =	vmovc v43  }
0x8f: {  	v31 =	vsub.f32 v29, v4;
	v35 =	vtrunc.f32 v41;
	v34 =	vtrunc.f32 v34;
	[tilespmem:v28+s18+$0x0] =	vst.idx.add.f32.msk vm7, v5;
	v5 =	vmovc v42  }
0x90: {  	v35 =	vcvt.f32.s32 v35;
	v28 =	vsub.f32 v14, v4;
	v36 =	vshll.u32 v26, $0x4;
	[tilespmem:v33+s17+$0x0] =	vst.idx.add.f32.msk vm10, v2  }
0x91: {  	v41 =	vmul.f32 $1.023750000e+03, v31;
	v40 =	vsub.f32 v13, v4;
	v26 =	vshrl.u32 v26, $0x6;
	[tilespmem:v27+s17+$0x0] =	vst.idx.add.f32.msk vm0, v2  }
0x92: {  	v31 =	vshrl.u32 v35, $0x6;
	v26 =	vor.u32 v26, v36;
	v28 =	vmul.f32 $1.023750000e+03, v28;
	[tilespmem:v27+s18+$0x0] =	vst.idx.add.f32.msk vm0, v9;
	v9 =	vmovc v29  }
0x93: {  	vm4 =	vge.f32 v14, v4;
	v27 =	vshll.u32 v35, $0x4;
	v29 =	vcvt.f32.s32 v34;
	[tilespmem:v33+s18+$0x0] =	vst.idx.add.f32.msk vm10, v7;
	v7 =	vmovc v32  }
0x94: {  	vm1 =	vge.f32 v13, v4;
	v28 =	vtrunc.f32 v28;
	v27 =	vor.u32 v31, v27;
	[tilespmem:v38+s17+$0x0] =	vst.idx.add.f32.msk vm3, v2  }
0x95: {  	v28 =	vcvt.f32.s32 v28;
	v32 =	vand.u32 $0x3FF, v27;
	v27 =	vcvt.f32.s32 v22;
	[tilespmem:v38+s18+$0x0] =	vst.idx.add.f32.msk vm3, v23  }
0x96: {  	v16 =	vmul.f32 $1.023750000e+03, v16;
	v22 =	vmul.f32 $1.023750000e+03, v40;
	vm3 =	vge.f32 v12, v4;
	[tilespmem:v37+s17+$0x0] =	vst.idx.add.f32.msk vm11, v2  }
0x97: {  	v17 =	vmul.f32 $1.023750000e+03, v17;
	vm0 =	vge.f32 v9, v4;
	v23 =	vshll.u32 v28, $0x4;
	[tilespmem:v37+s18+$0x0] =	vst.idx.add.f32.msk vm11, v19  }
0x98: {  	v22 =	vtrunc.f32 v22;
	v28 =	vshrl.u32 v28, $0x6;
	v19 =	vshll.u32 v29, $0x4;
	[tilespmem:v39+s17+$0x0] =	vst.idx.add.f32.msk vm8, v2  }
0x99: {  	v17 =	vtrunc.f32 v17;
	v16 =	vtrunc.f32 v16;
	[tilespmem:v39+s18+$0x0] =	vst.idx.add.f32.msk vm8, v20;
	v20 =	vor.u32 v28, v23  }
0x9a: {  	v16 =	vcvt.f32.s32 v16;
	v22 =	vcvt.f32.s32 v22;
	v31 =	vand.u32 $0x3FF, v20;
	[tilespmem:v30+s17+$0x0] =	vst.idx.add.f32.msk vm6, v2  }
.Ltmp2:
0x9b: {  	v17 =	vcvt.f32.s32 v17;
	v23 =	vshrl.u32 v29, $0x6;
	v20 =	vtrunc.f32 v41;
	[tilespmem:v32+s17+$0x0] =	vst.idx.add.f32.msk vm9, v2;
	(pc) =	sbr.rel @p0 .LBB2_6-.Ltmp2, $4  }
0x9c: {  	v28 =	vshll.u32 v22, $0x4;
	v22 =	vshrl.u32 v22, $0x6;
	v29 =	vshll.u32 v16, $0x4;
	[tilespmem:v32+s18+$0x0] =	vst.idx.add.f32.msk vm9, v25  }
0x9d: {  	v16 =	vshrl.u32 v16, $0x6;
	v22 =	vor.u32 v22, v28;
	v25 =	vshrl.u32 v17, $0x6;
	[tilespmem:v30+s18+$0x0] =	vst.idx.add.f32.msk vm6, v15  }
0x9e: {  	v22 =	vand.u32 $0x3FF, v22;
	v15 =	vor.u32 v16, v29;
	v16 =	vshll.u32 v17, $0x4  }
0x9f: {  	v20 =	vcvt.f32.s32 v20;
	v17 =	vand.u32 $0x3FF, v15;
	v15 =	vor.u32 v25, v16;
	v16 =	vld [tilespmem:s31+$0x50];
	s31 =	sadd.s32 $0x100, s31  }
0xa0: {  	_ =	sdelay $0x3  }
0xa1: {  	v15 =	vand.u32 $0x3FF, v15;
	v19 =	vor.u32 v23, v19;
	vm2 =	vmmov vm2  }
0xa2: {  	vm5 =	vge.f32 v10, v4;
	[tilespmem:v31+s17+$0x0] =	vst.idx.add.f32.msk vm4, v2;
	v19 =	vand.u32 $0x3FF, v19  }
0xa3: {  	v25 =	vshll.u32 v27, $0x4;
	[tilespmem:v22+s17+$0x0] =	vst.idx.add.f32.msk vm1, v2  }
0xa4: {  	vm13 =	vge.f32 v11, v4;
	[tilespmem:v31+s18+$0x0] =	vst.idx.add.f32.msk vm4, v14;
	v14 =	vshrl.u32 v27, $0x6;
	v61 =	vsub.f32 v16, v4  }
0xa5: {  	v26 =	vand.u32 $0x3FF, v26;
	vm6 =	vge.f32 v8, v4;
	[tilespmem:v22+s18+$0x0] =	vst.idx.add.f32.msk vm1, v13;
	v14 =	vor.u32 v14, v25  }
0xa6: {  	v14 =	vand.u32 $0x3FF, v14;
	[tilespmem:v15+s17+$0x0] =	vst.idx.add.f32.msk vm3, v2;
	v23 =	vmul.f32 $1.023750000e+03, v61  }
0xa7: {  	v24 =	vcvt.f32.s32 v24;
	[tilespmem:v19+s17+$0x0] =	vst.idx.add.f32.msk vm2, v2  }
0xa8: {  	v18 =	vmul.f32 $1.023750000e+03, v18;
	vm7 =	vge.f32 v6, v4;
	[tilespmem:v17+s17+$0x0] =	vst.idx.add.f32.msk vm5, v2;
	v23 =	vtrunc.f32 v23  }
0xa9: {  	v62 =	vshll.u32 v24, $0x4;
	v24 =	vshrl.u32 v24, $0x6;
	[tilespmem:v15+s18+$0x0] =	vst.idx.add.f32.msk vm3, v12;
	v23 =	vcvt.f32.s32 v23  }
0xaa: {  	v13 =	vshll.u32 v20, $0x4;
	v63 =	vshrl.u32 v20, $0x6;
	v24 =	vor.u32 v24, v62;
	[tilespmem:v26+s17+$0x0] =	vst.idx.add.f32.msk vm13, v2  }
0xab: {  	v24 =	vand.u32 $0x3FF, v24;
	[tilespmem:v14+s17+$0x0] =	vst.idx.add.f32.msk vm6, v2;
	v12 =	vshll.u32 v23, $0x4;
	v15 =	vshrl.u32 v23, $0x6  }
0xac: {  	[tilespmem:v14+s18+$0x0] =	vst.idx.add.f32.msk vm6, v8;
	v8 =	vor.u32 v63, v13;
	v12 =	vor.u32 v15, v12;
	v15 =	vtrunc.f32 v18  }
0xad: {  	[tilespmem:v26+s18+$0x0] =	vst.idx.add.f32.msk vm13, v11;
	v8 =	vand.u32 $0x3FF, v8;
	v11 =	vand.u32 $0x3FF, v12;
	v12 =	vcvt.f32.s32 v15  }
0xae: {  	vm14 =	vge.f32 v16, v4;
	[tilespmem:v17+s18+$0x0] =	vst.idx.add.f32.msk vm5, v10  }
0xaf: {  	[tilespmem:v19+s18+$0x0] =	vst.idx.add.f32.msk vm2, v5;
	v15 =	vshll.u32 v12, $0x4;
	v12 =	vshrl.u32 v12, $0x6  }
0xb0: {  	vm15 =	vge.f32 v7, v4;
	[tilespmem:v24+s17+$0x0] =	vst.idx.add.f32.msk vm7, v2;
	v12 =	vor.u32 v12, v15  }
0xb1: {  	[tilespmem:v24+s18+$0x0] =	vst.idx.add.f32.msk vm7, v6;
	v12 =	vand.u32 $0x3FF, v12  }
0xb2: {  	[tilespmem:v8+s17+$0x0] =	vst.idx.add.f32.msk vm0, v2  }
0xb3: {  	[tilespmem:v8+s18+$0x0] =	vst.idx.add.f32.msk vm0, v9  }
0xb4: {  	[tilespmem:v11+s17+$0x0] =	vst.idx.add.f32.msk vm14, v2  }
0xb5: {  	[tilespmem:v11+s18+$0x0] =	vst.idx.add.f32.msk vm14, v16  }
0xb6: {  	[tilespmem:v12+s17+$0x0] =	vst.idx.add.f32.msk vm15, v2  }
0xb7: {  	[tilespmem:v12+s18+$0x0] =	vst.idx.add.f32.msk vm15, v7  }
0xb8: {  	v5 =	vld [tilespmem:s29+$0xFFFFFFC0]  }
0xb9: {  	v6 =	vld [tilespmem:s28+$0xFFFFFFC0]  }
0xba: {  	v7 =	vld [tilespmem:s29+$0xFFFFFFD0]  }
0xbb: {  	v8 =	vld [tilespmem:s28+$0xFFFFFFD0]  }
0xbc: {  	v9 =	vld [tilespmem:s29+$0xFFFFFFE0]  }
0xbd: {  	v10 =	vld [tilespmem:s28+$0xFFFFFFE0]  }
0xbe: {  	v11 =	vld [tilespmem:s29+$0xFFFFFFF0];
	v6 =	vadd.f32 v6, v21;
	v5 =	vadd.f32 v5, v21  }
0xbf: {  	v12 =	vld [tilespmem:s28+$0xFFFFFFF0]  }
0xc0: {  	v13 =	vld [tilespmem:s29+$0x0];
	v8 =	vadd.f32 v8, v6;
	v5 =	vadd.f32 v7, v5  }
0xc1: {  	v14 =	vld [tilespmem:s28+$0x0]  }
0xc2: {  	v6 =	vld [tilespmem:s29+$0x10];
	v7 =	vadd.f32 v10, v8;
	v9 =	vadd.f32 v9, v5  }
0xc3: {  	v8 =	vld [tilespmem:s28+$0x10]  }
0xc4: {  	v5 =	vld [tilespmem:s29+$0x20];
	v10 =	vadd.f32 v12, v7;
	v11 =	vadd.f32 v11, v9  }
0xc5: {  	v9 =	vld [tilespmem:s28+$0x20]  }
0xc6: {  	v7 =	vld [tilespmem:s29+$0x30];
	v12 =	vadd.f32 v14, v10;
	v11 =	vadd.f32 v13, v11  }
0xc7: {  	s30 =	simm.s32 $0x184C0;
	s29 =	simm.s32 $0x0;
	v10 =	vld [tilespmem:s28+$0x30]  }
.LBB2_8:
0xc8: {  	v13 =	vld [tilespmem:s30+$0xFFFFFFC0];
	v8 =	vadd.f32 v8, v12;
	v6 =	vadd.f32 v6, v11;
	s28 =	sadd.s32 $0x80, s28  }
0xc9: {  	s29 =	sadd.s32 $0x8, s29;
	v11 =	vld [tilespmem:s28+$0xFFFFFFC0]  }
0xca: {  	p0 =	slt.u32 s29, $0x38;
	v12 =	vld [tilespmem:s30+$0xFFFFFFD0];
	v8 =	vadd.f32 v9, v8;
	v5 =	vadd.f32 v5, v6  }
0xcb: {  	v6 =	vld [tilespmem:s28+$0xFFFFFFD0]  }
0xcc: {  	v9 =	vld [tilespmem:s30+$0xFFFFFFE0];
	v8 =	vadd.f32 v10, v8;
	v5 =	vadd.f32 v7, v5  }
0xcd: {  	v7 =	vld [tilespmem:s28+$0xFFFFFFE0]  }
0xce: {  	v8 =	vadd.f32 v11, v8;
	v5 =	vadd.f32 v13, v5;
	v10 =	vld [tilespmem:s30+$0xFFFFFFF0]  }
0xcf: {  	v11 =	vld [tilespmem:s28+$0xFFFFFFF0]  }
0xd0: {  	v6 =	vadd.f32 v6, v8;
	v5 =	vadd.f32 v12, v5;
	v13 =	vld [tilespmem:s30+$0x0]  }
0xd1: {  	v12 =	vld [tilespmem:s28+$0x0]  }
0xd2: {  	v7 =	vadd.f32 v7, v6;
	v5 =	vadd.f32 v9, v5;
	v6 =	vld [tilespmem:s30+$0x10]  }
.Ltmp3:
0xd3: {  	v8 =	vld [tilespmem:s28+$0x10];
	(pc) =	sbr.rel @p0 .LBB2_8-.Ltmp3, $4  }
0xd4: {  	v7 =	vadd.f32 v11, v7;
	v10 =	vadd.f32 v10, v5;
	v5 =	vld [tilespmem:s30+$0x20]  }
0xd5: {  	v9 =	vld [tilespmem:s28+$0x20]  }
0xd6: {  	v12 =	vadd.f32 v12, v7;
	v11 =	vadd.f32 v13, v10;
	v7 =	vld [tilespmem:s30+$0x30]  }
0xd7: {  	s30 =	sadd.s32 $0x80, s30;
	v10 =	vld [tilespmem:s28+$0x30]  }
0xd8: {  	v8 =	vadd.f32 v8, v12;
	_ =	sdelay $0x1  }
0xd9: {  	v8 =	vadd.f32 v9, v8;
	_ =	sdelay $0x1  }
0xda: {  	v6 =	vadd.f32 v6, v11;
	v8 =	vadd.f32 v10, v8;
	_ =	sdelay $0x1  }
0xdb: {  	v5 =	vadd.f32 v5, v6;
	v6 =	vperm.xlane v8, v3;
	_ =	sdelay $0x1  }
0xdc: {  	(xrf2) =	vadd.scan.msk.f32 $0xffff, v6  }
0xdd: {  	v5 =	vadd.f32 v7, v5;
	_ =	sdelay $0x1  }
0xde: {  	v6 =	vperm.xlane v5, v3;
	_ =	sdelay $0x1  }
0xdf: {  	(xrf2) =	vadd.scan.msk.f32 $0xffff, v6;
	_ =	sdelay $0x2  }
0xe0: {  	s30 =	simm.s32 $0x3B  }
0xe1: {  	s29 =	simm.s32 $0x183F0;
	s31 =	simm.s32 $0x3E;
	s30 =	scvt.s32.f32 s30  }
0xe2: {  	s28 =	simm.s32 $0x38;
	s0 =	simm.s32 $0x3F;
	s31 =	scvt.s32.f32 s31;
	v7 =	vld [tilespmem:s29+$0x0];
	v6, _, _ =	vpop (xrf2)  }
0xe3: {  	s14 =	simm.s32 $0x39;
	s0 =	scvt.s32.f32 s0;
	s1 =	smul.f32 $9.768010340e-04, s30;
	v6 =	vperm.xlane v6, v3  }
0xe4: {  	v4 =	vadd.f32 v1, v4;
	s15 =	simm.s32 $0x3D;
	s14 =	scvt.s32.f32 s14;
	v9 =	vld [tilespmem:s29+$0xFFFFFFF0];
	s31 =	smul.f32 $9.768010340e-04, s31  }
0xe5: {  	s3 =	simm.s32 $0x3C;
	s15 =	scvt.s32.f32 s15;
	s0 =	smul.f32 $9.768010340e-04, s0;
	v6 =	vsub.f32 v6, v8  }
0xe6: {  	s3 =	scvt.s32.f32 s3;
	s30 =	simm.s32 $0x187F0;
	s14 =	smul.f32 $9.768010340e-04, s14;
	v10 =	vld [tilespmem:s29+$0xFFFFFFE0];
	v11 =	vadd.f32 s31, v4  }
0xe7: {  	s28 =	scvt.s32.f32 s28;
	s5 =	smul.f32 $9.768010340e-04, s15;
	v15 =	vadd.f32 s0, v4;
	v8, _, _ =	vpop (xrf2);
	v6 =	vadd.f32 v7, v6;
	v7 =	vld [tilespmem:s30+$0x0]  }
0xe8: {  	v12 =	vld [tilespmem:s29+$0xFFFFFFD0];
	s3 =	smul.f32 $9.768010340e-04, s3;
	v16 =	vadd.f32 s1, v4;
	v18 =	vadd.f32 s14, v4;
	v8 =	vperm.xlane v8, v3  }
0xe9: {  	s28 =	smul.f32 $9.768010340e-04, s28;
	v14 =	vld [tilespmem:s30+$0xFFFFFFF0];
	s14 =	simm.s32 $0x3A;
	v19 =	vadd.f32 s5, v4;
	v13 =	vmax.f32 v6, $1.000000000e-30;
	v9 =	vadd.f32 v9, v6  }
0xea: {  	v17 =	vld [tilespmem:s29+$0xFFFFFFC0];
	v20 =	vadd.f32 s3, v4;
	s1 =	scvt.s32.f32 s14;
	v5 =	vsub.f32 v8, v5;
	(erf) = vrcp.f32 v13  }
0xeb: {  	v8 =	vadd.f32 s28, v4;
	v6 =	vmul.f32 v6, v15;
	v10 =	vadd.f32 v10, v9  }
0xec: {  	s15 =	smul.f32 $9.768010340e-04, s1;
	v15 =	vmax.f32 v9, $1.000000000e-30;
	v11 =	vmul.f32 v9, v11;
	v5 =	vadd.f32 v7, v5;
	v7 =	vld [tilespmem:s29+$0xFFFFFFB0]  }
0xed: {  	(erf) = vrcp.f32 v15;
	v15 =	vld [tilespmem:s30+$0xFFFFFFE0];
	v9 =	vadd.f32 v12, v10;
	v21 =	vmax.f32 v10, $1.000000000e-30  }
0xee: {  	v19 =	vmul.f32 v10, v19;
	v10 =	vadd.f32 s15, v4;
	v12 =	vadd.f32 v14, v5;
	v14 =	vld [tilespmem:s29+$0xFFFFFFA0]  }
0xef: {  	v22 =	vld [tilespmem:s30+$0xFFFFFFD0];
	v13 =	vimm.f32 $-3.000000000e+00;
	v6 =	vsub.f32 v5, v6;
	v17 =	vadd.f32 v17, v9  }
0xf0: {  	v23 =	vld [tilespmem:s29+$0xFFFFFF90];
	(erf) = vrcp.f32 v21;
	v5 =	vadd.f32 $-1.000000000e+00, v5;
	v24 =	vadd.f32 $-1.000000000e+00, v12  }
0xf1: {  	[tilespmem:s29+$0xFFFFFFF0] =	vst v0;
	v21 =	vld [tilespmem:s30+$0xFFFFFFC0];
	v20 =	vmul.f32 v9, v20;
	v6 =	vadd.f32 $-1.000000000e+00, v6;
	v7 =	vadd.f32 v7, v17  }
0xf2: {  	v28 =	vld [tilespmem:s30+$0xFFFFFF90];
	[tilespmem:s29+$0xFFFFFFD0] =	vst v0;
	v25 =	vmax.f32 v9, $1.000000000e-30;
	v11 =	vsub.f32 v12, v11;
	v9 =	vadd.f32 v15, v12  }
0xf3: {  	[tilespmem:s29+$0xFFFFFF90] =	vst v0;
	v26 =	vmax.f32 v17, $1.000000000e-30;
	v15 =	vld [tilespmem:s30+$0xFFFFFFB0];
	vm0 =	vge.f32 v6, $0.0e+00;
	v27 =	vpop (erf);
	v12 =	vadd.f32 v14, v7  }
0xf4: {  	[tilespmem:s30+$0xFFFFFFF0] =	vst v0;
	v11 =	vadd.f32 $-1.000000000e+00, v11;
	v6 =	vadd.f32 v22, v9;
	v5 =	vmul.f32 v27, v5  }
0xf5: {  	[tilespmem:s30+$0xFFFFFFD0] =	vst v0;
	v14 =	vmax.f32 v7, $1.000000000e-30;
	v22 =	vld [tilespmem:s30+$0xFFFFFFA0];
	v10 =	vmul.f32 v7, v10;
	v7 =	vadd.f32 v23, v12  }
0xf6: {  	[tilespmem:s30+$0xFFFFFF90] =	vst v0;
	v17 =	vmul.f32 v17, v16;
	vm15 =	vge.f32 v11, $0.0e+00;
	v21 =	vadd.f32 v21, v6  }
0xf7: {  	[tilespmem:s29+$0x0] =	vst v0;
	v11 =	vmax.f32 v12, $1.000000000e-30;
	v63 =	vmul.f32 v7, v8;
	v8 =	vmax.f32 v7, $1.000000000e-30  }
0xf8: {  	[tilespmem:s30+$0x0] =	vst v0;
	v27 =	vnsel vm0, $0xC0400000, v5;
	v29 =	vadd.f32 v15, v21;
	v5 =	vpop (erf);
	(erf) = vrcp.f32 v8  }
0xf9: {  	[tilespmem:s29+$0xFFFFFFE0] =	vst v0;
	v8 =	vadd.f32 $-1.000000000e+00, v21;
	v23 =	vmul.f32 v5, v24;
	(erf) = vrcp.f32 v26  }
0xfa: {  	[tilespmem:s30+$0xFFFFFFE0] =	vst v0;
	v5 =	vadd.f32 $-1.000000000e+00, v6;
	v15 =	vadd.f32 v22, v29;
	(erf) = vrcp.f32 v11  }
0xfb: {  	[tilespmem:s29+$0xFFFFFFC0] =	vst v0;
	v6 =	vsub.f32 v6, v20;
	v16 =	vsub.f32 v29, v10;
	(erf) = vrcp.f32 v14  }
0xfc: {  	[tilespmem:s30+$0xFFFFFFC0] =	vst v0;
	v18 =	vmul.f32 v12, v18;
	v10 =	vadd.f32 v28, v15;
	v14 =	vsub.f32 v21, v17  }
0xfd: {  	[tilespmem:s29+$0xFFFFFFB0] =	vst v0;
	v13 =	vmax.f32 v13, v27;
	v12 =	vadd.f32 $-1.000000000e+00, v29;
	v6 =	vadd.f32 $-1.000000000e+00, v6  }
0xfe: {  	[tilespmem:s30+$0xFFFFFFB0] =	vst v0;
	v20 =	vnsel vm15, $0xC0400000, v23;
	v11 =	vsub.f32 v15, v18;
	v17 =	vsub.f32 v10, v63  }
0xff: {  	s31 =	simm.s32 $0x18770;
	[tilespmem:s29+$0xFFFFFFA0] =	vst v0;
	v18 =	vsub.f32 v9, v19;
	v13 =	vmax.f32 v13, v20;
	v19 =	vadd.f32 $-1.000000000e+00, v14  }
0x100: {  	s28 =	simm.s32 $0x0;
	s29 =	simm.s32 $0x30;
	[tilespmem:s30+$0xFFFFFFA0] =	vst v0;
	s30 =	simm.s32 $0x18370;
	v20 =	vadd.f32 $-1.000000000e+00, v10;
	v14 =	vpop (erf);
	v17 =	vadd.f32 $-1.000000000e+00, v17;
	(erf) = vrcp.f32 v25  }
.LBB2_10:
0x101: {  	v21 =	vld [tilespmem:s30+$0x0];
	s0 =	sadd.s32 $0x4, s29;
	s1 =	sadd.s32 $0x3, s29;
	s3 =	scvt.s32.f32 s29;
	v9 =	vadd.f32 $-1.000000000e+00, v9;
	vm0 =	vge.f32 v19, $0.0e+00;
	v16 =	vadd.f32 $-1.000000000e+00, v16;
	v19 =	vpop (erf)  }
0x102: {  	s14 =	sadd.s32 $0x6, s29;
	v23 =	vadd.f32 $-1.000000000e+00, v15;
	v22 =	vld [tilespmem:s31+$0xFFFFFFE0];
	s0 =	scvt.s32.f32 s0;
	s1 =	scvt.s32.f32 s1;
	v19 =	vmul.f32 v19, v20;
	vm2 =	vge.f32 v17, $0.0e+00;
	v17 =	vpop (erf)  }
0x103: {  	s15 =	sadd.s32 $0x7, s29;
	v18 =	vadd.f32 $-1.000000000e+00, v18;
	s14 =	scvt.s32.f32 s14;
	v20 =	vld [tilespmem:s30+$0xFFFFFFE0];
	s3 =	smul.f32 $9.768010340e-04, s3;
	v17 =	vmul.f32 v17, v8;
	vm1 =	vge.f32 v16, $0.0e+00;
	v8 =	vpop (erf)  }
0x104: {  	s4 =	sadd.s32 $0x1, s29;
	s15 =	scvt.s32.f32 s15;
	v9 =	vmul.f32 v14, v9;
	v16 =	vld [tilespmem:s31+$0xFFFFFFF0];
	[tilespmem:s30+$0xFFFFFFE0] =	vst v0;
	s1 =	smul.f32 $9.768010340e-04, s1;
	v14 =	vmul.f32 v8, v23;
	v8 =	vnsel vm2, $0xC0400000, v19;
	v15 =	vpop (erf)  }
0x105: {  	s5 =	sadd.s32 $0x5, s29;
	s4 =	scvt.s32.f32 s4;
	s14 =	smul.f32 $9.768010340e-04, s14;
	vm2 =	vge.f32 v18, $0.0e+00;
	v19 =	vld [tilespmem:s30+$0xFFFFFFF0];
	[tilespmem:s30+$0xFFFFFFF0] =	vst v0;
	v23 =	vadd.f32 s3, v4;
	v12 =	vmul.f32 v15, v12  }
0x106: {  	s28 =	sadd.s32 $0x8, s28;
	s5 =	scvt.s32.f32 s5;
	s3 =	smul.f32 $9.768010340e-04, s15;
	v9 =	vnsel vm2, $0xC0400000, v9;
	v17 =	vnsel vm0, $0xC0400000, v17;
	v7 =	vadd.f32 v21, v7;
	v15 =	vld [tilespmem:s31+$0x0];
	[tilespmem:s31+$0xFFFFFFF0] =	vst v0  }
0x107: {  	p0 =	slt.u32 s28, $0x38;
	v18 =	vadd.f32 s14, v4;
	v24 =	vadd.f32 s1, v4;
	s1 =	smul.f32 $9.768010340e-04, s4;
	v13 =	vmax.f32 v13, v9;
	[tilespmem:s30+$0x0] =	vst v0;
	v21 =	vld [tilespmem:s30+$0xFFFFFFD0]  }
0x108: {  	v9 =	vadd.f32 s3, v4;
	s3 =	smul.f32 $9.768010340e-04, s5;
	v12 =	vnsel vm1, $0xC0400000, v12;
	v29 =	vmax.f32 v7, $1.000000000e-30;
	[tilespmem:s31+$0x0] =	vst v0;
	v26 =	vld [tilespmem:s30+$0xFFFFFFC0]  }
0x109: {  	v11 =	vadd.f32 $-1.000000000e+00, v11;
	s0 =	smul.f32 $9.768010340e-04, s0;
	v28 =	vadd.f32 s1, v4;
	[tilespmem:s31+$0xFFFFFFE0] =	vst v0;
	v27 =	vld [tilespmem:s31+$0xFFFFFFC0];
	(erf) = vrcp.f32 v29;
	v25 =	vpop (erf)  }
0x10a: {  	s1 =	sadd.s32 $0x2, s29;
	v9 =	vmul.f32 v7, v9;
	v7 =	vadd.f32 v19, v7;
	v19 =	vadd.f32 s3, v4;
	[tilespmem:s30+$0xFFFFFFC0] =	vst v0;
	v29 =	vld [tilespmem:s31+$0xFFFFFFB0]  }
0x10b: {  	vm0 =	vge.f32 v6, $0.0e+00;
	v10 =	vadd.f32 v15, v10;
	v15 =	vadd.f32 s0, v4;
	[tilespmem:s31+$0xFFFFFFC0] =	vst v0;
	v30 =	vld [tilespmem:s30+$0xFFFFFFB0];
	s0 =	scvt.s32.f32 s1  }
0x10c: {  	v6 =	vmul.f32 v7, v18;
	v18 =	vmax.f32 v7, $1.000000000e-30;
	v7 =	vadd.f32 v20, v7;
	[tilespmem:s30+$0xFFFFFFB0] =	vst v0;
	v20 =	vld [tilespmem:s31+$0xFFFFFFA0]  }
0x10d: {  	v9 =	vsub.f32 v10, v9;
	v16 =	vadd.f32 v16, v10;
	s0 =	smul.f32 $9.768010340e-04, s0;
	[tilespmem:s31+$0xFFFFFFB0] =	vst v0;
	v31 =	vld [tilespmem:s30+$0xFFFFFFA0];
	(erf) = vrcp.f32 v18  }
0x10e: {  	vm1 =	vge.f32 v11, $0.0e+00;
	v18 =	vmax.f32 v7, $1.000000000e-30;
	v21 =	vadd.f32 v21, v7;
	v32 =	vld [tilespmem:s31+$0xFFFFFFD0];
	[tilespmem:s30+$0xFFFFFFA0] =	vst v0  }
0x10f: {  	v19 =	vmul.f32 v7, v19;
	[tilespmem:s30+$0xFFFFFFD0] =	vst v0;
	v7 =	vadd.f32 s0, v4;
	v11 =	vld [tilespmem:s30+$0xFFFFFF90];
	(erf) = vrcp.f32 v18  }
0x110: {  	v15 =	vmul.f32 v21, v15;
	[tilespmem:s31+$0xFFFFFFD0] =	vst v0;
	v18 =	vadd.f32 v26, v21;
	v26 =	vnsel vm1, $0xC0400000, v14  }
0x111: {  	v10 =	vadd.f32 $-1.000000000e+00, v10;
	v14 =	vadd.f32 $-1.000000000e+00, v16;
	v21 =	vmax.f32 v21, $1.000000000e-30;
	[tilespmem:s31+$0xFFFFFFA0] =	vst v0  }
0x112: {  	v33 =	vadd.f32 $-1.000000000e+00, v9;
	v34 =	vmax.f32 v18, $1.000000000e-30;
	v30 =	vadd.f32 v30, v18;
	v9 =	vpop (erf)  }
0x113: {  	v6 =	vsub.f32 v16, v6;
	v35 =	vmul.f32 v9, v10;
	v9 =	vadd.f32 v22, v16  }
0x114: {  	v5 =	vmul.f32 v25, v5;
	v16 =	vmax.f32 v30, $1.000000000e-30;
	v22 =	vadd.f32 v31, v30  }
0x115: {  	vm1 =	vge.f32 v33, $0.0e+00;
	v30 =	vmul.f32 v30, v7;
	v25 =	vadd.f32 v32, v9  }
0x116: {  	v31 =	vnsel vm1, $0xC0400000, v35;
	v7 =	vadd.f32 v11, v22;
	v10 =	vpop (erf);
	v11 =	vnsel vm0, $0xC0400000, v5  }
0x117: {  	v6 =	vadd.f32 $-1.000000000e+00, v6;
	v10 =	vmul.f32 v10, v14;
	v5 =	vadd.f32 $-1.000000000e+00, v25  }
0x118: {  	v27 =	vadd.f32 v27, v25;
	v23 =	vmul.f32 v7, v23;
	v32 =	vmax.f32 v7, $1.000000000e-30;
	v14 =	vpop (erf)  }
0x119: {  	vm0 =	vge.f32 v6, $0.0e+00;
	v6 =	vmax.f32 v22, $1.000000000e-30;
	v11 =	vmax.f32 v13, v11  }
0x11a: {  	v18 =	vmul.f32 v18, v24;
	v22 =	vmul.f32 v22, v28;
	v13 =	vsub.f32 v25, v15;
	v24 =	vld [tilespmem:s31+$0xFFFFFF90]  }
0x11b: {  	v11 =	vmax.f32 v11, v17;
	v25 =	vadd.f32 v29, v27;
	[tilespmem:s30+$0xFFFFFF90] =	vst v0;
	(erf) = vrcp.f32 v32  }
0x11c: {  	v17 =	vnsel vm0, $0xC0400000, v10;
	v10 =	vmax.f32 v11, v12;
	[tilespmem:s31+$0xFFFFFF90] =	vst v0;
	(erf) = vrcp.f32 v34  }
0x11d: {  	v11 =	vmax.f32 v10, v26;
	v15 =	vadd.f32 v20, v25;
	(erf) = vrcp.f32 v6  }
0x11e: {  	v12 =	vadd.f32 $-1.000000000e+00, v25;
	v6 =	vadd.f32 $-1.000000000e+00, v13;
	(erf) = vrcp.f32 v16  }
.Ltmp4:
0x11f: {  	v8 =	vmax.f32 v11, v8;
	v16 =	vsub.f32 v25, v30;
	v10 =	vadd.f32 v24, v15;
	(pc) =	sbr.rel @p0 .LBB2_10-.Ltmp4, $4  }
0x120: {  	v20 =	vsub.f32 v27, v18;
	v11 =	vmax.f32 v8, v31;
	v8 =	vadd.f32 $-1.000000000e+00, v27  }
0x121: {  	v13 =	vmax.f32 v11, v17;
	v11 =	vsub.f32 v15, v22;
	v17 =	vsub.f32 v10, v23  }
0x122: {  	v18 =	vsub.f32 v9, v19;
	v19 =	vadd.f32 $-1.000000000e+00, v20  }
0x123: {  	s29 =	sadd.s32 $0xFFFFFFF8, s29;
	s30 =	sadd.s32 $0xFFFFFF80, s30;
	s31 =	sadd.s32 $0xFFFFFF80, s31;
	v20 =	vadd.f32 $-1.000000000e+00, v10;
	v17 =	vadd.f32 $-1.000000000e+00, v17;
	(erf) = vrcp.f32 v21  }
0x124: {  	_ =	sdelay $0x3  }
0x125: {  	v4 =	vpop (erf)  }
0x126: {  	v7 =	vpop (erf)  }
0x127: {  	v9 =	vadd.f32 $-1.000000000e+00, v9;
	v16 =	vadd.f32 $-1.000000000e+00, v16;
	v10 =	vpop (erf)  }
0x128: {  	v18 =	vadd.f32 $-1.000000000e+00, v18;
	vm0 =	vge.f32 v19, $0.0e+00;
	v4 =	vmul.f32 v4, v20;
	v63 =	vpop (erf)  }
0x129: {  	vm13 =	vge.f32 v6, $0.0e+00;
	v7 =	vmul.f32 v7, v8;
	v9 =	vmul.f32 v14, v9;
	v8 =	vpop (erf)  }
0x12a: {  	vm1 =	vge.f32 v16, $0.0e+00;
	vm2 =	vge.f32 v18, $0.0e+00;
	v5 =	vmul.f32 v8, v5  }
0x12b: {  	v12 =	vmul.f32 v63, v12;
	v9 =	vnsel vm2, $0xC0400000, v9;
	v8 =	vadd.f32 $-1.000000000e+00, v15  }
0x12c: {  	v6 =	vmax.f32 v13, v9;
	v9 =	vadd.f32 $-1.000000000e+00, v11;
	v5 =	vnsel vm13, $0xC0400000, v5  }
0x12d: {  	v7 =	vnsel vm0, $0xC0400000, v7;
	v8 =	vmul.f32 v10, v8;
	v5 =	vmax.f32 v6, v5  }
0x12e: {  	vm14 =	vge.f32 v9, $0.0e+00;
	v6 =	vnsel vm1, $0xC0400000, v12;
	v5 =	vmax.f32 v5, v7  }
0x12f: {  	vm15 =	vge.f32 v17, $0.0e+00;
	v7 =	vnsel vm14, $0xC0400000, v8;
	v5 =	vmax.f32 v5, v6  }
0x130: {  	v4 =	vnsel vm15, $0xC0400000, v4;
	v5 =	vmax.f32 v5, v7  }
0x131: {  	v4 =	vmax.f32 v5, v4  }
0x132: {  	(xrf0) =	vmax.scan.msk.f32 $0xffff, v4;
	_ =	sdelay $0x5  }
0x133: {  	v4, _, _ =	vpop (xrf0)  }
0x134: {  	(v2sf) =	vpush v4, $0xF;
	_ =	sdelay $0xe  }
0x135: {  	s0 =	spop (v2sf)  }
0x136: {  	_ =	swait.ge [sflag:s19], $0x8000  }
0x137: {  	[sflag:s19] =	ssyncset.done $0x0  }
0x138: {  	s1 =	simm.s32 $0x40;
	[sflag:s19] =	ssyncadd.s32 $0xFFFF8000  }
0x139: {  	v5 =	vld [tilespmem:s1+$0xFFFFFFC0]  }
0x13a: {  	v6 =	vld [tilespmem:s1+$0x0]  }
0x13b: {  	s3 =	sadd.f32 $-3.051757810e-05, s25;
	v7 =	vld [tilespmem:s1+$0xFFFFFFD0]  }
0x13c: {  	s0 =	smax.f32 s26, s0;
	v8 =	vld [tilespmem:s1+$0x10]  }
0x13d: {  	s0 =	smin.f32 s3, s0;
	v9 =	vld [tilespmem:s1+$0xFFFFFFE0]  }
0x13e: {  	v4 =	vmov s0;
	v10 =	vld [tilespmem:s1+$0x20]  }
0x13f: {  	v11 =	vld [tilespmem:s1+$0xFFFFFFF0];
	v5 =	vsub.f32 v5, v4  }
0x140: {  	s25 =	simm.s32 $0xC0;
	v12 =	vld [tilespmem:s1+$0x30];
	v6 =	vsub.f32 v6, v4  }
0x141: {  	v13 =	vld [tilespmem:s25+$0x0];
	v7 =	vsub.f32 v7, v4;
	v5 =	vmax.f32 v5, $0.0e+00  }
0x142: {  	s26 =	simm.s32 $0x8040;
	v15 =	vld [tilespmem:s25+$0xFFFFFFC0];
	v8 =	vsub.f32 v8, v4;
	v6 =	vmax.f32 v6, $0.0e+00;
	[tilespmem:s1+$0xFFFFFFC0] =	vst v5  }
0x143: {  	v10 =	vsub.f32 v10, v4;
	[tilespmem:s1+$0x0] =	vst v6;
	v6 =	vmax.f32 v7, $0.0e+00;
	v5 =	vld [tilespmem:s26+$0xFFFFFFC0]  }
0x144: {  	v8 =	vmax.f32 v8, $0.0e+00;
	v7 =	vsub.f32 v9, v4;
	v9 =	vld [tilespmem:s26+$0x0];
	[tilespmem:s1+$0xFFFFFFD0] =	vst v6  }
0x145: {  	v10 =	vmax.f32 v10, $0.0e+00;
	[tilespmem:s1+$0x10] =	vst v8;
	v6 =	vsub.f32 v11, v4;
	v8 =	vld [tilespmem:s26+$0xFFFFFFD0]  }
0x146: {  	v11 =	vsub.f32 v12, v4;
	v7 =	vmax.f32 v7, $0.0e+00;
	v14 =	vld [tilespmem:s26+$0x10];
	[tilespmem:s1+$0x20] =	vst v10  }
0x147: {  	[tilespmem:s1+$0xFFFFFFE0] =	vst v7;
	v6 =	vmax.f32 v6, $0.0e+00;
	v10 =	vld [tilespmem:s26+$0x20]  }
0x148: {  	v7 =	vld [tilespmem:s26+$0xFFFFFFE0];
	[tilespmem:s1+$0xFFFFFFF0] =	vst v6;
	v6 =	vmax.f32 v11, $0.0e+00  }
0x149: {  	v12 =	vld [tilespmem:s26+$0xFFFFFFF0];
	[tilespmem:s1+$0x30] =	vst v6  }
0x14a: {  	v6 =	vld [tilespmem:s26+$0x30]  }
0x14b: {  	v16 =	vimm.f32 $-Inf;
	v17 =	vld [tilespmem:s25+$0x10]  }
0x14c: {  	v11 =	vld [tilespmem:s25+$0xFFFFFFD0];
	v5 =	vmax.f32 v16, v5  }
0x14d: {  	v5 =	vmax.f32 v5, v9;
	v9 =	vld [tilespmem:s25+$0x20];
	v8 =	vmax.f32 v16, v8  }
0x14e: {  	v18 =	vsub.f32 v13, v4;
	v8 =	vmax.f32 v8, v14;
	v13 =	vmax.f32 v16, v12;
	v12 =	vld [tilespmem:s25+$0xFFFFFFE0]  }
0x14f: {  	v7 =	vmax.f32 v16, v7;
	v16 =	vsub.f32 v15, v4;
	v6 =	vmax.f32 v13, v6;
	v13 =	vld [tilespmem:s25+$0xFFFFFFF0]  }
0x150: {  	s28 =	simm.s32 $0x8;
	s29 =	simm.s32 $0x140;
	v14 =	vsub.f32 v17, v4;
	v7 =	vmax.f32 v7, v10;
	v15 =	vmax.f32 v18, $0.0e+00;
	v10 =	vld [tilespmem:s25+$0x30]  }
.LBB2_12:
0x151: {  	v17 =	vld [tilespmem:s29+$0x0];
	v16 =	vmax.f32 v16, $0.0e+00;
	v11 =	vsub.f32 v11, v4;
	[tilespmem:s25+$0x0] =	vst v15;
	s26 =	sadd.s32 $0x80, s26  }
0x152: {  	[tilespmem:s25+$0xFFFFFFC0] =	vst v16;
	v15 =	vld [tilespmem:s26+$0x0];
	v14 =	vmax.f32 v14, $0.0e+00;
	v9 =	vsub.f32 v9, v4  }
0x153: {  	v16 =	vld [tilespmem:s26+$0xFFFFFFC0];
	v11 =	vmax.f32 v11, $0.0e+00;
	v12 =	vsub.f32 v12, v4;
	[tilespmem:s25+$0x10] =	vst v14  }
0x154: {  	[tilespmem:s25+$0xFFFFFFD0] =	vst v11;
	v11 =	vsub.f32 v13, v4;
	v13 =	vld [tilespmem:s26+$0x10];
	v9 =	vmax.f32 v9, $0.0e+00  }
0x155: {  	v14 =	vld [tilespmem:s26+$0xFFFFFFD0];
	v12 =	vmax.f32 v12, $0.0e+00;
	[tilespmem:s25+$0x20] =	vst v9;
	v9 =	vsub.f32 v10, v4  }
0x156: {  	[tilespmem:s25+$0xFFFFFFE0] =	vst v12;
	v10 =	vmax.f32 v11, $0.0e+00;
	v18 =	vld [tilespmem:s26+$0x20]  }
0x157: {  	v12 =	vld [tilespmem:s26+$0xFFFFFFE0];
	[tilespmem:s25+$0xFFFFFFF0] =	vst v10;
	v9 =	vmax.f32 v9, $0.0e+00  }
0x158: {  	v10 =	vld [tilespmem:s26+$0xFFFFFFF0];
	[tilespmem:s25+$0x30] =	vst v9;
	s25 =	smov.u32 s29  }
0x159: {  	v19 =	vld [tilespmem:s26+$0x30]  }
0x15a: {  	s28 =	sadd.s32 $0x8, s28;
	v20 =	vld [tilespmem:s29+$0xFFFFFFC0]  }
0x15b: {  	p0 =	slt.u32 s28, $0x7F8;
	v5 =	vmax.f32 v5, v16;
	v21 =	vld [tilespmem:s29+$0x10]  }
.Ltmp5:
0x15c: {  	v17 =	vsub.f32 v17, v4;
	v5 =	vmax.f32 v5, v15;
	v11 =	vld [tilespmem:s29+$0xFFFFFFD0];
	(pc) =	sbr.rel @p0 .LBB2_12-.Ltmp5, $4  }
0x15d: {  	v8 =	vmax.f32 v8, v14;
	v7 =	vmax.f32 v7, v12;
	v9 =	vld [tilespmem:s29+$0x20];
	v6 =	vmax.f32 v6, v10  }
0x15e: {  	v8 =	vmax.f32 v8, v13;
	v7 =	vmax.f32 v7, v18;
	v12 =	vld [tilespmem:s29+$0xFFFFFFE0];
	v6 =	vmax.f32 v6, v19  }
0x15f: {  	v16 =	vsub.f32 v20, v4;
	v13 =	vld [tilespmem:s29+$0xFFFFFFF0]  }
0x160: {  	v15 =	vmax.f32 v17, $0.0e+00;
	s29 =	sadd.s32 $0x80, s29;
	v14 =	vsub.f32 v21, v4;
	v10 =	vld [tilespmem:s25+$0x30]  }
0x161: {  	v16 =	vmax.f32 v16, $0.0e+00;
	v11 =	vsub.f32 v11, v4;
	s0 =	sadd.s32 $0x80, s26;
	[tilespmem:s25+$0x0] =	vst v15  }
0x162: {  	[tilespmem:s25+$0xFFFFFFC0] =	vst v16;
	v16 =	vld [tilespmem:s0+$0x0];
	v14 =	vmax.f32 v14, $0.0e+00;
	v9 =	vsub.f32 v9, v4  }
0x163: {  	v15 =	vld [tilespmem:s0+$0xFFFFFFC0];
	v11 =	vmax.f32 v11, $0.0e+00;
	v12 =	vsub.f32 v12, v4;
	[tilespmem:s25+$0x10] =	vst v14  }
0x164: {  	[tilespmem:s25+$0xFFFFFFD0] =	vst v11;
	v11 =	vsub.f32 v13, v4;
	v14 =	vld [tilespmem:s0+$0x10];
	v9 =	vmax.f32 v9, $0.0e+00  }
0x165: {  	v13 =	vld [tilespmem:s0+$0xFFFFFFD0];
	v12 =	vmax.f32 v12, $0.0e+00;
	v4 =	vsub.f32 v10, v4;
	[tilespmem:s25+$0x20] =	vst v9  }
0x166: {  	[tilespmem:s25+$0xFFFFFFE0] =	vst v12;
	v9 =	vmax.f32 v11, $0.0e+00;
	v11 =	vld [tilespmem:s0+$0x20]  }
0x167: {  	v10 =	vld [tilespmem:s0+$0xFFFFFFE0];
	[tilespmem:s25+$0xFFFFFFF0] =	vst v9;
	v4 =	vmax.f32 v4, $0.0e+00  }
0x168: {  	v9 =	vld [tilespmem:s0+$0xFFFFFFF0];
	[tilespmem:s25+$0x30] =	vst v4  }
0x169: {  	v4 =	vld [tilespmem:s0+$0x30];
	_ =	sdelay $0x1  }
0x16a: {  	v5 =	vmax.f32 v5, v15;
	v8 =	vmax.f32 v8, v13  }
0x16b: {  	v5 =	vmax.f32 v5, v16;
	v8 =	vmax.f32 v8, v14;
	v7 =	vmax.f32 v7, v10  }
0x16c: {  	v5 =	vmax.f32 v5, v8;
	v6 =	vmax.f32 v6, v9;
	v7 =	vmax.f32 v7, v11  }
0x16d: {  	v4 =	vmax.f32 v6, v4;
	v5 =	vmax.f32 v5, v7  }
0x16e: {  	v4 =	vmax.f32 v5, v4  }
0x16f: {  	(xrf0) =	vmax.scan.msk.f32 $0xffff, v4;
	_ =	sdelay $0x5  }
0x170: {  	v4, _, _ =	vpop (xrf0)  }
0x171: {  	(v2sf) =	vpush v4, $0xF;
	_ =	sdelay $0x9  }
0x172: {  	s29 =	simm.s32 $0x8080  }
0x173: {  	[hbm4b:s6+s13] =	stream.strided.scatter [tilespmem:s2], [sflag:$0x4], $0x8000, s12, s13, $0x38;
	[tilespmem:$0x18800] =	vst v63  }
0x174: {  	v15 =	vld [tilespmem:s29+$0x40]  }
0x175: {  	v16 =	vld [tilespmem:s29+$0x70]  }
0x176: {  	v17 =	vld [tilespmem:s29+$0x60]  }
0x177: {  	v20 =	vld [tilespmem:s29+$0xFFFFFF80];
	s25 =	spop (v2sf)  }
0x178: {  	v21 =	vld [tilespmem:s29+$0xFFFFFFF0];
	s26 =	sadd.f32 $-1.000000000e+00, s25;
	_ =	sdelay $0x1  }
0x179: {  	v4 =	vmov s26  }
0x17a: {  	v5 =	vsub.f32 v15, v4;
	v6 =	vsub.f32 v16, v4  }
0x17b: {  	v14 =	vld [tilespmem:s29+$0xFFFFFFA0];
	v7 =	vsub.f32 v17, v4;
	v8 =	vsub.f32 v20, v4  }
0x17c: {  	vm6 =	vge.f32 v20, v4;
	vm5 =	vge.f32 v15, v4;
	v28 =	vsub.f32 v21, v4  }
0x17d: {  	vm0 =	vge.f32 v17, v4;
	v5 =	vmul.f32 $1.023750000e+03, v5;
	v6 =	vmul.f32 $1.023750000e+03, v6  }
0x17e: {  	vm8 =	vge.f32 v16, v4;
	v7 =	vmul.f32 $1.023750000e+03, v7;
	v28 =	vmul.f32 $1.023750000e+03, v28  }
0x17f: {  	vm7 =	vge.f32 v21, v4;
	v5 =	vtrunc.f32 v5;
	v6 =	vtrunc.f32 v6  }
0x180: {  	v33 =	vsub.f32 v14, v4;
	v7 =	vtrunc.f32 v7;
	v6 =	vcvt.f32.s32 v6  }
0x181: {  	vm4 =	vge.f32 v14, v4;
	v9 =	vcvt.f32.s32 v5;
	v5 =	vcvt.f32.s32 v7  }
0x182: {  	v11 =	vld [tilespmem:s29+$0x30];
	v8 =	vmul.f32 $1.023750000e+03, v8;
	v28 =	vtrunc.f32 v28;
	v7 =	vshll.u32 v6, $0x4  }
0x183: {  	v6 =	vshrl.u32 v6, $0x6;
	v12 =	vshll.u32 v5, $0x4;
	v13 =	vshrl.u32 v5, $0x6;
	v5 =	vld [tilespmem:s29+$0x10]  }
0x184: {  	v28 =	vcvt.f32.s32 v28;
	v6 =	vor.u32 v6, v7;
	v7 =	vtrunc.f32 v8;
	v8 =	vld [tilespmem:s29+$0x20]  }
0x185: {  	v12 =	vor.u32 v13, v12;
	v7 =	vcvt.f32.s32 v7;
	v19 =	vand.u32 $0x3FF, v6;
	v6 =	vld [tilespmem:s29+$0x0]  }
0x186: {  	v10 =	vshll.u32 v9, $0x4;
	v9 =	vshrl.u32 v9, $0x6;
	v22 =	vand.u32 $0x3FF, v12;
	v12 =	vld [tilespmem:s29+$0xFFFFFFD0]  }
0x187: {  	v9 =	vor.u32 v9, v10;
	v10 =	vshll.u32 v7, $0x4;
	v7 =	vshrl.u32 v7, $0x6  }
0x188: {  	v62 =	vshrl.u32 v28, $0x6;
	v25 =	vand.u32 $0x3FF, v9;
	v9 =	vor.u32 v7, v10  }
0x189: {  	v18 =	vsub.f32 v5, v4;
	v23 =	vand.u32 $0x3FF, v9;
	v9 =	vsub.f32 v11, v4  }
0x18a: {  	v28 =	vshll.u32 v28, $0x4;
	v10 =	vld [tilespmem:s29+$0xFFFFFFC0];
	v13 =	vsub.f32 v8, v4;
	v26 =	vsub.f32 v6, v4  }
0x18b: {  	v29 =	vmul.f32 $1.023750000e+03, v18;
	v30 =	vsub.f32 v12, v4;
	v24 =	vmul.f32 $1.023750000e+03, v9;
	v9 =	vld [tilespmem:s29+$0xFFFFFFB0]  }
0x18c: {  	v28 =	vor.u32 v62, v28;
	v27 =	vmul.f32 $1.023750000e+03, v13;
	v26 =	vmul.f32 $1.023750000e+03, v26  }
0x18d: {  	v28 =	vand.u32 $0x3FF, v28;
	v7 =	vld [tilespmem:s29+$0xFFFFFFE0];
	v29 =	vtrunc.f32 v29;
	v30 =	vmul.f32 $1.023750000e+03, v30  }
0x18e: {  	vm2 =	vge.f32 v5, v4;
	v13 =	vld [tilespmem:s29+$0xFFFFFF90];
	v27 =	vtrunc.f32 v27;
	v31 =	vtrunc.f32 v24  }
0x18f: {  	[tilespmem:v22+s17+$0x0] =	vst.idx.add.f32.msk vm0, v2;
	v32 =	vsub.f32 v10, v4;
	v29 =	vcvt.f32.s32 v29;
	v24 =	vtrunc.f32 v26  }
0x190: {  	[tilespmem:v19+s17+$0x0] =	vst.idx.add.f32.msk vm8, v2;
	v26 =	vcvt.f32.s32 v31;
	v27 =	vcvt.f32.s32 v27;
	v31 =	vsub.f32 v9, v4  }
0x191: {  	vm3 =	vge.f32 v12, v4;
	[tilespmem:v22+s18+$0x0] =	vst.idx.add.f32.msk vm0, v17;
	v30 =	vtrunc.f32 v30;
	v22 =	vmul.f32 $1.023750000e+03, v32  }
0x192: {  	[tilespmem:v19+s18+$0x0] =	vst.idx.add.f32.msk vm8, v16;
	v18 =	vsub.f32 v7, v4;
	v36 =	vmul.f32 $1.023750000e+03, v31;
	v31 =	vmul.f32 $1.023750000e+03, v33  }
0x193: {  	[tilespmem:v23+s17+$0x0] =	vst.idx.add.f32.msk vm6, v2;
	v19 =	vshll.u32 v29, $0x4;
	v30 =	vcvt.f32.s32 v30;
	v35 =	vsub.f32 v13, v4  }
0x194: {  	[tilespmem:v23+s18+$0x0] =	vst.idx.add.f32.msk vm6, v20;
	v23 =	vshrl.u32 v29, $0x6;
	v34 =	vshll.u32 v26, $0x4;
	v31 =	vtrunc.f32 v31  }
0x195: {  	v26 =	vshrl.u32 v26, $0x6;
	v17 =	vmul.f32 $1.023750000e+03, v35;
	v31 =	vcvt.f32.s32 v31  }
0x196: {  	vm1 =	vge.f32 v13, v4;
	vm0 =	vge.f32 v9, v4;
	v26 =	vor.u32 v26, v34  }
0x197: {  	v16 =	vtrunc.f32 v17;
	v63 =	vshll.u32 v31, $0x4;
	v17 =	vshrl.u32 v31, $0x6  }
0x198: {  	[tilespmem:v28+s17+$0x0] =	vst.idx.add.f32.msk vm7, v2;
	v22 =	vtrunc.f32 v22;
	v16 =	vcvt.f32.s32 v16;
	v17 =	vor.u32 v17, v63  }
0x199: {  	[tilespmem:v28+s18+$0x0] =	vst.idx.add.f32.msk vm7, v21;
	v21 =	vshrl.u32 v30, $0x6;
	v31 =	vand.u32 $0x3FF, v17;
	v17 =	vcvt.f32.s32 v22  }
0x19a: {  	v20 =	vtrunc.f32 v36;
	v22 =	vshll.u32 v16, $0x4;
	v16 =	vshrl.u32 v16, $0x6  }
0x19b: {  	[tilespmem:v25+s17+$0x0] =	vst.idx.add.f32.msk vm5, v2;
	v16 =	vor.u32 v16, v22;
	v29 =	vshll.u32 v17, $0x4;
	v17 =	vshrl.u32 v17, $0x6  }
0x19c: {  	[tilespmem:v25+s18+$0x0] =	vst.idx.add.f32.msk vm5, v15;
	v22 =	vand.u32 $0x3FF, v16;
	v16 =	vshll.u32 v30, $0x4;
	v15 =	vor.u32 v17, v29  }
0x19d: {  	s28 =	simm.s32 $0x0;
	v20 =	vcvt.f32.s32 v20;
	v17 =	vand.u32 $0x3FF, v15;
	v15 =	vor.u32 v21, v16;
	v16 =	vld [tilespmem:s29+$0x50];
	s29 =	simm.s32 $0x8180  }
.LBB2_14:
0x19e: {  	s28 =	sadd.s32 $0x10, s28;
	[tilespmem:v31+s17+$0x0] =	vst.idx.add.f32.msk vm4, v2;
	v21 =	vand.u32 $0x3FF, v15;
	v19 =	vor.u32 v23, v19;
	v25 =	vshll.u32 v27, $0x4  }
0x19f: {  	vm5 =	vge.f32 v10, v4;
	v15 =	vld [tilespmem:s29+$0x40];
	p0 =	slt.u32 s28, $0x7F0;
	v29 =	vshll.u32 v20, $0x4;
	v28 =	vand.u32 $0x3FF, v19  }
0x1a0: {  	v24 =	vcvt.f32.s32 v24;
	v27 =	vshrl.u32 v27, $0x6;
	v20 =	vshrl.u32 v20, $0x6;
	v19 =	vld [tilespmem:s29+$0x70]  }
0x1a1: {  	v18 =	vmul.f32 $1.023750000e+03, v18;
	v25 =	vor.u32 v27, v25;
	v29 =	vor.u32 v20, v29;
	v23 =	vld [tilespmem:s29+$0x60]  }
0x1a2: {  	v26 =	vand.u32 $0x3FF, v26;
	v34 =	vand.u32 $0x3FF, v25;
	v27 =	vand.u32 $0x3FF, v29;
	v20 =	vld [tilespmem:s29+$0xFFFFFF80]  }
0x1a3: {  	v18 =	vtrunc.f32 v18;
	v25 =	vshll.u32 v24, $0x4;
	v24 =	vshrl.u32 v24, $0x6;
	v35 =	vld [tilespmem:s29+$0xFFFFFF90]  }
0x1a4: {  	v18 =	vcvt.f32.s32 v18;
	v24 =	vor.u32 v24, v25;
	v25 =	vsub.f32 v16, v4;
	v30 =	vld [tilespmem:s29+$0xFFFFFFA0]  }
0x1a5: {  	v36 =	vand.u32 $0x3FF, v24;
	v32 =	vsub.f32 v15, v4;
	v29 =	vld [tilespmem:s29+$0xFFFFFFB0];
	v33 =	vsub.f32 v19, v4  }
0x1a6: {  	v38 =	vshll.u32 v18, $0x4;
	v39 =	vmul.f32 $1.023750000e+03, v25;
	v24 =	vld [tilespmem:s29+$0xFFFFFFC0];
	v37 =	vsub.f32 v23, v4  }
0x1a7: {  	v18 =	vshrl.u32 v18, $0x6;
	v41 =	vmul.f32 $1.023750000e+03, v32;
	v40 =	vld [tilespmem:s29+$0xFFFFFFD0];
	v33 =	vmul.f32 $1.023750000e+03, v33  }
0x1a8: {  	v18 =	vor.u32 v18, v38;
	v42 =	vsub.f32 v20, v4;
	v32 =	vld [tilespmem:s29+$0xFFFFFFE0];
	v37 =	vmul.f32 $1.023750000e+03, v37  }
0x1a9: {  	v38 =	vtrunc.f32 v41;
	v25 =	vld [tilespmem:s29+$0xFFFFFFF0];
	v41 =	vtrunc.f32 v33;
	v33 =	vand.u32 $0x3FF, v18  }
0x1aa: {  	vm7 =	vmmov vm2;
	v43 =	vld [tilespmem:s29+$0x0];
	v18 =	vtrunc.f32 v37;
	v37 =	vcvt.f32.s32 v41  }
0x1ab: {  	vm2 =	vge.f32 v11, v4;
	v38 =	vcvt.f32.s32 v38;
	v41 =	vmul.f32 $1.023750000e+03, v42;
	v42 =	vld [tilespmem:s29+$0x10]  }
0x1ac: {  	v18 =	vcvt.f32.s32 v18;
	v44 =	vshll.u32 v37, $0x4;
	v37 =	vshrl.u32 v37, $0x6;
	[tilespmem:v31+s18+$0x0] =	vst.idx.add.f32.msk vm4, v14;
	v14 =	vmovc v30  }
0x1ad: {  	v30 =	vshll.u32 v38, $0x4;
	v38 =	vshrl.u32 v38, $0x6;
	v31 =	vld [tilespmem:s29+$0x20];
	v37 =	vor.u32 v37, v44  }
0x1ae: {  	v45 =	vshll.u32 v18, $0x4;
	v18 =	vshrl.u32 v18, $0x6;
	v44 =	vld [tilespmem:s29+$0x30];
	v37 =	vand.u32 $0x3FF, v37  }
0x1af: {  	v39 =	vtrunc.f32 v39;
	v41 =	vtrunc.f32 v41;
	v18 =	vor.u32 v18, v45;
	[tilespmem:v22+s17+$0x0] =	vst.idx.add.f32.msk vm1, v2  }
0x1b0: {  	v41 =	vcvt.f32.s32 v41;
	v30 =	vor.u32 v38, v30;
	v38 =	vand.u32 $0x3FF, v18;
	[tilespmem:v21+s17+$0x0] =	vst.idx.add.f32.msk vm3, v2  }
0x1b1: {  	vm9 =	vge.f32 v8, v4;
	v30 =	vand.u32 $0x3FF, v30;
	v18 =	vcvt.f32.s32 v39;
	[tilespmem:v28+s17+$0x0] =	vst.idx.add.f32.msk vm7, v2  }
0x1b2: {  	vm4 =	vge.f32 v6, v4;
	v39 =	vshll.u32 v41, $0x4;
	v41 =	vshrl.u32 v41, $0x6;
	[tilespmem:v17+s17+$0x0] =	vst.idx.add.f32.msk vm5, v2  }
0x1b3: {  	v39 =	vor.u32 v41, v39;
	[tilespmem:v21+s18+$0x0] =	vst.idx.add.f32.msk vm3, v12;
	v21 =	vshll.u32 v18, $0x4;
	v18 =	vshrl.u32 v18, $0x6;
	v12 =	vmovc v40  }
0x1b4: {  	vm12 =	vge.f32 v16, v4;
	v39 =	vand.u32 $0x3FF, v39;
	[tilespmem:v26+s17+$0x0] =	vst.idx.add.f32.msk vm2, v2;
	v18 =	vor.u32 v18, v21  }
0x1b5: {  	vm10 =	vge.f32 v7, v4;
	vm8 =	vge.f32 v20, v4;
	[tilespmem:v26+s18+$0x0] =	vst.idx.add.f32.msk vm2, v11;
	v26 =	vand.u32 $0x3FF, v18  }
0x1b6: {  	vm6 =	vge.f32 v15, v4;
	v18 =	vsub.f32 v44, v4;
	[tilespmem:v22+s18+$0x0] =	vst.idx.add.f32.msk vm1, v13;
	v13 =	vmov v35  }
0x1b7: {  	vm3 =	vge.f32 v23, v4;
	v21 =	vimm.f32 $0.0e+00;
	v11 =	vmovc v44;
	v22 =	vsub.f32 v31, v4;
	[tilespmem:v34+s17+$0x0] =	vst.idx.add.f32.msk vm9, v2  }
0x1b8: {  	vm2 =	vge.f32 v42, v4;
	v35 =	vsub.f32 v42, v4;
	v40 =	vmul.f32 $1.023750000e+03, v18;
	[tilespmem:v36+s17+$0x0] =	vst.idx.add.f32.msk vm4, v2  }
0x1b9: {  	vm11 =	vge.f32 v19, v4;
	v41 =	vsub.f32 v43, v4;
	v22 =	vmul.f32 $1.023750000e+03, v22;
	[tilespmem:v34+s18+$0x0] =	vst.idx.add.f32.msk vm9, v8  }
0x1ba: {  	v44 =	vsub.f32 v25, v4;
	vm9 =	vge.f32 v25, v4;
	v34 =	vmul.f32 $1.023750000e+03, v35;
	[tilespmem:v26+s17+$0x0] =	vst.idx.add.f32.msk vm12, v2  }
0x1bb: {  	v18 =	vsub.f32 v32, v4;
	v35 =	vmul.f32 $1.023750000e+03, v41;
	v22 =	vtrunc.f32 v22;
	[tilespmem:v17+s18+$0x0] =	vst.idx.add.f32.msk vm5, v10;
	v10 =	vmovc v24  }
0x1bc: {  	v41 =	vmul.f32 $1.023750000e+03, v44;
	v40 =	vtrunc.f32 v40;
	v8 =	vmovc v31;
	v17 =	vsub.f32 v12, v4;
	[tilespmem:v26+s18+$0x0] =	vst.idx.add.f32.msk vm12, v16  }
0x1bd: {  	v24 =	vtrunc.f32 v35;
	v16 =	vsub.f32 v10, v4;
	v26 =	vcvt.f32.s32 v40;
	[tilespmem:v36+s18+$0x0] =	vst.idx.add.f32.msk vm4, v6;
	v6 =	vmovc v43  }
0x1be: {  	v31 =	vsub.f32 v29, v4;
	v35 =	vtrunc.f32 v41;
	v34 =	vtrunc.f32 v34;
	[tilespmem:v28+s18+$0x0] =	vst.idx.add.f32.msk vm7, v5;
	v5 =	vmovc v42  }
0x1bf: {  	v35 =	vcvt.f32.s32 v35;
	v28 =	vsub.f32 v14, v4;
	v36 =	vshll.u32 v26, $0x4;
	[tilespmem:v33+s17+$0x0] =	vst.idx.add.f32.msk vm10, v2  }
0x1c0: {  	v41 =	vmul.f32 $1.023750000e+03, v31;
	v40 =	vsub.f32 v13, v4;
	v26 =	vshrl.u32 v26, $0x6;
	[tilespmem:v27+s17+$0x0] =	vst.idx.add.f32.msk vm0, v2  }
0x1c1: {  	v31 =	vshrl.u32 v35, $0x6;
	v26 =	vor.u32 v26, v36;
	v28 =	vmul.f32 $1.023750000e+03, v28;
	[tilespmem:v27+s18+$0x0] =	vst.idx.add.f32.msk vm0, v9;
	v9 =	vmovc v29  }
0x1c2: {  	vm4 =	vge.f32 v14, v4;
	v27 =	vshll.u32 v35, $0x4;
	v29 =	vcvt.f32.s32 v34;
	[tilespmem:v33+s18+$0x0] =	vst.idx.add.f32.msk vm10, v7;
	v7 =	vmovc v32  }
0x1c3: {  	vm1 =	vge.f32 v13, v4;
	v28 =	vtrunc.f32 v28;
	v27 =	vor.u32 v31, v27;
	[tilespmem:v38+s17+$0x0] =	vst.idx.add.f32.msk vm3, v2  }
0x1c4: {  	v28 =	vcvt.f32.s32 v28;
	v32 =	vand.u32 $0x3FF, v27;
	v27 =	vcvt.f32.s32 v22;
	[tilespmem:v38+s18+$0x0] =	vst.idx.add.f32.msk vm3, v23  }
0x1c5: {  	v16 =	vmul.f32 $1.023750000e+03, v16;
	v22 =	vmul.f32 $1.023750000e+03, v40;
	vm3 =	vge.f32 v12, v4;
	[tilespmem:v37+s17+$0x0] =	vst.idx.add.f32.msk vm11, v2  }
0x1c6: {  	v17 =	vmul.f32 $1.023750000e+03, v17;
	vm0 =	vge.f32 v9, v4;
	v23 =	vshll.u32 v28, $0x4;
	[tilespmem:v37+s18+$0x0] =	vst.idx.add.f32.msk vm11, v19  }
0x1c7: {  	v22 =	vtrunc.f32 v22;
	v28 =	vshrl.u32 v28, $0x6;
	v19 =	vshll.u32 v29, $0x4;
	[tilespmem:v39+s17+$0x0] =	vst.idx.add.f32.msk vm8, v2  }
0x1c8: {  	v17 =	vtrunc.f32 v17;
	v16 =	vtrunc.f32 v16;
	[tilespmem:v39+s18+$0x0] =	vst.idx.add.f32.msk vm8, v20;
	v20 =	vor.u32 v28, v23  }
0x1c9: {  	v16 =	vcvt.f32.s32 v16;
	v22 =	vcvt.f32.s32 v22;
	v31 =	vand.u32 $0x3FF, v20;
	[tilespmem:v30+s17+$0x0] =	vst.idx.add.f32.msk vm6, v2  }
.Ltmp6:
0x1ca: {  	v17 =	vcvt.f32.s32 v17;
	v23 =	vshrl.u32 v29, $0x6;
	v20 =	vtrunc.f32 v41;
	[tilespmem:v32+s17+$0x0] =	vst.idx.add.f32.msk vm9, v2;
	(pc) =	sbr.rel @p0 .LBB2_14-.Ltmp6, $4  }
0x1cb: {  	v28 =	vshll.u32 v22, $0x4;
	v22 =	vshrl.u32 v22, $0x6;
	v29 =	vshll.u32 v16, $0x4;
	[tilespmem:v32+s18+$0x0] =	vst.idx.add.f32.msk vm9, v25  }
0x1cc: {  	v16 =	vshrl.u32 v16, $0x6;
	v22 =	vor.u32 v22, v28;
	v25 =	vshrl.u32 v17, $0x6;
	[tilespmem:v30+s18+$0x0] =	vst.idx.add.f32.msk vm6, v15  }
0x1cd: {  	v22 =	vand.u32 $0x3FF, v22;
	v15 =	vor.u32 v16, v29;
	v16 =	vshll.u32 v17, $0x4  }
0x1ce: {  	s30 =	simm.s32 $0x18440;
	v20 =	vcvt.f32.s32 v20;
	v17 =	vand.u32 $0x3FF, v15;
	v15 =	vor.u32 v25, v16;
	v16 =	vld [tilespmem:s29+$0x50];
	s29 =	sadd.s32 $0x100, s29  }
0x1cf: {  	_ =	sdelay $0x3  }
0x1d0: {  	v15 =	vand.u32 $0x3FF, v15;
	v19 =	vor.u32 v23, v19;
	vm2 =	vmmov vm2  }
0x1d1: {  	vm5 =	vge.f32 v10, v4;
	[tilespmem:v31+s17+$0x0] =	vst.idx.add.f32.msk vm4, v2;
	v19 =	vand.u32 $0x3FF, v19  }
0x1d2: {  	v25 =	vshll.u32 v27, $0x4;
	[tilespmem:v22+s17+$0x0] =	vst.idx.add.f32.msk vm1, v2  }
0x1d3: {  	vm13 =	vge.f32 v11, v4;
	[tilespmem:v31+s18+$0x0] =	vst.idx.add.f32.msk vm4, v14;
	v14 =	vshrl.u32 v27, $0x6;
	v61 =	vsub.f32 v16, v4  }
0x1d4: {  	v26 =	vand.u32 $0x3FF, v26;
	vm6 =	vge.f32 v8, v4;
	[tilespmem:v22+s18+$0x0] =	vst.idx.add.f32.msk vm1, v13;
	v14 =	vor.u32 v14, v25  }
0x1d5: {  	v14 =	vand.u32 $0x3FF, v14;
	[tilespmem:v15+s17+$0x0] =	vst.idx.add.f32.msk vm3, v2;
	v23 =	vmul.f32 $1.023750000e+03, v61  }
0x1d6: {  	v24 =	vcvt.f32.s32 v24;
	[tilespmem:v19+s17+$0x0] =	vst.idx.add.f32.msk vm2, v2  }
0x1d7: {  	v18 =	vmul.f32 $1.023750000e+03, v18;
	vm7 =	vge.f32 v6, v4;
	[tilespmem:v17+s17+$0x0] =	vst.idx.add.f32.msk vm5, v2;
	v23 =	vtrunc.f32 v23  }
0x1d8: {  	v62 =	vshll.u32 v24, $0x4;
	v24 =	vshrl.u32 v24, $0x6;
	[tilespmem:v15+s18+$0x0] =	vst.idx.add.f32.msk vm3, v12;
	v23 =	vcvt.f32.s32 v23  }
0x1d9: {  	v13 =	vshll.u32 v20, $0x4;
	v63 =	vshrl.u32 v20, $0x6;
	v24 =	vor.u32 v24, v62;
	[tilespmem:v26+s17+$0x0] =	vst.idx.add.f32.msk vm13, v2  }
0x1da: {  	v24 =	vand.u32 $0x3FF, v24;
	[tilespmem:v14+s17+$0x0] =	vst.idx.add.f32.msk vm6, v2;
	v12 =	vshll.u32 v23, $0x4;
	v15 =	vshrl.u32 v23, $0x6  }
0x1db: {  	[tilespmem:v14+s18+$0x0] =	vst.idx.add.f32.msk vm6, v8;
	v8 =	vor.u32 v63, v13;
	v12 =	vor.u32 v15, v12;
	v15 =	vtrunc.f32 v18  }
0x1dc: {  	[tilespmem:v26+s18+$0x0] =	vst.idx.add.f32.msk vm13, v11;
	v8 =	vand.u32 $0x3FF, v8;
	v11 =	vand.u32 $0x3FF, v12;
	v12 =	vcvt.f32.s32 v15  }
0x1dd: {  	vm14 =	vge.f32 v16, v4;
	[tilespmem:v17+s18+$0x0] =	vst.idx.add.f32.msk vm5, v10  }
0x1de: {  	[tilespmem:v19+s18+$0x0] =	vst.idx.add.f32.msk vm2, v5;
	v15 =	vshll.u32 v12, $0x4;
	v12 =	vshrl.u32 v12, $0x6  }
0x1df: {  	vm15 =	vge.f32 v7, v4;
	[tilespmem:v24+s17+$0x0] =	vst.idx.add.f32.msk vm7, v2;
	v12 =	vor.u32 v12, v15  }
0x1e0: {  	[tilespmem:v24+s18+$0x0] =	vst.idx.add.f32.msk vm7, v6;
	v12 =	vand.u32 $0x3FF, v12  }
0x1e1: {  	[tilespmem:v8+s17+$0x0] =	vst.idx.add.f32.msk vm0, v2  }
0x1e2: {  	[tilespmem:v8+s18+$0x0] =	vst.idx.add.f32.msk vm0, v9  }
0x1e3: {  	[tilespmem:v11+s17+$0x0] =	vst.idx.add.f32.msk vm14, v2  }
0x1e4: {  	[tilespmem:v11+s18+$0x0] =	vst.idx.add.f32.msk vm14, v16  }
0x1e5: {  	[tilespmem:v12+s17+$0x0] =	vst.idx.add.f32.msk vm15, v2  }
0x1e6: {  	[tilespmem:v12+s18+$0x0] =	vst.idx.add.f32.msk vm15, v7  }
0x1e7: {  	s28 =	simm.s32 $0x18040;
	v5 =	vld [tilespmem:s30+$0xFFFFFFC0]  }
0x1e8: {  	v6 =	vld [tilespmem:s28+$0xFFFFFFC0]  }
0x1e9: {  	v7 =	vld [tilespmem:s30+$0xFFFFFFD0]  }
0x1ea: {  	v8 =	vld [tilespmem:s28+$0xFFFFFFD0]  }
0x1eb: {  	v9 =	vld [tilespmem:s30+$0xFFFFFFE0]  }
0x1ec: {  	v10 =	vld [tilespmem:s28+$0xFFFFFFE0]  }
0x1ed: {  	v11 =	vld [tilespmem:s30+$0xFFFFFFF0];
	v6 =	vadd.f32 v6, v21;
	v5 =	vadd.f32 v5, v21  }
0x1ee: {  	v12 =	vld [tilespmem:s28+$0xFFFFFFF0]  }
0x1ef: {  	v13 =	vld [tilespmem:s30+$0x0];
	v8 =	vadd.f32 v8, v6;
	v5 =	vadd.f32 v7, v5  }
0x1f0: {  	v14 =	vld [tilespmem:s28+$0x0]  }
0x1f1: {  	v6 =	vld [tilespmem:s30+$0x10];
	v7 =	vadd.f32 v10, v8;
	v9 =	vadd.f32 v9, v5  }
0x1f2: {  	v8 =	vld [tilespmem:s28+$0x10]  }
0x1f3: {  	v5 =	vld [tilespmem:s30+$0x20];
	v10 =	vadd.f32 v12, v7;
	v11 =	vadd.f32 v11, v9  }
0x1f4: {  	v9 =	vld [tilespmem:s28+$0x20]  }
0x1f5: {  	v7 =	vld [tilespmem:s30+$0x30];
	v12 =	vadd.f32 v14, v10;
	v11 =	vadd.f32 v13, v11  }
0x1f6: {  	s29 =	simm.s32 $0x0;
	s30 =	simm.s32 $0x184C0;
	v10 =	vld [tilespmem:s28+$0x30]  }
.LBB2_16:
0x1f7: {  	v13 =	vld [tilespmem:s30+$0xFFFFFFC0];
	v8 =	vadd.f32 v8, v12;
	v6 =	vadd.f32 v6, v11;
	s28 =	sadd.s32 $0x80, s28  }
0x1f8: {  	s29 =	sadd.s32 $0x8, s29;
	v11 =	vld [tilespmem:s28+$0xFFFFFFC0]  }
0x1f9: {  	p0 =	slt.u32 s29, $0x38;
	v12 =	vld [tilespmem:s30+$0xFFFFFFD0];
	v8 =	vadd.f32 v9, v8;
	v5 =	vadd.f32 v5, v6  }
0x1fa: {  	v6 =	vld [tilespmem:s28+$0xFFFFFFD0]  }
0x1fb: {  	v9 =	vld [tilespmem:s30+$0xFFFFFFE0];
	v8 =	vadd.f32 v10, v8;
	v5 =	vadd.f32 v7, v5  }
0x1fc: {  	v7 =	vld [tilespmem:s28+$0xFFFFFFE0]  }
0x1fd: {  	v8 =	vadd.f32 v11, v8;
	v5 =	vadd.f32 v13, v5;
	v10 =	vld [tilespmem:s30+$0xFFFFFFF0]  }
0x1fe: {  	v11 =	vld [tilespmem:s28+$0xFFFFFFF0]  }
0x1ff: {  	v6 =	vadd.f32 v6, v8;
	v5 =	vadd.f32 v12, v5;
	v13 =	vld [tilespmem:s30+$0x0]  }
0x200: {  	v12 =	vld [tilespmem:s28+$0x0]  }
0x201: {  	v7 =	vadd.f32 v7, v6;
	v5 =	vadd.f32 v9, v5;
	v6 =	vld [tilespmem:s30+$0x10]  }
.Ltmp7:
0x202: {  	v8 =	vld [tilespmem:s28+$0x10];
	(pc) =	sbr.rel @p0 .LBB2_16-.Ltmp7, $4  }
0x203: {  	v7 =	vadd.f32 v11, v7;
	v10 =	vadd.f32 v10, v5;
	v5 =	vld [tilespmem:s30+$0x20]  }
0x204: {  	v9 =	vld [tilespmem:s28+$0x20]  }
0x205: {  	v12 =	vadd.f32 v12, v7;
	v11 =	vadd.f32 v13, v10;
	v7 =	vld [tilespmem:s30+$0x30]  }
0x206: {  	s30 =	sadd.s32 $0x80, s30;
	v10 =	vld [tilespmem:s28+$0x30]  }
0x207: {  	v8 =	vadd.f32 v8, v12;
	_ =	sdelay $0x1  }
0x208: {  	v8 =	vadd.f32 v9, v8  }
0x209: {  	v6 =	vadd.f32 v6, v11  }
0x20a: {  	v8 =	vadd.f32 v10, v8  }
0x20b: {  	v5 =	vadd.f32 v5, v6  }
0x20c: {  	v6 =	vperm.xlane v8, v3  }
0x20d: {  	v5 =	vadd.f32 v7, v5  }
0x20e: {  	(xrf2) =	vadd.scan.msk.f32 $0xffff, v6  }
0x20f: {  	v6 =	vperm.xlane v5, v3;
	_ =	sdelay $0x1  }
0x210: {  	(xrf2) =	vadd.scan.msk.f32 $0xffff, v6;
	_ =	sdelay $0x5  }
0x211: {  	s29 =	simm.s32 $0x183F0;
	s3 =	simm.s32 $0x3E  }
0x212: {  	s4 =	simm.s32 $0x3F;
	s3 =	scvt.s32.f32 s3;
	v7 =	vld [tilespmem:s29+$0x0];
	v6, _, _ =	vpop (xrf2)  }
0x213: {  	s0 =	simm.s32 $0x38;
	s4 =	scvt.s32.f32 s4;
	v6 =	vperm.xlane v6, v3  }
0x214: {  	s1 =	simm.s32 $0x3B;
	v4 =	vadd.f32 v1, v4;
	s0 =	scvt.s32.f32 s0;
	v9 =	vld [tilespmem:s29+$0xFFFFFFF0];
	s3 =	smul.f32 $9.768010340e-04, s3  }
0x215: {  	s1 =	scvt.s32.f32 s1;
	s4 =	smul.f32 $9.768010340e-04, s4;
	v6 =	vsub.f32 v6, v8;
	v8, _, _ =	vpop (xrf2)  }
0x216: {  	s5 =	simm.s32 $0x39;
	s30 =	simm.s32 $0x187F0;
	s0 =	smul.f32 $9.768010340e-04, s0;
	v10 =	vld [tilespmem:s29+$0xFFFFFFE0];
	v11 =	vadd.f32 s3, v4;
	v8 =	vperm.xlane v8, v3  }
0x217: {  	s14 =	simm.s32 $0x3D;
	s5 =	scvt.s32.f32 s5;
	s1 =	smul.f32 $9.768010340e-04, s1;
	v15 =	vadd.f32 s4, v4;
	v6 =	vadd.f32 v7, v6;
	v7 =	vld [tilespmem:s30+$0x0]  }
0x218: {  	s15 =	simm.s32 $0x3C;
	v12 =	vld [tilespmem:s29+$0xFFFFFFD0];
	v5 =	vsub.f32 v8, v5;
	v8 =	vadd.f32 s0, v4;
	s0 =	scvt.s32.f32 s14  }
0x219: {  	s15 =	scvt.s32.f32 s15;
	v14 =	vld [tilespmem:s30+$0xFFFFFFF0];
	v16 =	vadd.f32 s1, v4;
	s14 =	smul.f32 $9.768010340e-04, s5;
	v13 =	vmax.f32 v6, $1.000000000e-30;
	v9 =	vadd.f32 v9, v6  }
0x21a: {  	v17 =	vld [tilespmem:s29+$0xFFFFFFC0];
	s4 =	simm.s32 $0x3A;
	v6 =	vmul.f32 v6, v15;
	(erf) = vrcp.f32 v13;
	v13 =	vimm.f32 $-3.000000000e+00;
	s0 =	smul.f32 $9.768010340e-04, s0  }
0x21b: {  	s1 =	scvt.s32.f32 s4;
	v18 =	vadd.f32 s14, v4;
	s14 =	smul.f32 $9.768010340e-04, s15;
	v15 =	vmax.f32 v9, $1.000000000e-30;
	v10 =	vadd.f32 v10, v9  }
0x21c: {  	v11 =	vmul.f32 v9, v11;
	v19 =	vadd.f32 s0, v4;
	v5 =	vadd.f32 v7, v5;
	v7 =	vld [tilespmem:s29+$0xFFFFFFB0]  }
0x21d: {  	s15 =	smul.f32 $9.768010340e-04, s1;
	(erf) = vrcp.f32 v15;
	v15 =	vld [tilespmem:s30+$0xFFFFFFE0];
	v20 =	vadd.f32 s14, v4;
	v9 =	vadd.f32 v12, v10  }
0x21e: {  	v21 =	vmax.f32 v10, $1.000000000e-30;
	v6 =	vsub.f32 v5, v6;
	v12 =	vadd.f32 v14, v5;
	v14 =	vld [tilespmem:s29+$0xFFFFFFA0]  }
0x21f: {  	v22 =	vld [tilespmem:s30+$0xFFFFFFD0];
	v19 =	vmul.f32 v10, v19;
	v10 =	vadd.f32 s15, v4;
	v17 =	vadd.f32 v17, v9  }
0x220: {  	v23 =	vld [tilespmem:s29+$0xFFFFFF90];
	(erf) = vrcp.f32 v21;
	v5 =	vadd.f32 $-1.000000000e+00, v5;
	v24 =	vadd.f32 $-1.000000000e+00, v12  }
0x221: {  	[tilespmem:s29+$0xFFFFFFF0] =	vst v0;
	v21 =	vld [tilespmem:s30+$0xFFFFFFC0];
	v20 =	vmul.f32 v9, v20;
	v6 =	vadd.f32 $-1.000000000e+00, v6;
	v7 =	vadd.f32 v7, v17  }
0x222: {  	v28 =	vld [tilespmem:s30+$0xFFFFFF90];
	[tilespmem:s29+$0xFFFFFFD0] =	vst v0;
	v25 =	vmax.f32 v9, $1.000000000e-30;
	v11 =	vsub.f32 v12, v11;
	v9 =	vadd.f32 v15, v12  }
0x223: {  	[tilespmem:s29+$0xFFFFFF90] =	vst v0;
	v26 =	vmax.f32 v17, $1.000000000e-30;
	v15 =	vld [tilespmem:s30+$0xFFFFFFB0];
	vm0 =	vge.f32 v6, $0.0e+00;
	v27 =	vpop (erf);
	v12 =	vadd.f32 v14, v7  }
0x224: {  	[tilespmem:s30+$0xFFFFFFF0] =	vst v0;
	v11 =	vadd.f32 $-1.000000000e+00, v11;
	v6 =	vadd.f32 v22, v9;
	v5 =	vmul.f32 v27, v5  }
0x225: {  	[tilespmem:s30+$0xFFFFFFD0] =	vst v0;
	v14 =	vmax.f32 v7, $1.000000000e-30;
	v22 =	vld [tilespmem:s30+$0xFFFFFFA0];
	v10 =	vmul.f32 v7, v10;
	v7 =	vadd.f32 v23, v12  }
0x226: {  	[tilespmem:s30+$0xFFFFFF90] =	vst v0;
	v17 =	vmul.f32 v17, v16;
	vm15 =	vge.f32 v11, $0.0e+00;
	v21 =	vadd.f32 v21, v6  }
0x227: {  	[tilespmem:s29+$0x0] =	vst v0;
	v11 =	vmax.f32 v12, $1.000000000e-30;
	v63 =	vmul.f32 v7, v8;
	v8 =	vmax.f32 v7, $1.000000000e-30  }
0x228: {  	[tilespmem:s30+$0x0] =	vst v0;
	v27 =	vnsel vm0, $0xC0400000, v5;
	v29 =	vadd.f32 v15, v21;
	v5 =	vpop (erf);
	(erf) = vrcp.f32 v8  }
0x229: {  	[tilespmem:s29+$0xFFFFFFE0] =	vst v0;
	v8 =	vadd.f32 $-1.000000000e+00, v21;
	v23 =	vmul.f32 v5, v24;
	(erf) = vrcp.f32 v26  }
0x22a: {  	[tilespmem:s30+$0xFFFFFFE0] =	vst v0;
	v5 =	vadd.f32 $-1.000000000e+00, v6;
	v15 =	vadd.f32 v22, v29;
	(erf) = vrcp.f32 v11  }
0x22b: {  	[tilespmem:s29+$0xFFFFFFC0] =	vst v0;
	v6 =	vsub.f32 v6, v20;
	v16 =	vsub.f32 v29, v10;
	(erf) = vrcp.f32 v14  }
0x22c: {  	[tilespmem:s30+$0xFFFFFFC0] =	vst v0;
	v18 =	vmul.f32 v12, v18;
	v10 =	vadd.f32 v28, v15;
	v14 =	vsub.f32 v21, v17  }
0x22d: {  	[tilespmem:s29+$0xFFFFFFB0] =	vst v0;
	v13 =	vmax.f32 v13, v27;
	v12 =	vadd.f32 $-1.000000000e+00, v29;
	v6 =	vadd.f32 $-1.000000000e+00, v6  }
0x22e: {  	[tilespmem:s30+$0xFFFFFFB0] =	vst v0;
	v20 =	vnsel vm15, $0xC0400000, v23;
	v11 =	vsub.f32 v15, v18;
	v17 =	vsub.f32 v10, v63  }
0x22f: {  	s28 =	simm.s32 $0x0;
	[tilespmem:s29+$0xFFFFFFA0] =	vst v0;
	v18 =	vsub.f32 v9, v19;
	v13 =	vmax.f32 v13, v20;
	v19 =	vadd.f32 $-1.000000000e+00, v14  }
0x230: {  	s31 =	simm.s32 $0x18770;
	s29 =	simm.s32 $0x30;
	[tilespmem:s30+$0xFFFFFFA0] =	vst v0;
	s30 =	simm.s32 $0x18370;
	v20 =	vadd.f32 $-1.000000000e+00, v10;
	v14 =	vpop (erf);
	v17 =	vadd.f32 $-1.000000000e+00, v17;
	(erf) = vrcp.f32 v25  }
.LBB2_18:
0x231: {  	v21 =	vld [tilespmem:s30+$0x0];
	s0 =	sadd.s32 $0x4, s29;
	s1 =	sadd.s32 $0x3, s29;
	s3 =	scvt.s32.f32 s29;
	v9 =	vadd.f32 $-1.000000000e+00, v9;
	vm0 =	vge.f32 v19, $0.0e+00;
	v16 =	vadd.f32 $-1.000000000e+00, v16;
	v19 =	vpop (erf)  }
0x232: {  	s4 =	sadd.s32 $0x6, s29;
	v23 =	vadd.f32 $-1.000000000e+00, v15;
	v22 =	vld [tilespmem:s31+$0xFFFFFFE0];
	s0 =	scvt.s32.f32 s0;
	s1 =	scvt.s32.f32 s1;
	v19 =	vmul.f32 v19, v20;
	vm2 =	vge.f32 v17, $0.0e+00;
	v17 =	vpop (erf)  }
0x233: {  	s5 =	sadd.s32 $0x7, s29;
	v18 =	vadd.f32 $-1.000000000e+00, v18;
	s4 =	scvt.s32.f32 s4;
	v20 =	vld [tilespmem:s30+$0xFFFFFFE0];
	s3 =	smul.f32 $9.768010340e-04, s3;
	v17 =	vmul.f32 v17, v8;
	vm1 =	vge.f32 v16, $0.0e+00;
	v8 =	vpop (erf)  }
0x234: {  	s14 =	sadd.s32 $0x1, s29;
	s5 =	scvt.s32.f32 s5;
	v9 =	vmul.f32 v14, v9;
	v16 =	vld [tilespmem:s31+$0xFFFFFFF0];
	[tilespmem:s30+$0xFFFFFFE0] =	vst v0;
	s1 =	smul.f32 $9.768010340e-04, s1;
	v14 =	vmul.f32 v8, v23;
	v8 =	vnsel vm2, $0xC0400000, v19;
	v15 =	vpop (erf)  }
0x235: {  	s15 =	sadd.s32 $0x5, s29;
	s14 =	scvt.s32.f32 s14;
	s4 =	smul.f32 $9.768010340e-04, s4;
	vm2 =	vge.f32 v18, $0.0e+00;
	v19 =	vld [tilespmem:s30+$0xFFFFFFF0];
	[tilespmem:s30+$0xFFFFFFF0] =	vst v0;
	v23 =	vadd.f32 s3, v4;
	v12 =	vmul.f32 v15, v12  }
0x236: {  	s28 =	sadd.s32 $0x8, s28;
	s3 =	smul.f32 $9.768010340e-04, s5;
	s5 =	scvt.s32.f32 s15;
	v9 =	vnsel vm2, $0xC0400000, v9;
	v17 =	vnsel vm0, $0xC0400000, v17;
	v7 =	vadd.f32 v21, v7;
	v15 =	vld [tilespmem:s31+$0x0];
	[tilespmem:s31+$0xFFFFFFF0] =	vst v0  }
0x237: {  	p0 =	slt.u32 s28, $0x38;
	v18 =	vadd.f32 s4, v4;
	v24 =	vadd.f32 s1, v4;
	s1 =	smul.f32 $9.768010340e-04, s14;
	v13 =	vmax.f32 v13, v9;
	[tilespmem:s30+$0x0] =	vst v0;
	v21 =	vld [tilespmem:s30+$0xFFFFFFD0]  }
0x238: {  	v9 =	vadd.f32 s3, v4;
	s3 =	smul.f32 $9.768010340e-04, s5;
	v12 =	vnsel vm1, $0xC0400000, v12;
	v29 =	vmax.f32 v7, $1.000000000e-30;
	[tilespmem:s31+$0x0] =	vst v0;
	v26 =	vld [tilespmem:s30+$0xFFFFFFC0]  }
0x239: {  	v11 =	vadd.f32 $-1.000000000e+00, v11;
	s0 =	smul.f32 $9.768010340e-04, s0;
	v28 =	vadd.f32 s1, v4;
	[tilespmem:s31+$0xFFFFFFE0] =	vst v0;
	v27 =	vld [tilespmem:s31+$0xFFFFFFC0];
	(erf) = vrcp.f32 v29;
	v25 =	vpop (erf)  }
0x23a: {  	s1 =	sadd.s32 $0x2, s29;
	v9 =	vmul.f32 v7, v9;
	v7 =	vadd.f32 v19, v7;
	v19 =	vadd.f32 s3, v4;
	[tilespmem:s30+$0xFFFFFFC0] =	vst v0;
	v29 =	vld [tilespmem:s31+$0xFFFFFFB0]  }
0x23b: {  	vm0 =	vge.f32 v6, $0.0e+00;
	v10 =	vadd.f32 v15, v10;
	v15 =	vadd.f32 s0, v4;
	[tilespmem:s31+$0xFFFFFFC0] =	vst v0;
	v30 =	vld [tilespmem:s30+$0xFFFFFFB0];
	s0 =	scvt.s32.f32 s1  }
0x23c: {  	v6 =	vmul.f32 v7, v18;
	v18 =	vmax.f32 v7, $1.000000000e-30;
	v7 =	vadd.f32 v20, v7;
	[tilespmem:s30+$0xFFFFFFB0] =	vst v0;
	v20 =	vld [tilespmem:s31+$0xFFFFFFA0]  }
0x23d: {  	v9 =	vsub.f32 v10, v9;
	v16 =	vadd.f32 v16, v10;
	s0 =	smul.f32 $9.768010340e-04, s0;
	[tilespmem:s31+$0xFFFFFFB0] =	vst v0;
	v31 =	vld [tilespmem:s30+$0xFFFFFFA0];
	(erf) = vrcp.f32 v18  }
0x23e: {  	vm1 =	vge.f32 v11, $0.0e+00;
	v18 =	vmax.f32 v7, $1.000000000e-30;
	v21 =	vadd.f32 v21, v7;
	v32 =	vld [tilespmem:s31+$0xFFFFFFD0];
	[tilespmem:s30+$0xFFFFFFA0] =	vst v0  }
0x23f: {  	v19 =	vmul.f32 v7, v19;
	[tilespmem:s30+$0xFFFFFFD0] =	vst v0;
	v7 =	vadd.f32 s0, v4;
	v11 =	vld [tilespmem:s30+$0xFFFFFF90];
	(erf) = vrcp.f32 v18  }
0x240: {  	v15 =	vmul.f32 v21, v15;
	[tilespmem:s31+$0xFFFFFFD0] =	vst v0;
	v18 =	vadd.f32 v26, v21;
	v26 =	vnsel vm1, $0xC0400000, v14  }
0x241: {  	v10 =	vadd.f32 $-1.000000000e+00, v10;
	v14 =	vadd.f32 $-1.000000000e+00, v16;
	v21 =	vmax.f32 v21, $1.000000000e-30;
	[tilespmem:s31+$0xFFFFFFA0] =	vst v0  }
0x242: {  	v33 =	vadd.f32 $-1.000000000e+00, v9;
	v34 =	vmax.f32 v18, $1.000000000e-30;
	v30 =	vadd.f32 v30, v18;
	v9 =	vpop (erf)  }
0x243: {  	v6 =	vsub.f32 v16, v6;
	v35 =	vmul.f32 v9, v10;
	v9 =	vadd.f32 v22, v16  }
0x244: {  	v5 =	vmul.f32 v25, v5;
	v16 =	vmax.f32 v30, $1.000000000e-30;
	v22 =	vadd.f32 v31, v30  }
0x245: {  	vm1 =	vge.f32 v33, $0.0e+00;
	v30 =	vmul.f32 v30, v7;
	v25 =	vadd.f32 v32, v9  }
0x246: {  	v31 =	vnsel vm1, $0xC0400000, v35;
	v7 =	vadd.f32 v11, v22;
	v10 =	vpop (erf);
	v11 =	vnsel vm0, $0xC0400000, v5  }
0x247: {  	v6 =	vadd.f32 $-1.000000000e+00, v6;
	v10 =	vmul.f32 v10, v14;
	v5 =	vadd.f32 $-1.000000000e+00, v25  }
0x248: {  	v27 =	vadd.f32 v27, v25;
	v23 =	vmul.f32 v7, v23;
	v32 =	vmax.f32 v7, $1.000000000e-30;
	v14 =	vpop (erf)  }
0x249: {  	vm0 =	vge.f32 v6, $0.0e+00;
	v6 =	vmax.f32 v22, $1.000000000e-30;
	v11 =	vmax.f32 v13, v11  }
0x24a: {  	v18 =	vmul.f32 v18, v24;
	v22 =	vmul.f32 v22, v28;
	v13 =	vsub.f32 v25, v15;
	v24 =	vld [tilespmem:s31+$0xFFFFFF90]  }
0x24b: {  	v11 =	vmax.f32 v11, v17;
	v25 =	vadd.f32 v29, v27;
	[tilespmem:s30+$0xFFFFFF90] =	vst v0;
	(erf) = vrcp.f32 v32  }
0x24c: {  	v17 =	vnsel vm0, $0xC0400000, v10;
	v10 =	vmax.f32 v11, v12;
	[tilespmem:s31+$0xFFFFFF90] =	vst v0;
	(erf) = vrcp.f32 v34  }
0x24d: {  	v11 =	vmax.f32 v10, v26;
	v15 =	vadd.f32 v20, v25;
	(erf) = vrcp.f32 v6  }
0x24e: {  	v12 =	vadd.f32 $-1.000000000e+00, v25;
	v6 =	vadd.f32 $-1.000000000e+00, v13;
	(erf) = vrcp.f32 v16  }
.Ltmp8:
0x24f: {  	v8 =	vmax.f32 v11, v8;
	v16 =	vsub.f32 v25, v30;
	v10 =	vadd.f32 v24, v15;
	(pc) =	sbr.rel @p0 .LBB2_18-.Ltmp8, $4  }
0x250: {  	v20 =	vsub.f32 v27, v18;
	v11 =	vmax.f32 v8, v31;
	v8 =	vadd.f32 $-1.000000000e+00, v27  }
0x251: {  	v13 =	vmax.f32 v11, v17;
	v11 =	vsub.f32 v15, v22;
	v17 =	vsub.f32 v10, v23  }
0x252: {  	v18 =	vsub.f32 v9, v19;
	v19 =	vadd.f32 $-1.000000000e+00, v20  }
0x253: {  	s29 =	sadd.s32 $0xFFFFFFF8, s29;
	s30 =	sadd.s32 $0xFFFFFF80, s30;
	s31 =	sadd.s32 $0xFFFFFF80, s31;
	v20 =	vadd.f32 $-1.000000000e+00, v10;
	v17 =	vadd.f32 $-1.000000000e+00, v17;
	(erf) = vrcp.f32 v21  }
0x254: {  	_ =	sdelay $0x3  }
0x255: {  	v4 =	vpop (erf)  }
0x256: {  	v7 =	vpop (erf)  }
0x257: {  	v9 =	vadd.f32 $-1.000000000e+00, v9;
	v16 =	vadd.f32 $-1.000000000e+00, v16;
	v10 =	vpop (erf)  }
0x258: {  	v18 =	vadd.f32 $-1.000000000e+00, v18;
	vm0 =	vge.f32 v19, $0.0e+00;
	v4 =	vmul.f32 v4, v20;
	v63 =	vpop (erf)  }
0x259: {  	vm13 =	vge.f32 v6, $0.0e+00;
	v7 =	vmul.f32 v7, v8;
	v9 =	vmul.f32 v14, v9;
	v8 =	vpop (erf)  }
0x25a: {  	vm1 =	vge.f32 v16, $0.0e+00;
	vm2 =	vge.f32 v18, $0.0e+00;
	v5 =	vmul.f32 v8, v5  }
0x25b: {  	v12 =	vmul.f32 v63, v12;
	v9 =	vnsel vm2, $0xC0400000, v9;
	v8 =	vadd.f32 $-1.000000000e+00, v15  }
0x25c: {  	v6 =	vmax.f32 v13, v9;
	v9 =	vadd.f32 $-1.000000000e+00, v11;
	v5 =	vnsel vm13, $0xC0400000, v5  }
0x25d: {  	v7 =	vnsel vm0, $0xC0400000, v7;
	v8 =	vmul.f32 v10, v8;
	v5 =	vmax.f32 v6, v5  }
0x25e: {  	vm14 =	vge.f32 v9, $0.0e+00;
	v6 =	vnsel vm1, $0xC0400000, v12;
	v5 =	vmax.f32 v5, v7  }
0x25f: {  	vm15 =	vge.f32 v17, $0.0e+00;
	v7 =	vnsel vm14, $0xC0400000, v8;
	v5 =	vmax.f32 v5, v6  }
0x260: {  	v4 =	vnsel vm15, $0xC0400000, v4;
	v5 =	vmax.f32 v5, v7  }
0x261: {  	v4 =	vmax.f32 v5, v4  }
0x262: {  	(xrf0) =	vmax.scan.msk.f32 $0xffff, v4;
	_ =	sdelay $0x5  }
0x263: {  	v4, _, _ =	vpop (xrf0)  }
0x264: {  	(v2sf) =	vpush v4, $0xF;
	_ =	sdelay $0xe  }
0x265: {  	s0 =	spop (v2sf)  }
0x266: {  	_ =	swait.ge [sflag:s20], $0x8000  }
0x267: {  	[sflag:s20] =	ssyncset.done $0x0  }
0x268: {  	s1 =	simm.s32 $0x8040;
	[sflag:s20] =	ssyncadd.s32 $0xFFFF8000  }
0x269: {  	v5 =	vld [tilespmem:s1+$0xFFFFFFC0]  }
0x26a: {  	v6 =	vld [tilespmem:s1+$0x0]  }
0x26b: {  	s3 =	sadd.f32 $-3.051757810e-05, s25;
	v7 =	vld [tilespmem:s1+$0xFFFFFFD0]  }
0x26c: {  	s0 =	smax.f32 s26, s0;
	v8 =	vld [tilespmem:s1+$0x10]  }
0x26d: {  	s0 =	smin.f32 s3, s0;
	v9 =	vld [tilespmem:s1+$0xFFFFFFE0]  }
0x26e: {  	v4 =	vmov s0;
	v10 =	vld [tilespmem:s1+$0x20]  }
0x26f: {  	v11 =	vld [tilespmem:s1+$0xFFFFFFF0];
	v5 =	vsub.f32 v5, v4  }
0x270: {  	s25 =	simm.s32 $0x80C0;
	v12 =	vld [tilespmem:s1+$0x30];
	v6 =	vsub.f32 v6, v4  }
0x271: {  	v13 =	vld [tilespmem:s25+$0x0];
	v7 =	vsub.f32 v7, v4;
	v5 =	vmax.f32 v5, $0.0e+00  }
0x272: {  	s26 =	simm.s32 $0x10040;
	v15 =	vld [tilespmem:s25+$0xFFFFFFC0];
	v8 =	vsub.f32 v8, v4;
	v6 =	vmax.f32 v6, $0.0e+00;
	[tilespmem:s1+$0xFFFFFFC0] =	vst v5  }
0x273: {  	v10 =	vsub.f32 v10, v4;
	[tilespmem:s1+$0x0] =	vst v6;
	v6 =	vmax.f32 v7, $0.0e+00;
	v5 =	vld [tilespmem:s26+$0xFFFFFFC0]  }
0x274: {  	v8 =	vmax.f32 v8, $0.0e+00;
	v7 =	vsub.f32 v9, v4;
	v9 =	vld [tilespmem:s26+$0x0];
	[tilespmem:s1+$0xFFFFFFD0] =	vst v6  }
0x275: {  	v10 =	vmax.f32 v10, $0.0e+00;
	[tilespmem:s1+$0x10] =	vst v8;
	v6 =	vsub.f32 v11, v4;
	v8 =	vld [tilespmem:s26+$0xFFFFFFD0]  }
0x276: {  	v11 =	vsub.f32 v12, v4;
	v7 =	vmax.f32 v7, $0.0e+00;
	v14 =	vld [tilespmem:s26+$0x10];
	[tilespmem:s1+$0x20] =	vst v10  }
0x277: {  	[tilespmem:s1+$0xFFFFFFE0] =	vst v7;
	v6 =	vmax.f32 v6, $0.0e+00;
	v10 =	vld [tilespmem:s26+$0x20]  }
0x278: {  	v7 =	vld [tilespmem:s26+$0xFFFFFFE0];
	[tilespmem:s1+$0xFFFFFFF0] =	vst v6;
	v6 =	vmax.f32 v11, $0.0e+00  }
0x279: {  	v12 =	vld [tilespmem:s26+$0xFFFFFFF0];
	[tilespmem:s1+$0x30] =	vst v6  }
0x27a: {  	v6 =	vld [tilespmem:s26+$0x30]  }
0x27b: {  	v16 =	vimm.f32 $-Inf;
	v17 =	vld [tilespmem:s25+$0x10]  }
0x27c: {  	v11 =	vld [tilespmem:s25+$0xFFFFFFD0];
	v5 =	vmax.f32 v16, v5  }
0x27d: {  	v5 =	vmax.f32 v5, v9;
	v9 =	vld [tilespmem:s25+$0x20];
	v8 =	vmax.f32 v16, v8  }
0x27e: {  	v18 =	vsub.f32 v13, v4;
	v8 =	vmax.f32 v8, v14;
	v13 =	vmax.f32 v16, v12;
	v12 =	vld [tilespmem:s25+$0xFFFFFFE0]  }
0x27f: {  	v7 =	vmax.f32 v16, v7;
	v16 =	vsub.f32 v15, v4;
	v6 =	vmax.f32 v13, v6;
	v13 =	vld [tilespmem:s25+$0xFFFFFFF0]  }
0x280: {  	s28 =	simm.s32 $0x8;
	s29 =	simm.s32 $0x8140;
	v14 =	vsub.f32 v17, v4;
	v7 =	vmax.f32 v7, v10;
	v15 =	vmax.f32 v18, $0.0e+00;
	v10 =	vld [tilespmem:s25+$0x30]  }
.LBB2_20:
0x281: {  	v17 =	vld [tilespmem:s29+$0x0];
	v16 =	vmax.f32 v16, $0.0e+00;
	v11 =	vsub.f32 v11, v4;
	[tilespmem:s25+$0x0] =	vst v15;
	s26 =	sadd.s32 $0x80, s26  }
0x282: {  	[tilespmem:s25+$0xFFFFFFC0] =	vst v16;
	v15 =	vld [tilespmem:s26+$0x0];
	v14 =	vmax.f32 v14, $0.0e+00;
	v9 =	vsub.f32 v9, v4  }
0x283: {  	v16 =	vld [tilespmem:s26+$0xFFFFFFC0];
	v11 =	vmax.f32 v11, $0.0e+00;
	v12 =	vsub.f32 v12, v4;
	[tilespmem:s25+$0x10] =	vst v14  }
0x284: {  	[tilespmem:s25+$0xFFFFFFD0] =	vst v11;
	v11 =	vsub.f32 v13, v4;
	v13 =	vld [tilespmem:s26+$0x10];
	v9 =	vmax.f32 v9, $0.0e+00  }
0x285: {  	v14 =	vld [tilespmem:s26+$0xFFFFFFD0];
	v12 =	vmax.f32 v12, $0.0e+00;
	[tilespmem:s25+$0x20] =	vst v9;
	v9 =	vsub.f32 v10, v4  }
0x286: {  	[tilespmem:s25+$0xFFFFFFE0] =	vst v12;
	v10 =	vmax.f32 v11, $0.0e+00;
	v18 =	vld [tilespmem:s26+$0x20]  }
0x287: {  	v12 =	vld [tilespmem:s26+$0xFFFFFFE0];
	[tilespmem:s25+$0xFFFFFFF0] =	vst v10;
	v9 =	vmax.f32 v9, $0.0e+00  }
0x288: {  	v10 =	vld [tilespmem:s26+$0xFFFFFFF0];
	[tilespmem:s25+$0x30] =	vst v9;
	s25 =	smov.u32 s29  }
0x289: {  	v19 =	vld [tilespmem:s26+$0x30]  }
0x28a: {  	s28 =	sadd.s32 $0x8, s28;
	v20 =	vld [tilespmem:s29+$0xFFFFFFC0]  }
0x28b: {  	p0 =	slt.u32 s28, $0x7F8;
	v5 =	vmax.f32 v5, v16;
	v21 =	vld [tilespmem:s29+$0x10]  }
.Ltmp9:
0x28c: {  	v17 =	vsub.f32 v17, v4;
	v5 =	vmax.f32 v5, v15;
	v11 =	vld [tilespmem:s29+$0xFFFFFFD0];
	(pc) =	sbr.rel @p0 .LBB2_20-.Ltmp9, $4  }
0x28d: {  	v8 =	vmax.f32 v8, v14;
	v7 =	vmax.f32 v7, v12;
	v9 =	vld [tilespmem:s29+$0x20];
	v6 =	vmax.f32 v6, v10  }
0x28e: {  	v8 =	vmax.f32 v8, v13;
	v7 =	vmax.f32 v7, v18;
	v12 =	vld [tilespmem:s29+$0xFFFFFFE0];
	v6 =	vmax.f32 v6, v19  }
0x28f: {  	v16 =	vsub.f32 v20, v4;
	v13 =	vld [tilespmem:s29+$0xFFFFFFF0]  }
0x290: {  	v15 =	vmax.f32 v17, $0.0e+00;
	s29 =	sadd.s32 $0x80, s29;
	v14 =	vsub.f32 v21, v4;
	v10 =	vld [tilespmem:s25+$0x30]  }
0x291: {  	v16 =	vmax.f32 v16, $0.0e+00;
	v11 =	vsub.f32 v11, v4;
	s0 =	sadd.s32 $0x80, s26;
	[tilespmem:s25+$0x0] =	vst v15  }
0x292: {  	[tilespmem:s25+$0xFFFFFFC0] =	vst v16;
	v16 =	vld [tilespmem:s0+$0x0];
	v14 =	vmax.f32 v14, $0.0e+00;
	v9 =	vsub.f32 v9, v4  }
0x293: {  	v15 =	vld [tilespmem:s0+$0xFFFFFFC0];
	v11 =	vmax.f32 v11, $0.0e+00;
	v12 =	vsub.f32 v12, v4;
	[tilespmem:s25+$0x10] =	vst v14  }
0x294: {  	[tilespmem:s25+$0xFFFFFFD0] =	vst v11;
	v11 =	vsub.f32 v13, v4;
	v14 =	vld [tilespmem:s0+$0x10];
	v9 =	vmax.f32 v9, $0.0e+00  }
0x295: {  	v13 =	vld [tilespmem:s0+$0xFFFFFFD0];
	v12 =	vmax.f32 v12, $0.0e+00;
	v4 =	vsub.f32 v10, v4;
	[tilespmem:s25+$0x20] =	vst v9  }
0x296: {  	[tilespmem:s25+$0xFFFFFFE0] =	vst v12;
	v9 =	vmax.f32 v11, $0.0e+00;
	v11 =	vld [tilespmem:s0+$0x20]  }
0x297: {  	v10 =	vld [tilespmem:s0+$0xFFFFFFE0];
	[tilespmem:s25+$0xFFFFFFF0] =	vst v9;
	v4 =	vmax.f32 v4, $0.0e+00  }
0x298: {  	v9 =	vld [tilespmem:s0+$0xFFFFFFF0];
	[tilespmem:s25+$0x30] =	vst v4  }
0x299: {  	v4 =	vld [tilespmem:s0+$0x30];
	_ =	sdelay $0x1  }
0x29a: {  	v5 =	vmax.f32 v5, v15;
	v8 =	vmax.f32 v8, v13  }
0x29b: {  	v5 =	vmax.f32 v5, v16;
	v8 =	vmax.f32 v8, v14;
	v7 =	vmax.f32 v7, v10  }
0x29c: {  	s31 =	simm.s32 $0x8000;
	v5 =	vmax.f32 v5, v8;
	v6 =	vmax.f32 v6, v9;
	v7 =	vmax.f32 v7, v11  }
0x29d: {  	[hbm4b:s7+s13] =	stream.strided.scatter [tilespmem:s31], [sflag:$0x5], $0x8000, s12, s13, $0x38;
	v4 =	vmax.f32 v6, v4;
	v5 =	vmax.f32 v5, v7;
	[tilespmem:$0x18800] =	vst v63  }
0x29e: {  	_ =	swait.ge [sflag:s21], $0x8000;
	v4 =	vmax.f32 v5, v4  }
0x29f: {  	(xrf0) =	vmax.scan.msk.f32 $0xffff, v4;
	_ =	sdelay $0x5  }
0x2a0: {  	v4, _, _ =	vpop (xrf0)  }
0x2a1: {  	(v2sf) =	vpush v4, $0xF;
	_ =	sdelay $0x8  }
0x2a2: {  	[sflag:s21] =	ssyncset.done $0x0  }
0x2a3: {  	s29 =	simm.s32 $0x10080;
	[sflag:s21] =	ssyncadd.s32 $0xFFFF8000  }
0x2a4: {  	[tilespmem:s2], [sflag:$0x1] =	stream.strided.gather [hbm4b:s8+s13], $0x8000, s12, s13, $0x38;
	[tilespmem:$0x18800] =	vst v63  }
0x2a5: {  	v15 =	vld [tilespmem:s29+$0x40]  }
0x2a6: {  	v16 =	vld [tilespmem:s29+$0x70]  }
0x2a7: {  	v17 =	vld [tilespmem:s29+$0x60]  }
0x2a8: {  	v20 =	vld [tilespmem:s29+$0xFFFFFF80];
	s25 =	spop (v2sf)  }
0x2a9: {  	v21 =	vld [tilespmem:s29+$0xFFFFFFF0];
	s26 =	sadd.f32 $-1.000000000e+00, s25;
	_ =	sdelay $0x1  }
0x2aa: {  	v4 =	vmov s26  }
0x2ab: {  	v5 =	vsub.f32 v15, v4;
	v6 =	vsub.f32 v16, v4  }
0x2ac: {  	v14 =	vld [tilespmem:s29+$0xFFFFFFA0];
	v7 =	vsub.f32 v17, v4;
	v8 =	vsub.f32 v20, v4  }
0x2ad: {  	vm6 =	vge.f32 v20, v4;
	vm5 =	vge.f32 v15, v4;
	v28 =	vsub.f32 v21, v4  }
0x2ae: {  	vm0 =	vge.f32 v17, v4;
	v5 =	vmul.f32 $1.023750000e+03, v5;
	v6 =	vmul.f32 $1.023750000e+03, v6  }
0x2af: {  	vm8 =	vge.f32 v16, v4;
	v7 =	vmul.f32 $1.023750000e+03, v7;
	v28 =	vmul.f32 $1.023750000e+03, v28  }
0x2b0: {  	vm7 =	vge.f32 v21, v4;
	v5 =	vtrunc.f32 v5;
	v6 =	vtrunc.f32 v6  }
0x2b1: {  	v33 =	vsub.f32 v14, v4;
	v7 =	vtrunc.f32 v7;
	v6 =	vcvt.f32.s32 v6  }
0x2b2: {  	vm4 =	vge.f32 v14, v4;
	v9 =	vcvt.f32.s32 v5;
	v5 =	vcvt.f32.s32 v7  }
0x2b3: {  	v11 =	vld [tilespmem:s29+$0x30];
	v8 =	vmul.f32 $1.023750000e+03, v8;
	v28 =	vtrunc.f32 v28;
	v7 =	vshll.u32 v6, $0x4  }
0x2b4: {  	v6 =	vshrl.u32 v6, $0x6;
	v12 =	vshll.u32 v5, $0x4;
	v13 =	vshrl.u32 v5, $0x6;
	v5 =	vld [tilespmem:s29+$0x10]  }
0x2b5: {  	v28 =	vcvt.f32.s32 v28;
	v6 =	vor.u32 v6, v7;
	v7 =	vtrunc.f32 v8;
	v8 =	vld [tilespmem:s29+$0x20]  }
0x2b6: {  	v12 =	vor.u32 v13, v12;
	v7 =	vcvt.f32.s32 v7;
	v19 =	vand.u32 $0x3FF, v6;
	v6 =	vld [tilespmem:s29+$0x0]  }
0x2b7: {  	v10 =	vshll.u32 v9, $0x4;
	v9 =	vshrl.u32 v9, $0x6;
	v22 =	vand.u32 $0x3FF, v12;
	v12 =	vld [tilespmem:s29+$0xFFFFFFD0]  }
0x2b8: {  	v9 =	vor.u32 v9, v10;
	v10 =	vshll.u32 v7, $0x4;
	v7 =	vshrl.u32 v7, $0x6  }
0x2b9: {  	v62 =	vshrl.u32 v28, $0x6;
	v25 =	vand.u32 $0x3FF, v9;
	v9 =	vor.u32 v7, v10  }
0x2ba: {  	v18 =	vsub.f32 v5, v4;
	v23 =	vand.u32 $0x3FF, v9;
	v9 =	vsub.f32 v11, v4  }
0x2bb: {  	v28 =	vshll.u32 v28, $0x4;
	v10 =	vld [tilespmem:s29+$0xFFFFFFC0];
	v13 =	vsub.f32 v8, v4;
	v26 =	vsub.f32 v6, v4  }
0x2bc: {  	v29 =	vmul.f32 $1.023750000e+03, v18;
	v30 =	vsub.f32 v12, v4;
	v24 =	vmul.f32 $1.023750000e+03, v9;
	v9 =	vld [tilespmem:s29+$0xFFFFFFB0]  }
0x2bd: {  	v28 =	vor.u32 v62, v28;
	v27 =	vmul.f32 $1.023750000e+03, v13;
	v26 =	vmul.f32 $1.023750000e+03, v26  }
0x2be: {  	v28 =	vand.u32 $0x3FF, v28;
	v7 =	vld [tilespmem:s29+$0xFFFFFFE0];
	v29 =	vtrunc.f32 v29;
	v30 =	vmul.f32 $1.023750000e+03, v30  }
0x2bf: {  	vm2 =	vge.f32 v5, v4;
	v13 =	vld [tilespmem:s29+$0xFFFFFF90];
	v27 =	vtrunc.f32 v27;
	v31 =	vtrunc.f32 v24  }
0x2c0: {  	[tilespmem:v22+s17+$0x0] =	vst.idx.add.f32.msk vm0, v2;
	v32 =	vsub.f32 v10, v4;
	v29 =	vcvt.f32.s32 v29;
	v24 =	vtrunc.f32 v26  }
0x2c1: {  	[tilespmem:v19+s17+$0x0] =	vst.idx.add.f32.msk vm8, v2;
	v26 =	vcvt.f32.s32 v31;
	v27 =	vcvt.f32.s32 v27;
	v31 =	vsub.f32 v9, v4  }
0x2c2: {  	vm3 =	vge.f32 v12, v4;
	[tilespmem:v22+s18+$0x0] =	vst.idx.add.f32.msk vm0, v17;
	v30 =	vtrunc.f32 v30;
	v22 =	vmul.f32 $1.023750000e+03, v32  }
0x2c3: {  	[tilespmem:v19+s18+$0x0] =	vst.idx.add.f32.msk vm8, v16;
	v18 =	vsub.f32 v7, v4;
	v36 =	vmul.f32 $1.023750000e+03, v31;
	v31 =	vmul.f32 $1.023750000e+03, v33  }
0x2c4: {  	[tilespmem:v23+s17+$0x0] =	vst.idx.add.f32.msk vm6, v2;
	v19 =	vshll.u32 v29, $0x4;
	v30 =	vcvt.f32.s32 v30;
	v35 =	vsub.f32 v13, v4  }
0x2c5: {  	[tilespmem:v23+s18+$0x0] =	vst.idx.add.f32.msk vm6, v20;
	v23 =	vshrl.u32 v29, $0x6;
	v34 =	vshll.u32 v26, $0x4;
	v31 =	vtrunc.f32 v31  }
0x2c6: {  	v26 =	vshrl.u32 v26, $0x6;
	v17 =	vmul.f32 $1.023750000e+03, v35;
	v31 =	vcvt.f32.s32 v31  }
0x2c7: {  	vm1 =	vge.f32 v13, v4;
	vm0 =	vge.f32 v9, v4;
	v26 =	vor.u32 v26, v34  }
0x2c8: {  	v16 =	vtrunc.f32 v17;
	v63 =	vshll.u32 v31, $0x4;
	v17 =	vshrl.u32 v31, $0x6  }
0x2c9: {  	[tilespmem:v28+s17+$0x0] =	vst.idx.add.f32.msk vm7, v2;
	v22 =	vtrunc.f32 v22;
	v16 =	vcvt.f32.s32 v16;
	v17 =	vor.u32 v17, v63  }
0x2ca: {  	[tilespmem:v28+s18+$0x0] =	vst.idx.add.f32.msk vm7, v21;
	v21 =	vshrl.u32 v30, $0x6;
	v31 =	vand.u32 $0x3FF, v17;
	v17 =	vcvt.f32.s32 v22  }
0x2cb: {  	v20 =	vtrunc.f32 v36;
	v22 =	vshll.u32 v16, $0x4;
	v16 =	vshrl.u32 v16, $0x6  }
0x2cc: {  	[tilespmem:v25+s17+$0x0] =	vst.idx.add.f32.msk vm5, v2;
	v16 =	vor.u32 v16, v22;
	v29 =	vshll.u32 v17, $0x4;
	v17 =	vshrl.u32 v17, $0x6  }
0x2cd: {  	[tilespmem:v25+s18+$0x0] =	vst.idx.add.f32.msk vm5, v15;
	v22 =	vand.u32 $0x3FF, v16;
	v16 =	vshll.u32 v30, $0x4;
	v15 =	vor.u32 v17, v29  }
0x2ce: {  	s28 =	simm.s32 $0x0;
	v20 =	vcvt.f32.s32 v20;
	v17 =	vand.u32 $0x3FF, v15;
	v15 =	vor.u32 v21, v16;
	v16 =	vld [tilespmem:s29+$0x50];
	s29 =	simm.s32 $0x10180  }
.LBB2_22:
0x2cf: {  	s28 =	sadd.s32 $0x10, s28;
	[tilespmem:v31+s17+$0x0] =	vst.idx.add.f32.msk vm4, v2;
	v21 =	vand.u32 $0x3FF, v15;
	v19 =	vor.u32 v23, v19;
	v25 =	vshll.u32 v27, $0x4  }
0x2d0: {  	vm5 =	vge.f32 v10, v4;
	v15 =	vld [tilespmem:s29+$0x40];
	p0 =	slt.u32 s28, $0x7F0;
	v29 =	vshll.u32 v20, $0x4;
	v28 =	vand.u32 $0x3FF, v19  }
0x2d1: {  	v24 =	vcvt.f32.s32 v24;
	v27 =	vshrl.u32 v27, $0x6;
	v20 =	vshrl.u32 v20, $0x6;
	v19 =	vld [tilespmem:s29+$0x70]  }
0x2d2: {  	v18 =	vmul.f32 $1.023750000e+03, v18;
	v25 =	vor.u32 v27, v25;
	v29 =	vor.u32 v20, v29;
	v23 =	vld [tilespmem:s29+$0x60]  }
0x2d3: {  	v26 =	vand.u32 $0x3FF, v26;
	v34 =	vand.u32 $0x3FF, v25;
	v27 =	vand.u32 $0x3FF, v29;
	v20 =	vld [tilespmem:s29+$0xFFFFFF80]  }
0x2d4: {  	v18 =	vtrunc.f32 v18;
	v25 =	vshll.u32 v24, $0x4;
	v24 =	vshrl.u32 v24, $0x6;
	v35 =	vld [tilespmem:s29+$0xFFFFFF90]  }
0x2d5: {  	v18 =	vcvt.f32.s32 v18;
	v24 =	vor.u32 v24, v25;
	v25 =	vsub.f32 v16, v4;
	v30 =	vld [tilespmem:s29+$0xFFFFFFA0]  }
0x2d6: {  	v36 =	vand.u32 $0x3FF, v24;
	v32 =	vsub.f32 v15, v4;
	v29 =	vld [tilespmem:s29+$0xFFFFFFB0];
	v33 =	vsub.f32 v19, v4  }
0x2d7: {  	v38 =	vshll.u32 v18, $0x4;
	v39 =	vmul.f32 $1.023750000e+03, v25;
	v24 =	vld [tilespmem:s29+$0xFFFFFFC0];
	v37 =	vsub.f32 v23, v4  }
0x2d8: {  	v18 =	vshrl.u32 v18, $0x6;
	v41 =	vmul.f32 $1.023750000e+03, v32;
	v40 =	vld [tilespmem:s29+$0xFFFFFFD0];
	v33 =	vmul.f32 $1.023750000e+03, v33  }
0x2d9: {  	v18 =	vor.u32 v18, v38;
	v42 =	vsub.f32 v20, v4;
	v32 =	vld [tilespmem:s29+$0xFFFFFFE0];
	v37 =	vmul.f32 $1.023750000e+03, v37  }
0x2da: {  	v38 =	vtrunc.f32 v41;
	v25 =	vld [tilespmem:s29+$0xFFFFFFF0];
	v41 =	vtrunc.f32 v33;
	v33 =	vand.u32 $0x3FF, v18  }
0x2db: {  	vm7 =	vmmov vm2;
	v43 =	vld [tilespmem:s29+$0x0];
	v18 =	vtrunc.f32 v37;
	v37 =	vcvt.f32.s32 v41  }
0x2dc: {  	vm2 =	vge.f32 v11, v4;
	v38 =	vcvt.f32.s32 v38;
	v41 =	vmul.f32 $1.023750000e+03, v42;
	v42 =	vld [tilespmem:s29+$0x10]  }
0x2dd: {  	v18 =	vcvt.f32.s32 v18;
	v44 =	vshll.u32 v37, $0x4;
	v37 =	vshrl.u32 v37, $0x6;
	[tilespmem:v31+s18+$0x0] =	vst.idx.add.f32.msk vm4, v14;
	v14 =	vmovc v30  }
0x2de: {  	v30 =	vshll.u32 v38, $0x4;
	v38 =	vshrl.u32 v38, $0x6;
	v31 =	vld [tilespmem:s29+$0x20];
	v37 =	vor.u32 v37, v44  }
0x2df: {  	v45 =	vshll.u32 v18, $0x4;
	v18 =	vshrl.u32 v18, $0x6;
	v44 =	vld [tilespmem:s29+$0x30];
	v37 =	vand.u32 $0x3FF, v37  }
0x2e0: {  	v39 =	vtrunc.f32 v39;
	v41 =	vtrunc.f32 v41;
	v18 =	vor.u32 v18, v45;
	[tilespmem:v22+s17+$0x0] =	vst.idx.add.f32.msk vm1, v2  }
0x2e1: {  	v41 =	vcvt.f32.s32 v41;
	v30 =	vor.u32 v38, v30;
	v38 =	vand.u32 $0x3FF, v18;
	[tilespmem:v21+s17+$0x0] =	vst.idx.add.f32.msk vm3, v2  }
0x2e2: {  	vm9 =	vge.f32 v8, v4;
	v30 =	vand.u32 $0x3FF, v30;
	v18 =	vcvt.f32.s32 v39;
	[tilespmem:v28+s17+$0x0] =	vst.idx.add.f32.msk vm7, v2  }
0x2e3: {  	vm4 =	vge.f32 v6, v4;
	v39 =	vshll.u32 v41, $0x4;
	v41 =	vshrl.u32 v41, $0x6;
	[tilespmem:v17+s17+$0x0] =	vst.idx.add.f32.msk vm5, v2  }
0x2e4: {  	v39 =	vor.u32 v41, v39;
	[tilespmem:v21+s18+$0x0] =	vst.idx.add.f32.msk vm3, v12;
	v21 =	vshll.u32 v18, $0x4;
	v18 =	vshrl.u32 v18, $0x6;
	v12 =	vmovc v40  }
0x2e5: {  	vm12 =	vge.f32 v16, v4;
	v39 =	vand.u32 $0x3FF, v39;
	[tilespmem:v26+s17+$0x0] =	vst.idx.add.f32.msk vm2, v2;
	v18 =	vor.u32 v18, v21  }
0x2e6: {  	vm10 =	vge.f32 v7, v4;
	vm8 =	vge.f32 v20, v4;
	[tilespmem:v26+s18+$0x0] =	vst.idx.add.f32.msk vm2, v11;
	v26 =	vand.u32 $0x3FF, v18  }
0x2e7: {  	vm6 =	vge.f32 v15, v4;
	v18 =	vsub.f32 v44, v4;
	[tilespmem:v22+s18+$0x0] =	vst.idx.add.f32.msk vm1, v13;
	v13 =	vmov v35  }
0x2e8: {  	vm3 =	vge.f32 v23, v4;
	v21 =	vimm.f32 $0.0e+00;
	v11 =	vmovc v44;
	v22 =	vsub.f32 v31, v4;
	[tilespmem:v34+s17+$0x0] =	vst.idx.add.f32.msk vm9, v2  }
0x2e9: {  	vm2 =	vge.f32 v42, v4;
	v35 =	vsub.f32 v42, v4;
	v40 =	vmul.f32 $1.023750000e+03, v18;
	[tilespmem:v36+s17+$0x0] =	vst.idx.add.f32.msk vm4, v2  }
0x2ea: {  	vm11 =	vge.f32 v19, v4;
	v41 =	vsub.f32 v43, v4;
	v22 =	vmul.f32 $1.023750000e+03, v22;
	[tilespmem:v34+s18+$0x0] =	vst.idx.add.f32.msk vm9, v8  }
0x2eb: {  	v44 =	vsub.f32 v25, v4;
	vm9 =	vge.f32 v25, v4;
	v34 =	vmul.f32 $1.023750000e+03, v35;
	[tilespmem:v26+s17+$0x0] =	vst.idx.add.f32.msk vm12, v2  }
0x2ec: {  	v18 =	vsub.f32 v32, v4;
	v35 =	vmul.f32 $1.023750000e+03, v41;
	v22 =	vtrunc.f32 v22;
	[tilespmem:v17+s18+$0x0] =	vst.idx.add.f32.msk vm5, v10;
	v10 =	vmovc v24  }
0x2ed: {  	v41 =	vmul.f32 $1.023750000e+03, v44;
	v40 =	vtrunc.f32 v40;
	v8 =	vmovc v31;
	v17 =	vsub.f32 v12, v4;
	[tilespmem:v26+s18+$0x0] =	vst.idx.add.f32.msk vm12, v16  }
0x2ee: {  	v24 =	vtrunc.f32 v35;
	v16 =	vsub.f32 v10, v4;
	v26 =	vcvt.f32.s32 v40;
	[tilespmem:v36+s18+$0x0] =	vst.idx.add.f32.msk vm4, v6;
	v6 =	vmovc v43  }
0x2ef: {  	v31 =	vsub.f32 v29, v4;
	v35 =	vtrunc.f32 v41;
	v34 =	vtrunc.f32 v34;
	[tilespmem:v28+s18+$0x0] =	vst.idx.add.f32.msk vm7, v5;
	v5 =	vmovc v42  }
0x2f0: {  	v35 =	vcvt.f32.s32 v35;
	v28 =	vsub.f32 v14, v4;
	v36 =	vshll.u32 v26, $0x4;
	[tilespmem:v33+s17+$0x0] =	vst.idx.add.f32.msk vm10, v2  }
0x2f1: {  	v41 =	vmul.f32 $1.023750000e+03, v31;
	v40 =	vsub.f32 v13, v4;
	v26 =	vshrl.u32 v26, $0x6;
	[tilespmem:v27+s17+$0x0] =	vst.idx.add.f32.msk vm0, v2  }
0x2f2: {  	v31 =	vshrl.u32 v35, $0x6;
	v26 =	vor.u32 v26, v36;
	v28 =	vmul.f32 $1.023750000e+03, v28;
	[tilespmem:v27+s18+$0x0] =	vst.idx.add.f32.msk vm0, v9;
	v9 =	vmovc v29  }
0x2f3: {  	vm4 =	vge.f32 v14, v4;
	v27 =	vshll.u32 v35, $0x4;
	v29 =	vcvt.f32.s32 v34;
	[tilespmem:v33+s18+$0x0] =	vst.idx.add.f32.msk vm10, v7;
	v7 =	vmovc v32  }
0x2f4: {  	vm1 =	vge.f32 v13, v4;
	v28 =	vtrunc.f32 v28;
	v27 =	vor.u32 v31, v27;
	[tilespmem:v38+s17+$0x0] =	vst.idx.add.f32.msk vm3, v2  }
0x2f5: {  	v28 =	vcvt.f32.s32 v28;
	v32 =	vand.u32 $0x3FF, v27;
	v27 =	vcvt.f32.s32 v22;
	[tilespmem:v38+s18+$0x0] =	vst.idx.add.f32.msk vm3, v23  }
0x2f6: {  	v16 =	vmul.f32 $1.023750000e+03, v16;
	v22 =	vmul.f32 $1.023750000e+03, v40;
	vm3 =	vge.f32 v12, v4;
	[tilespmem:v37+s17+$0x0] =	vst.idx.add.f32.msk vm11, v2  }
0x2f7: {  	v17 =	vmul.f32 $1.023750000e+03, v17;
	vm0 =	vge.f32 v9, v4;
	v23 =	vshll.u32 v28, $0x4;
	[tilespmem:v37+s18+$0x0] =	vst.idx.add.f32.msk vm11, v19  }
0x2f8: {  	v22 =	vtrunc.f32 v22;
	v28 =	vshrl.u32 v28, $0x6;
	v19 =	vshll.u32 v29, $0x4;
	[tilespmem:v39+s17+$0x0] =	vst.idx.add.f32.msk vm8, v2  }
0x2f9: {  	v17 =	vtrunc.f32 v17;
	v16 =	vtrunc.f32 v16;
	[tilespmem:v39+s18+$0x0] =	vst.idx.add.f32.msk vm8, v20;
	v20 =	vor.u32 v28, v23  }
0x2fa: {  	v16 =	vcvt.f32.s32 v16;
	v22 =	vcvt.f32.s32 v22;
	v31 =	vand.u32 $0x3FF, v20;
	[tilespmem:v30+s17+$0x0] =	vst.idx.add.f32.msk vm6, v2  }
.Ltmp10:
0x2fb: {  	v17 =	vcvt.f32.s32 v17;
	v23 =	vshrl.u32 v29, $0x6;
	v20 =	vtrunc.f32 v41;
	[tilespmem:v32+s17+$0x0] =	vst.idx.add.f32.msk vm9, v2;
	(pc) =	sbr.rel @p0 .LBB2_22-.Ltmp10, $4  }
0x2fc: {  	v28 =	vshll.u32 v22, $0x4;
	v22 =	vshrl.u32 v22, $0x6;
	v29 =	vshll.u32 v16, $0x4;
	[tilespmem:v32+s18+$0x0] =	vst.idx.add.f32.msk vm9, v25  }
0x2fd: {  	v16 =	vshrl.u32 v16, $0x6;
	v22 =	vor.u32 v22, v28;
	v25 =	vshrl.u32 v17, $0x6;
	[tilespmem:v30+s18+$0x0] =	vst.idx.add.f32.msk vm6, v15  }
0x2fe: {  	v22 =	vand.u32 $0x3FF, v22;
	v15 =	vor.u32 v16, v29;
	v16 =	vshll.u32 v17, $0x4  }
0x2ff: {  	s30 =	simm.s32 $0x18440;
	v20 =	vcvt.f32.s32 v20;
	v17 =	vand.u32 $0x3FF, v15;
	v15 =	vor.u32 v25, v16;
	v16 =	vld [tilespmem:s29+$0x50];
	s29 =	sadd.s32 $0x100, s29  }
0x300: {  	_ =	sdelay $0x3  }
0x301: {  	v15 =	vand.u32 $0x3FF, v15;
	v19 =	vor.u32 v23, v19;
	vm2 =	vmmov vm2  }
0x302: {  	vm5 =	vge.f32 v10, v4;
	[tilespmem:v31+s17+$0x0] =	vst.idx.add.f32.msk vm4, v2;
	v19 =	vand.u32 $0x3FF, v19  }
0x303: {  	v25 =	vshll.u32 v27, $0x4;
	[tilespmem:v22+s17+$0x0] =	vst.idx.add.f32.msk vm1, v2  }
0x304: {  	vm13 =	vge.f32 v11, v4;
	[tilespmem:v31+s18+$0x0] =	vst.idx.add.f32.msk vm4, v14;
	v14 =	vshrl.u32 v27, $0x6;
	v61 =	vsub.f32 v16, v4  }
0x305: {  	v26 =	vand.u32 $0x3FF, v26;
	vm6 =	vge.f32 v8, v4;
	[tilespmem:v22+s18+$0x0] =	vst.idx.add.f32.msk vm1, v13;
	v14 =	vor.u32 v14, v25  }
0x306: {  	v14 =	vand.u32 $0x3FF, v14;
	[tilespmem:v15+s17+$0x0] =	vst.idx.add.f32.msk vm3, v2;
	v23 =	vmul.f32 $1.023750000e+03, v61  }
0x307: {  	v24 =	vcvt.f32.s32 v24;
	[tilespmem:v19+s17+$0x0] =	vst.idx.add.f32.msk vm2, v2  }
0x308: {  	v18 =	vmul.f32 $1.023750000e+03, v18;
	vm7 =	vge.f32 v6, v4;
	[tilespmem:v17+s17+$0x0] =	vst.idx.add.f32.msk vm5, v2;
	v23 =	vtrunc.f32 v23  }
0x309: {  	v62 =	vshll.u32 v24, $0x4;
	v24 =	vshrl.u32 v24, $0x6;
	[tilespmem:v15+s18+$0x0] =	vst.idx.add.f32.msk vm3, v12;
	v23 =	vcvt.f32.s32 v23  }
0x30a: {  	v13 =	vshll.u32 v20, $0x4;
	v63 =	vshrl.u32 v20, $0x6;
	v24 =	vor.u32 v24, v62;
	[tilespmem:v26+s17+$0x0] =	vst.idx.add.f32.msk vm13, v2  }
0x30b: {  	v24 =	vand.u32 $0x3FF, v24;
	[tilespmem:v14+s17+$0x0] =	vst.idx.add.f32.msk vm6, v2;
	v12 =	vshll.u32 v23, $0x4;
	v15 =	vshrl.u32 v23, $0x6  }
0x30c: {  	[tilespmem:v14+s18+$0x0] =	vst.idx.add.f32.msk vm6, v8;
	v8 =	vor.u32 v63, v13;
	v12 =	vor.u32 v15, v12;
	v15 =	vtrunc.f32 v18  }
0x30d: {  	[tilespmem:v26+s18+$0x0] =	vst.idx.add.f32.msk vm13, v11;
	v8 =	vand.u32 $0x3FF, v8;
	v11 =	vand.u32 $0x3FF, v12;
	v12 =	vcvt.f32.s32 v15  }
0x30e: {  	vm14 =	vge.f32 v16, v4;
	[tilespmem:v17+s18+$0x0] =	vst.idx.add.f32.msk vm5, v10  }
0x30f: {  	[tilespmem:v19+s18+$0x0] =	vst.idx.add.f32.msk vm2, v5;
	v15 =	vshll.u32 v12, $0x4;
	v12 =	vshrl.u32 v12, $0x6  }
0x310: {  	vm15 =	vge.f32 v7, v4;
	[tilespmem:v24+s17+$0x0] =	vst.idx.add.f32.msk vm7, v2;
	v12 =	vor.u32 v12, v15  }
0x311: {  	[tilespmem:v24+s18+$0x0] =	vst.idx.add.f32.msk vm7, v6;
	v12 =	vand.u32 $0x3FF, v12  }
0x312: {  	[tilespmem:v8+s17+$0x0] =	vst.idx.add.f32.msk vm0, v2  }
0x313: {  	[tilespmem:v8+s18+$0x0] =	vst.idx.add.f32.msk vm0, v9  }
0x314: {  	[tilespmem:v11+s17+$0x0] =	vst.idx.add.f32.msk vm14, v2  }
0x315: {  	[tilespmem:v11+s18+$0x0] =	vst.idx.add.f32.msk vm14, v16  }
0x316: {  	[tilespmem:v12+s17+$0x0] =	vst.idx.add.f32.msk vm15, v2  }
0x317: {  	[tilespmem:v12+s18+$0x0] =	vst.idx.add.f32.msk vm15, v7  }
0x318: {  	s28 =	simm.s32 $0x18040;
	v5 =	vld [tilespmem:s30+$0xFFFFFFC0]  }
0x319: {  	v6 =	vld [tilespmem:s28+$0xFFFFFFC0]  }
0x31a: {  	v7 =	vld [tilespmem:s30+$0xFFFFFFD0]  }
0x31b: {  	v8 =	vld [tilespmem:s28+$0xFFFFFFD0]  }
0x31c: {  	v9 =	vld [tilespmem:s30+$0xFFFFFFE0]  }
0x31d: {  	v10 =	vld [tilespmem:s28+$0xFFFFFFE0]  }
0x31e: {  	v11 =	vld [tilespmem:s30+$0xFFFFFFF0];
	v6 =	vadd.f32 v6, v21;
	v5 =	vadd.f32 v5, v21  }
0x31f: {  	v12 =	vld [tilespmem:s28+$0xFFFFFFF0]  }
0x320: {  	v13 =	vld [tilespmem:s30+$0x0];
	v8 =	vadd.f32 v8, v6;
	v5 =	vadd.f32 v7, v5  }
0x321: {  	v14 =	vld [tilespmem:s28+$0x0]  }
0x322: {  	v6 =	vld [tilespmem:s30+$0x10];
	v7 =	vadd.f32 v10, v8;
	v9 =	vadd.f32 v9, v5  }
0x323: {  	v8 =	vld [tilespmem:s28+$0x10]  }
0x324: {  	v5 =	vld [tilespmem:s30+$0x20];
	v10 =	vadd.f32 v12, v7;
	v11 =	vadd.f32 v11, v9  }
0x325: {  	v9 =	vld [tilespmem:s28+$0x20]  }
0x326: {  	v7 =	vld [tilespmem:s30+$0x30];
	v12 =	vadd.f32 v14, v10;
	v11 =	vadd.f32 v13, v11  }
0x327: {  	s29 =	simm.s32 $0x0;
	s30 =	simm.s32 $0x184C0;
	v10 =	vld [tilespmem:s28+$0x30]  }
.LBB2_24:
0x328: {  	v13 =	vld [tilespmem:s30+$0xFFFFFFC0];
	v8 =	vadd.f32 v8, v12;
	v6 =	vadd.f32 v6, v11;
	s28 =	sadd.s32 $0x80, s28  }
0x329: {  	s29 =	sadd.s32 $0x8, s29;
	v11 =	vld [tilespmem:s28+$0xFFFFFFC0]  }
0x32a: {  	p0 =	slt.u32 s29, $0x38;
	v12 =	vld [tilespmem:s30+$0xFFFFFFD0];
	v8 =	vadd.f32 v9, v8;
	v5 =	vadd.f32 v5, v6  }
0x32b: {  	v6 =	vld [tilespmem:s28+$0xFFFFFFD0]  }
0x32c: {  	v9 =	vld [tilespmem:s30+$0xFFFFFFE0];
	v8 =	vadd.f32 v10, v8;
	v5 =	vadd.f32 v7, v5  }
0x32d: {  	v7 =	vld [tilespmem:s28+$0xFFFFFFE0]  }
0x32e: {  	v8 =	vadd.f32 v11, v8;
	v5 =	vadd.f32 v13, v5;
	v10 =	vld [tilespmem:s30+$0xFFFFFFF0]  }
0x32f: {  	v11 =	vld [tilespmem:s28+$0xFFFFFFF0]  }
0x330: {  	v6 =	vadd.f32 v6, v8;
	v5 =	vadd.f32 v12, v5;
	v13 =	vld [tilespmem:s30+$0x0]  }
0x331: {  	v12 =	vld [tilespmem:s28+$0x0]  }
0x332: {  	v7 =	vadd.f32 v7, v6;
	v5 =	vadd.f32 v9, v5;
	v6 =	vld [tilespmem:s30+$0x10]  }
.Ltmp11:
0x333: {  	v8 =	vld [tilespmem:s28+$0x10];
	(pc) =	sbr.rel @p0 .LBB2_24-.Ltmp11, $4  }
0x334: {  	v7 =	vadd.f32 v11, v7;
	v10 =	vadd.f32 v10, v5;
	v5 =	vld [tilespmem:s30+$0x20]  }
0x335: {  	v9 =	vld [tilespmem:s28+$0x20]  }
0x336: {  	v12 =	vadd.f32 v12, v7;
	v11 =	vadd.f32 v13, v10;
	v7 =	vld [tilespmem:s30+$0x30]  }
0x337: {  	s30 =	sadd.s32 $0x80, s30;
	v10 =	vld [tilespmem:s28+$0x30]  }
0x338: {  	v8 =	vadd.f32 v8, v12;
	_ =	sdelay $0x1  }
0x339: {  	v8 =	vadd.f32 v9, v8  }
0x33a: {  	v6 =	vadd.f32 v6, v11  }
0x33b: {  	v8 =	vadd.f32 v10, v8  }
0x33c: {  	v5 =	vadd.f32 v5, v6  }
0x33d: {  	v6 =	vperm.xlane v8, v3  }
0x33e: {  	v5 =	vadd.f32 v7, v5  }
0x33f: {  	(xrf2) =	vadd.scan.msk.f32 $0xffff, v6  }
0x340: {  	v6 =	vperm.xlane v5, v3;
	_ =	sdelay $0x1  }
0x341: {  	(xrf2) =	vadd.scan.msk.f32 $0xffff, v6;
	_ =	sdelay $0x5  }
0x342: {  	s29 =	simm.s32 $0x183F0;
	s3 =	simm.s32 $0x3E  }
0x343: {  	s4 =	simm.s32 $0x3F;
	s3 =	scvt.s32.f32 s3;
	v7 =	vld [tilespmem:s29+$0x0];
	v6, _, _ =	vpop (xrf2)  }
0x344: {  	s0 =	simm.s32 $0x38;
	s4 =	scvt.s32.f32 s4;
	v6 =	vperm.xlane v6, v3  }
0x345: {  	s1 =	simm.s32 $0x3B;
	v4 =	vadd.f32 v1, v4;
	s0 =	scvt.s32.f32 s0;
	v9 =	vld [tilespmem:s29+$0xFFFFFFF0];
	s3 =	smul.f32 $9.768010340e-04, s3  }
0x346: {  	s1 =	scvt.s32.f32 s1;
	s4 =	smul.f32 $9.768010340e-04, s4;
	v6 =	vsub.f32 v6, v8;
	v8, _, _ =	vpop (xrf2)  }
0x347: {  	s5 =	simm.s32 $0x39;
	s30 =	simm.s32 $0x187F0;
	s0 =	smul.f32 $9.768010340e-04, s0;
	v10 =	vld [tilespmem:s29+$0xFFFFFFE0];
	v11 =	vadd.f32 s3, v4;
	v8 =	vperm.xlane v8, v3  }
0x348: {  	s14 =	simm.s32 $0x3D;
	s5 =	scvt.s32.f32 s5;
	s1 =	smul.f32 $9.768010340e-04, s1;
	v15 =	vadd.f32 s4, v4;
	v6 =	vadd.f32 v7, v6;
	v7 =	vld [tilespmem:s30+$0x0]  }
0x349: {  	s15 =	simm.s32 $0x3C;
	v12 =	vld [tilespmem:s29+$0xFFFFFFD0];
	v5 =	vsub.f32 v8, v5;
	v8 =	vadd.f32 s0, v4;
	s0 =	scvt.s32.f32 s14  }
0x34a: {  	s15 =	scvt.s32.f32 s15;
	v14 =	vld [tilespmem:s30+$0xFFFFFFF0];
	v16 =	vadd.f32 s1, v4;
	s14 =	smul.f32 $9.768010340e-04, s5;
	v13 =	vmax.f32 v6, $1.000000000e-30;
	v9 =	vadd.f32 v9, v6  }
0x34b: {  	v17 =	vld [tilespmem:s29+$0xFFFFFFC0];
	s4 =	simm.s32 $0x3A;
	v6 =	vmul.f32 v6, v15;
	(erf) = vrcp.f32 v13;
	v13 =	vimm.f32 $-3.000000000e+00;
	s0 =	smul.f32 $9.768010340e-04, s0  }
0x34c: {  	s1 =	scvt.s32.f32 s4;
	v18 =	vadd.f32 s14, v4;
	s14 =	smul.f32 $9.768010340e-04, s15;
	v15 =	vmax.f32 v9, $1.000000000e-30;
	v10 =	vadd.f32 v10, v9  }
0x34d: {  	v11 =	vmul.f32 v9, v11;
	v19 =	vadd.f32 s0, v4;
	v5 =	vadd.f32 v7, v5;
	v7 =	vld [tilespmem:s29+$0xFFFFFFB0]  }
0x34e: {  	s15 =	smul.f32 $9.768010340e-04, s1;
	(erf) = vrcp.f32 v15;
	v15 =	vld [tilespmem:s30+$0xFFFFFFE0];
	v20 =	vadd.f32 s14, v4;
	v9 =	vadd.f32 v12, v10  }
0x34f: {  	v21 =	vmax.f32 v10, $1.000000000e-30;
	v6 =	vsub.f32 v5, v6;
	v12 =	vadd.f32 v14, v5;
	v14 =	vld [tilespmem:s29+$0xFFFFFFA0]  }
0x350: {  	v22 =	vld [tilespmem:s30+$0xFFFFFFD0];
	v19 =	vmul.f32 v10, v19;
	v10 =	vadd.f32 s15, v4;
	v17 =	vadd.f32 v17, v9  }
0x351: {  	v23 =	vld [tilespmem:s29+$0xFFFFFF90];
	(erf) = vrcp.f32 v21;
	v5 =	vadd.f32 $-1.000000000e+00, v5;
	v24 =	vadd.f32 $-1.000000000e+00, v12  }
0x352: {  	[tilespmem:s29+$0xFFFFFFF0] =	vst v0;
	v21 =	vld [tilespmem:s30+$0xFFFFFFC0];
	v20 =	vmul.f32 v9, v20;
	v6 =	vadd.f32 $-1.000000000e+00, v6;
	v7 =	vadd.f32 v7, v17  }
0x353: {  	v28 =	vld [tilespmem:s30+$0xFFFFFF90];
	[tilespmem:s29+$0xFFFFFFD0] =	vst v0;
	v25 =	vmax.f32 v9, $1.000000000e-30;
	v11 =	vsub.f32 v12, v11;
	v9 =	vadd.f32 v15, v12  }
0x354: {  	[tilespmem:s29+$0xFFFFFF90] =	vst v0;
	v26 =	vmax.f32 v17, $1.000000000e-30;
	v15 =	vld [tilespmem:s30+$0xFFFFFFB0];
	vm0 =	vge.f32 v6, $0.0e+00;
	v27 =	vpop (erf);
	v12 =	vadd.f32 v14, v7  }
0x355: {  	[tilespmem:s30+$0xFFFFFFF0] =	vst v0;
	v11 =	vadd.f32 $-1.000000000e+00, v11;
	v6 =	vadd.f32 v22, v9;
	v5 =	vmul.f32 v27, v5  }
0x356: {  	[tilespmem:s30+$0xFFFFFFD0] =	vst v0;
	v14 =	vmax.f32 v7, $1.000000000e-30;
	v22 =	vld [tilespmem:s30+$0xFFFFFFA0];
	v10 =	vmul.f32 v7, v10;
	v7 =	vadd.f32 v23, v12  }
0x357: {  	[tilespmem:s30+$0xFFFFFF90] =	vst v0;
	v17 =	vmul.f32 v17, v16;
	vm15 =	vge.f32 v11, $0.0e+00;
	v21 =	vadd.f32 v21, v6  }
0x358: {  	[tilespmem:s29+$0x0] =	vst v0;
	v11 =	vmax.f32 v12, $1.000000000e-30;
	v63 =	vmul.f32 v7, v8;
	v8 =	vmax.f32 v7, $1.000000000e-30  }
0x359: {  	[tilespmem:s30+$0x0] =	vst v0;
	v27 =	vnsel vm0, $0xC0400000, v5;
	v29 =	vadd.f32 v15, v21;
	v5 =	vpop (erf);
	(erf) = vrcp.f32 v8  }
0x35a: {  	[tilespmem:s29+$0xFFFFFFE0] =	vst v0;
	v8 =	vadd.f32 $-1.000000000e+00, v21;
	v23 =	vmul.f32 v5, v24;
	(erf) = vrcp.f32 v26  }
0x35b: {  	[tilespmem:s30+$0xFFFFFFE0] =	vst v0;
	v5 =	vadd.f32 $-1.000000000e+00, v6;
	v15 =	vadd.f32 v22, v29;
	(erf) = vrcp.f32 v11  }
0x35c: {  	[tilespmem:s29+$0xFFFFFFC0] =	vst v0;
	v6 =	vsub.f32 v6, v20;
	v16 =	vsub.f32 v29, v10;
	(erf) = vrcp.f32 v14  }
0x35d: {  	[tilespmem:s30+$0xFFFFFFC0] =	vst v0;
	v18 =	vmul.f32 v12, v18;
	v10 =	vadd.f32 v28, v15;
	v14 =	vsub.f32 v21, v17  }
0x35e: {  	[tilespmem:s29+$0xFFFFFFB0] =	vst v0;
	v13 =	vmax.f32 v13, v27;
	v12 =	vadd.f32 $-1.000000000e+00, v29;
	v6 =	vadd.f32 $-1.000000000e+00, v6  }
0x35f: {  	[tilespmem:s30+$0xFFFFFFB0] =	vst v0;
	v20 =	vnsel vm15, $0xC0400000, v23;
	v11 =	vsub.f32 v15, v18;
	v17 =	vsub.f32 v10, v63  }
0x360: {  	s28 =	simm.s32 $0x0;
	[tilespmem:s29+$0xFFFFFFA0] =	vst v0;
	v18 =	vsub.f32 v9, v19;
	v13 =	vmax.f32 v13, v20;
	v19 =	vadd.f32 $-1.000000000e+00, v14  }
0x361: {  	s31 =	simm.s32 $0x18770;
	s29 =	simm.s32 $0x30;
	[tilespmem:s30+$0xFFFFFFA0] =	vst v0;
	s30 =	simm.s32 $0x18370;
	v20 =	vadd.f32 $-1.000000000e+00, v10;
	v14 =	vpop (erf);
	v17 =	vadd.f32 $-1.000000000e+00, v17;
	(erf) = vrcp.f32 v25  }
.LBB2_26:
0x362: {  	v21 =	vld [tilespmem:s30+$0x0];
	s0 =	sadd.s32 $0x4, s29;
	s1 =	sadd.s32 $0x3, s29;
	s3 =	scvt.s32.f32 s29;
	v9 =	vadd.f32 $-1.000000000e+00, v9;
	vm0 =	vge.f32 v19, $0.0e+00;
	v16 =	vadd.f32 $-1.000000000e+00, v16;
	v19 =	vpop (erf)  }
0x363: {  	s4 =	sadd.s32 $0x6, s29;
	v23 =	vadd.f32 $-1.000000000e+00, v15;
	v22 =	vld [tilespmem:s31+$0xFFFFFFE0];
	s0 =	scvt.s32.f32 s0;
	s1 =	scvt.s32.f32 s1;
	v19 =	vmul.f32 v19, v20;
	vm2 =	vge.f32 v17, $0.0e+00;
	v17 =	vpop (erf)  }
0x364: {  	s5 =	sadd.s32 $0x7, s29;
	v18 =	vadd.f32 $-1.000000000e+00, v18;
	s4 =	scvt.s32.f32 s4;
	v20 =	vld [tilespmem:s30+$0xFFFFFFE0];
	s3 =	smul.f32 $9.768010340e-04, s3;
	v17 =	vmul.f32 v17, v8;
	vm1 =	vge.f32 v16, $0.0e+00;
	v8 =	vpop (erf)  }
0x365: {  	s14 =	sadd.s32 $0x1, s29;
	s5 =	scvt.s32.f32 s5;
	v9 =	vmul.f32 v14, v9;
	v16 =	vld [tilespmem:s31+$0xFFFFFFF0];
	[tilespmem:s30+$0xFFFFFFE0] =	vst v0;
	s1 =	smul.f32 $9.768010340e-04, s1;
	v14 =	vmul.f32 v8, v23;
	v8 =	vnsel vm2, $0xC0400000, v19;
	v15 =	vpop (erf)  }
0x366: {  	s15 =	sadd.s32 $0x5, s29;
	s14 =	scvt.s32.f32 s14;
	s4 =	smul.f32 $9.768010340e-04, s4;
	vm2 =	vge.f32 v18, $0.0e+00;
	v19 =	vld [tilespmem:s30+$0xFFFFFFF0];
	[tilespmem:s30+$0xFFFFFFF0] =	vst v0;
	v23 =	vadd.f32 s3, v4;
	v12 =	vmul.f32 v15, v12  }
0x367: {  	s28 =	sadd.s32 $0x8, s28;
	s3 =	smul.f32 $9.768010340e-04, s5;
	s5 =	scvt.s32.f32 s15;
	v9 =	vnsel vm2, $0xC0400000, v9;
	v17 =	vnsel vm0, $0xC0400000, v17;
	v7 =	vadd.f32 v21, v7;
	v15 =	vld [tilespmem:s31+$0x0];
	[tilespmem:s31+$0xFFFFFFF0] =	vst v0  }
0x368: {  	p0 =	slt.u32 s28, $0x38;
	v18 =	vadd.f32 s4, v4;
	v24 =	vadd.f32 s1, v4;
	s1 =	smul.f32 $9.768010340e-04, s14;
	v13 =	vmax.f32 v13, v9;
	[tilespmem:s30+$0x0] =	vst v0;
	v21 =	vld [tilespmem:s30+$0xFFFFFFD0]  }
0x369: {  	v9 =	vadd.f32 s3, v4;
	s3 =	smul.f32 $9.768010340e-04, s5;
	v12 =	vnsel vm1, $0xC0400000, v12;
	v29 =	vmax.f32 v7, $1.000000000e-30;
	[tilespmem:s31+$0x0] =	vst v0;
	v26 =	vld [tilespmem:s30+$0xFFFFFFC0]  }
0x36a: {  	v11 =	vadd.f32 $-1.000000000e+00, v11;
	s0 =	smul.f32 $9.768010340e-04, s0;
	v28 =	vadd.f32 s1, v4;
	[tilespmem:s31+$0xFFFFFFE0] =	vst v0;
	v27 =	vld [tilespmem:s31+$0xFFFFFFC0];
	(erf) = vrcp.f32 v29;
	v25 =	vpop (erf)  }
0x36b: {  	s1 =	sadd.s32 $0x2, s29;
	v9 =	vmul.f32 v7, v9;
	v7 =	vadd.f32 v19, v7;
	v19 =	vadd.f32 s3, v4;
	[tilespmem:s30+$0xFFFFFFC0] =	vst v0;
	v29 =	vld [tilespmem:s31+$0xFFFFFFB0]  }
0x36c: {  	vm0 =	vge.f32 v6, $0.0e+00;
	v10 =	vadd.f32 v15, v10;
	v15 =	vadd.f32 s0, v4;
	[tilespmem:s31+$0xFFFFFFC0] =	vst v0;
	v30 =	vld [tilespmem:s30+$0xFFFFFFB0];
	s0 =	scvt.s32.f32 s1  }
0x36d: {  	v6 =	vmul.f32 v7, v18;
	v18 =	vmax.f32 v7, $1.000000000e-30;
	v7 =	vadd.f32 v20, v7;
	[tilespmem:s30+$0xFFFFFFB0] =	vst v0;
	v20 =	vld [tilespmem:s31+$0xFFFFFFA0]  }
0x36e: {  	v9 =	vsub.f32 v10, v9;
	v16 =	vadd.f32 v16, v10;
	s0 =	smul.f32 $9.768010340e-04, s0;
	[tilespmem:s31+$0xFFFFFFB0] =	vst v0;
	v31 =	vld [tilespmem:s30+$0xFFFFFFA0];
	(erf) = vrcp.f32 v18  }
0x36f: {  	vm1 =	vge.f32 v11, $0.0e+00;
	v18 =	vmax.f32 v7, $1.000000000e-30;
	v21 =	vadd.f32 v21, v7;
	v32 =	vld [tilespmem:s31+$0xFFFFFFD0];
	[tilespmem:s30+$0xFFFFFFA0] =	vst v0  }
0x370: {  	v19 =	vmul.f32 v7, v19;
	[tilespmem:s30+$0xFFFFFFD0] =	vst v0;
	v7 =	vadd.f32 s0, v4;
	v11 =	vld [tilespmem:s30+$0xFFFFFF90];
	(erf) = vrcp.f32 v18  }
0x371: {  	v15 =	vmul.f32 v21, v15;
	[tilespmem:s31+$0xFFFFFFD0] =	vst v0;
	v18 =	vadd.f32 v26, v21;
	v26 =	vnsel vm1, $0xC0400000, v14  }
0x372: {  	v10 =	vadd.f32 $-1.000000000e+00, v10;
	v14 =	vadd.f32 $-1.000000000e+00, v16;
	v21 =	vmax.f32 v21, $1.000000000e-30;
	[tilespmem:s31+$0xFFFFFFA0] =	vst v0  }
0x373: {  	v33 =	vadd.f32 $-1.000000000e+00, v9;
	v34 =	vmax.f32 v18, $1.000000000e-30;
	v30 =	vadd.f32 v30, v18;
	v9 =	vpop (erf)  }
0x374: {  	v6 =	vsub.f32 v16, v6;
	v35 =	vmul.f32 v9, v10;
	v9 =	vadd.f32 v22, v16  }
0x375: {  	v5 =	vmul.f32 v25, v5;
	v16 =	vmax.f32 v30, $1.000000000e-30;
	v22 =	vadd.f32 v31, v30  }
0x376: {  	vm1 =	vge.f32 v33, $0.0e+00;
	v30 =	vmul.f32 v30, v7;
	v25 =	vadd.f32 v32, v9  }
0x377: {  	v31 =	vnsel vm1, $0xC0400000, v35;
	v7 =	vadd.f32 v11, v22;
	v10 =	vpop (erf);
	v11 =	vnsel vm0, $0xC0400000, v5  }
0x378: {  	v6 =	vadd.f32 $-1.000000000e+00, v6;
	v10 =	vmul.f32 v10, v14;
	v5 =	vadd.f32 $-1.000000000e+00, v25  }
0x379: {  	v27 =	vadd.f32 v27, v25;
	v23 =	vmul.f32 v7, v23;
	v32 =	vmax.f32 v7, $1.000000000e-30;
	v14 =	vpop (erf)  }
0x37a: {  	vm0 =	vge.f32 v6, $0.0e+00;
	v6 =	vmax.f32 v22, $1.000000000e-30;
	v11 =	vmax.f32 v13, v11  }
0x37b: {  	v18 =	vmul.f32 v18, v24;
	v22 =	vmul.f32 v22, v28;
	v13 =	vsub.f32 v25, v15;
	v24 =	vld [tilespmem:s31+$0xFFFFFF90]  }
0x37c: {  	v11 =	vmax.f32 v11, v17;
	v25 =	vadd.f32 v29, v27;
	[tilespmem:s30+$0xFFFFFF90] =	vst v0;
	(erf) = vrcp.f32 v32  }
0x37d: {  	v17 =	vnsel vm0, $0xC0400000, v10;
	v10 =	vmax.f32 v11, v12;
	[tilespmem:s31+$0xFFFFFF90] =	vst v0;
	(erf) = vrcp.f32 v34  }
0x37e: {  	v11 =	vmax.f32 v10, v26;
	v15 =	vadd.f32 v20, v25;
	(erf) = vrcp.f32 v6  }
0x37f: {  	v12 =	vadd.f32 $-1.000000000e+00, v25;
	v6 =	vadd.f32 $-1.000000000e+00, v13;
	(erf) = vrcp.f32 v16  }
.Ltmp12:
0x380: {  	v8 =	vmax.f32 v11, v8;
	v16 =	vsub.f32 v25, v30;
	v10 =	vadd.f32 v24, v15;
	(pc) =	sbr.rel @p0 .LBB2_26-.Ltmp12, $4  }
0x381: {  	v20 =	vsub.f32 v27, v18;
	v11 =	vmax.f32 v8, v31;
	v8 =	vadd.f32 $-1.000000000e+00, v27  }
0x382: {  	v13 =	vmax.f32 v11, v17;
	v11 =	vsub.f32 v15, v22;
	v17 =	vsub.f32 v10, v23  }
0x383: {  	v18 =	vsub.f32 v9, v19;
	v19 =	vadd.f32 $-1.000000000e+00, v20  }
0x384: {  	s29 =	sadd.s32 $0xFFFFFFF8, s29;
	s30 =	sadd.s32 $0xFFFFFF80, s30;
	s31 =	sadd.s32 $0xFFFFFF80, s31;
	v20 =	vadd.f32 $-1.000000000e+00, v10;
	v17 =	vadd.f32 $-1.000000000e+00, v17;
	(erf) = vrcp.f32 v21  }
0x385: {  	_ =	sdelay $0x3  }
0x386: {  	v4 =	vpop (erf)  }
0x387: {  	v7 =	vpop (erf)  }
0x388: {  	v9 =	vadd.f32 $-1.000000000e+00, v9;
	v16 =	vadd.f32 $-1.000000000e+00, v16;
	v10 =	vpop (erf)  }
0x389: {  	v18 =	vadd.f32 $-1.000000000e+00, v18;
	vm0 =	vge.f32 v19, $0.0e+00;
	v4 =	vmul.f32 v4, v20;
	v63 =	vpop (erf)  }
0x38a: {  	vm13 =	vge.f32 v6, $0.0e+00;
	v7 =	vmul.f32 v7, v8;
	v9 =	vmul.f32 v14, v9;
	v8 =	vpop (erf)  }
0x38b: {  	vm1 =	vge.f32 v16, $0.0e+00;
	vm2 =	vge.f32 v18, $0.0e+00;
	v5 =	vmul.f32 v8, v5  }
0x38c: {  	v12 =	vmul.f32 v63, v12;
	v9 =	vnsel vm2, $0xC0400000, v9;
	v8 =	vadd.f32 $-1.000000000e+00, v15  }
0x38d: {  	v6 =	vmax.f32 v13, v9;
	v9 =	vadd.f32 $-1.000000000e+00, v11;
	v5 =	vnsel vm13, $0xC0400000, v5  }
0x38e: {  	v7 =	vnsel vm0, $0xC0400000, v7;
	v8 =	vmul.f32 v10, v8;
	v5 =	vmax.f32 v6, v5  }
0x38f: {  	vm14 =	vge.f32 v9, $0.0e+00;
	v6 =	vnsel vm1, $0xC0400000, v12;
	v5 =	vmax.f32 v5, v7  }
0x390: {  	vm15 =	vge.f32 v17, $0.0e+00;
	v7 =	vnsel vm14, $0xC0400000, v8;
	v5 =	vmax.f32 v5, v6  }
0x391: {  	v4 =	vnsel vm15, $0xC0400000, v4;
	v5 =	vmax.f32 v5, v7  }
0x392: {  	v4 =	vmax.f32 v5, v4  }
0x393: {  	(xrf0) =	vmax.scan.msk.f32 $0xffff, v4;
	_ =	sdelay $0x5  }
0x394: {  	v4, _, _ =	vpop (xrf0)  }
0x395: {  	(v2sf) =	vpush v4, $0xF;
	_ =	sdelay $0xe  }
0x396: {  	s0 =	spop (v2sf)  }
0x397: {  	_ =	swait.ge [sflag:s16], $0x8000  }
0x398: {  	[sflag:s16] =	ssyncset.done $0x0  }
0x399: {  	s1 =	simm.s32 $0x10040;
	[sflag:s16] =	ssyncadd.s32 $0xFFFF8000  }
0x39a: {  	v5 =	vld [tilespmem:s1+$0xFFFFFFC0]  }
0x39b: {  	v6 =	vld [tilespmem:s1+$0x0]  }
0x39c: {  	s3 =	sadd.f32 $-3.051757810e-05, s25;
	v7 =	vld [tilespmem:s1+$0xFFFFFFD0]  }
0x39d: {  	s0 =	smax.f32 s26, s0;
	v8 =	vld [tilespmem:s1+$0x10]  }
0x39e: {  	s0 =	smin.f32 s3, s0;
	v9 =	vld [tilespmem:s1+$0xFFFFFFE0]  }
0x39f: {  	v4 =	vmov s0;
	v10 =	vld [tilespmem:s1+$0x20]  }
0x3a0: {  	v11 =	vld [tilespmem:s1+$0xFFFFFFF0];
	v5 =	vsub.f32 v5, v4  }
0x3a1: {  	s25 =	simm.s32 $0x100C0;
	v12 =	vld [tilespmem:s1+$0x30];
	v6 =	vsub.f32 v6, v4  }
0x3a2: {  	v13 =	vld [tilespmem:s25+$0x0];
	v7 =	vsub.f32 v7, v4;
	v5 =	vmax.f32 v5, $0.0e+00  }
0x3a3: {  	s26 =	simm.s32 $0x40;
	v15 =	vld [tilespmem:s25+$0xFFFFFFC0];
	v8 =	vsub.f32 v8, v4;
	v6 =	vmax.f32 v6, $0.0e+00;
	[tilespmem:s1+$0xFFFFFFC0] =	vst v5  }
0x3a4: {  	v10 =	vsub.f32 v10, v4;
	[tilespmem:s1+$0x0] =	vst v6;
	v6 =	vmax.f32 v7, $0.0e+00;
	v5 =	vld [tilespmem:s26+$0xFFFFFFC0]  }
0x3a5: {  	v8 =	vmax.f32 v8, $0.0e+00;
	v7 =	vsub.f32 v9, v4;
	v9 =	vld [tilespmem:s26+$0x0];
	[tilespmem:s1+$0xFFFFFFD0] =	vst v6  }
0x3a6: {  	v10 =	vmax.f32 v10, $0.0e+00;
	[tilespmem:s1+$0x10] =	vst v8;
	v6 =	vsub.f32 v11, v4;
	v8 =	vld [tilespmem:s26+$0xFFFFFFD0]  }
0x3a7: {  	v11 =	vsub.f32 v12, v4;
	v7 =	vmax.f32 v7, $0.0e+00;
	v14 =	vld [tilespmem:s26+$0x10];
	[tilespmem:s1+$0x20] =	vst v10  }
0x3a8: {  	[tilespmem:s1+$0xFFFFFFE0] =	vst v7;
	v6 =	vmax.f32 v6, $0.0e+00;
	v10 =	vld [tilespmem:s26+$0x20]  }
0x3a9: {  	v7 =	vld [tilespmem:s26+$0xFFFFFFE0];
	[tilespmem:s1+$0xFFFFFFF0] =	vst v6;
	v6 =	vmax.f32 v11, $0.0e+00  }
0x3aa: {  	v12 =	vld [tilespmem:s26+$0xFFFFFFF0];
	[tilespmem:s1+$0x30] =	vst v6  }
0x3ab: {  	v6 =	vld [tilespmem:s26+$0x30]  }
0x3ac: {  	v16 =	vimm.f32 $-Inf;
	v17 =	vld [tilespmem:s25+$0x10]  }
0x3ad: {  	v11 =	vld [tilespmem:s25+$0xFFFFFFD0];
	v5 =	vmax.f32 v16, v5  }
0x3ae: {  	v5 =	vmax.f32 v5, v9;
	v9 =	vld [tilespmem:s25+$0x20];
	v8 =	vmax.f32 v16, v8  }
0x3af: {  	v18 =	vsub.f32 v13, v4;
	v8 =	vmax.f32 v8, v14;
	v13 =	vmax.f32 v16, v12;
	v12 =	vld [tilespmem:s25+$0xFFFFFFE0]  }
0x3b0: {  	v7 =	vmax.f32 v16, v7;
	v16 =	vsub.f32 v15, v4;
	v6 =	vmax.f32 v13, v6;
	v13 =	vld [tilespmem:s25+$0xFFFFFFF0]  }
0x3b1: {  	s28 =	simm.s32 $0x8;
	s29 =	simm.s32 $0x10140;
	v14 =	vsub.f32 v17, v4;
	v7 =	vmax.f32 v7, v10;
	v15 =	vmax.f32 v18, $0.0e+00;
	v10 =	vld [tilespmem:s25+$0x30]  }
.LBB2_28:
0x3b2: {  	v17 =	vld [tilespmem:s29+$0x0];
	v16 =	vmax.f32 v16, $0.0e+00;
	v11 =	vsub.f32 v11, v4;
	[tilespmem:s25+$0x0] =	vst v15;
	s26 =	sadd.s32 $0x80, s26  }
0x3b3: {  	[tilespmem:s25+$0xFFFFFFC0] =	vst v16;
	v15 =	vld [tilespmem:s26+$0x0];
	v14 =	vmax.f32 v14, $0.0e+00;
	v9 =	vsub.f32 v9, v4  }
0x3b4: {  	v16 =	vld [tilespmem:s26+$0xFFFFFFC0];
	v11 =	vmax.f32 v11, $0.0e+00;
	v12 =	vsub.f32 v12, v4;
	[tilespmem:s25+$0x10] =	vst v14  }
0x3b5: {  	[tilespmem:s25+$0xFFFFFFD0] =	vst v11;
	v11 =	vsub.f32 v13, v4;
	v13 =	vld [tilespmem:s26+$0x10];
	v9 =	vmax.f32 v9, $0.0e+00  }
0x3b6: {  	v14 =	vld [tilespmem:s26+$0xFFFFFFD0];
	v12 =	vmax.f32 v12, $0.0e+00;
	[tilespmem:s25+$0x20] =	vst v9;
	v9 =	vsub.f32 v10, v4  }
0x3b7: {  	[tilespmem:s25+$0xFFFFFFE0] =	vst v12;
	v10 =	vmax.f32 v11, $0.0e+00;
	v18 =	vld [tilespmem:s26+$0x20]  }
0x3b8: {  	v12 =	vld [tilespmem:s26+$0xFFFFFFE0];
	[tilespmem:s25+$0xFFFFFFF0] =	vst v10;
	v9 =	vmax.f32 v9, $0.0e+00  }
0x3b9: {  	v10 =	vld [tilespmem:s26+$0xFFFFFFF0];
	[tilespmem:s25+$0x30] =	vst v9;
	s25 =	smov.u32 s29  }
0x3ba: {  	v19 =	vld [tilespmem:s26+$0x30]  }
0x3bb: {  	s28 =	sadd.s32 $0x8, s28;
	v20 =	vld [tilespmem:s29+$0xFFFFFFC0]  }
0x3bc: {  	p0 =	slt.u32 s28, $0x7F8;
	v5 =	vmax.f32 v5, v16;
	v21 =	vld [tilespmem:s29+$0x10]  }
.Ltmp13:
0x3bd: {  	v17 =	vsub.f32 v17, v4;
	v5 =	vmax.f32 v5, v15;
	v11 =	vld [tilespmem:s29+$0xFFFFFFD0];
	(pc) =	sbr.rel @p0 .LBB2_28-.Ltmp13, $4  }
0x3be: {  	v8 =	vmax.f32 v8, v14;
	v7 =	vmax.f32 v7, v12;
	v9 =	vld [tilespmem:s29+$0x20];
	v6 =	vmax.f32 v6, v10  }
0x3bf: {  	v8 =	vmax.f32 v8, v13;
	v7 =	vmax.f32 v7, v18;
	v12 =	vld [tilespmem:s29+$0xFFFFFFE0];
	v6 =	vmax.f32 v6, v19  }
0x3c0: {  	v16 =	vsub.f32 v20, v4;
	v13 =	vld [tilespmem:s29+$0xFFFFFFF0]  }
0x3c1: {  	v15 =	vmax.f32 v17, $0.0e+00;
	s29 =	sadd.s32 $0x80, s29;
	v14 =	vsub.f32 v21, v4;
	v10 =	vld [tilespmem:s25+$0x30]  }
0x3c2: {  	v16 =	vmax.f32 v16, $0.0e+00;
	v11 =	vsub.f32 v11, v4;
	s0 =	sadd.s32 $0x80, s26;
	[tilespmem:s25+$0x0] =	vst v15  }
0x3c3: {  	[tilespmem:s25+$0xFFFFFFC0] =	vst v16;
	v16 =	vld [tilespmem:s0+$0x0];
	v14 =	vmax.f32 v14, $0.0e+00;
	v9 =	vsub.f32 v9, v4  }
0x3c4: {  	v15 =	vld [tilespmem:s0+$0xFFFFFFC0];
	v11 =	vmax.f32 v11, $0.0e+00;
	v12 =	vsub.f32 v12, v4;
	[tilespmem:s25+$0x10] =	vst v14  }
0x3c5: {  	[tilespmem:s25+$0xFFFFFFD0] =	vst v11;
	v11 =	vsub.f32 v13, v4;
	v14 =	vld [tilespmem:s0+$0x10];
	v9 =	vmax.f32 v9, $0.0e+00  }
0x3c6: {  	v13 =	vld [tilespmem:s0+$0xFFFFFFD0];
	v12 =	vmax.f32 v12, $0.0e+00;
	v4 =	vsub.f32 v10, v4;
	[tilespmem:s25+$0x20] =	vst v9  }
0x3c7: {  	[tilespmem:s25+$0xFFFFFFE0] =	vst v12;
	v9 =	vmax.f32 v11, $0.0e+00;
	v11 =	vld [tilespmem:s0+$0x20]  }
0x3c8: {  	v10 =	vld [tilespmem:s0+$0xFFFFFFE0];
	[tilespmem:s25+$0xFFFFFFF0] =	vst v9;
	v4 =	vmax.f32 v4, $0.0e+00  }
0x3c9: {  	v9 =	vld [tilespmem:s0+$0xFFFFFFF0];
	[tilespmem:s25+$0x30] =	vst v4  }
0x3ca: {  	v4 =	vld [tilespmem:s0+$0x30];
	_ =	sdelay $0x1  }
0x3cb: {  	v5 =	vmax.f32 v5, v15;
	v8 =	vmax.f32 v8, v13  }
0x3cc: {  	v5 =	vmax.f32 v5, v16;
	v8 =	vmax.f32 v8, v14;
	v7 =	vmax.f32 v7, v10  }
0x3cd: {  	v5 =	vmax.f32 v5, v8;
	v6 =	vmax.f32 v6, v9;
	v7 =	vmax.f32 v7, v11  }
0x3ce: {  	v4 =	vmax.f32 v6, v4;
	v5 =	vmax.f32 v5, v7  }
0x3cf: {  	v4 =	vmax.f32 v5, v4  }
0x3d0: {  	(xrf0) =	vmax.scan.msk.f32 $0xffff, v4;
	_ =	sdelay $0x5  }
0x3d1: {  	v4, _, _ =	vpop (xrf0)  }
0x3d2: {  	(v2sf) =	vpush v4, $0xF;
	_ =	sdelay $0x9  }
0x3d3: {  	s29 =	simm.s32 $0x80;
	s31 =	simm.s32 $0x10000  }
0x3d4: {  	[hbm4b:s9+s29] =	stream.strided.scatter [tilespmem:s31], [sflag:$0x6], $0x8000, s12, s29, $0x38;
	[tilespmem:$0x18800] =	vst v63  }
0x3d5: {  	v15 =	vld [tilespmem:s29+$0x40]  }
0x3d6: {  	v16 =	vld [tilespmem:s29+$0x70]  }
0x3d7: {  	v17 =	vld [tilespmem:s29+$0x60]  }
0x3d8: {  	v20 =	vld [tilespmem:s29+$0xFFFFFF80];
	s25 =	spop (v2sf)  }
0x3d9: {  	v21 =	vld [tilespmem:s29+$0xFFFFFFF0];
	s26 =	sadd.f32 $-1.000000000e+00, s25;
	_ =	sdelay $0x1  }
0x3da: {  	v4 =	vmov s26  }
0x3db: {  	v5 =	vsub.f32 v15, v4;
	v6 =	vsub.f32 v16, v4  }
0x3dc: {  	v14 =	vld [tilespmem:s29+$0xFFFFFFA0];
	v7 =	vsub.f32 v17, v4;
	v8 =	vsub.f32 v20, v4  }
0x3dd: {  	vm6 =	vge.f32 v20, v4;
	vm5 =	vge.f32 v15, v4;
	v28 =	vsub.f32 v21, v4  }
0x3de: {  	vm0 =	vge.f32 v17, v4;
	v5 =	vmul.f32 $1.023750000e+03, v5;
	v6 =	vmul.f32 $1.023750000e+03, v6  }
0x3df: {  	vm8 =	vge.f32 v16, v4;
	v7 =	vmul.f32 $1.023750000e+03, v7;
	v28 =	vmul.f32 $1.023750000e+03, v28  }
0x3e0: {  	vm7 =	vge.f32 v21, v4;
	v5 =	vtrunc.f32 v5;
	v6 =	vtrunc.f32 v6  }
0x3e1: {  	v33 =	vsub.f32 v14, v4;
	v7 =	vtrunc.f32 v7;
	v6 =	vcvt.f32.s32 v6  }
0x3e2: {  	vm4 =	vge.f32 v14, v4;
	v9 =	vcvt.f32.s32 v5;
	v5 =	vcvt.f32.s32 v7  }
0x3e3: {  	v11 =	vld [tilespmem:s29+$0x30];
	v8 =	vmul.f32 $1.023750000e+03, v8;
	v28 =	vtrunc.f32 v28;
	v7 =	vshll.u32 v6, $0x4  }
0x3e4: {  	v6 =	vshrl.u32 v6, $0x6;
	v12 =	vshll.u32 v5, $0x4;
	v13 =	vshrl.u32 v5, $0x6;
	v5 =	vld [tilespmem:s29+$0x10]  }
0x3e5: {  	v28 =	vcvt.f32.s32 v28;
	v6 =	vor.u32 v6, v7;
	v7 =	vtrunc.f32 v8;
	v8 =	vld [tilespmem:s29+$0x20]  }
0x3e6: {  	v12 =	vor.u32 v13, v12;
	v7 =	vcvt.f32.s32 v7;
	v19 =	vand.u32 $0x3FF, v6;
	v6 =	vld [tilespmem:s29+$0x0]  }
0x3e7: {  	v10 =	vshll.u32 v9, $0x4;
	v9 =	vshrl.u32 v9, $0x6;
	v22 =	vand.u32 $0x3FF, v12;
	v12 =	vld [tilespmem:s29+$0xFFFFFFD0]  }
0x3e8: {  	v9 =	vor.u32 v9, v10;
	v10 =	vshll.u32 v7, $0x4;
	v7 =	vshrl.u32 v7, $0x6  }
0x3e9: {  	v62 =	vshrl.u32 v28, $0x6;
	v25 =	vand.u32 $0x3FF, v9;
	v9 =	vor.u32 v7, v10  }
0x3ea: {  	v18 =	vsub.f32 v5, v4;
	v23 =	vand.u32 $0x3FF, v9;
	v9 =	vsub.f32 v11, v4  }
0x3eb: {  	v28 =	vshll.u32 v28, $0x4;
	v10 =	vld [tilespmem:s29+$0xFFFFFFC0];
	v13 =	vsub.f32 v8, v4;
	v26 =	vsub.f32 v6, v4  }
0x3ec: {  	v29 =	vmul.f32 $1.023750000e+03, v18;
	v30 =	vsub.f32 v12, v4;
	v24 =	vmul.f32 $1.023750000e+03, v9;
	v9 =	vld [tilespmem:s29+$0xFFFFFFB0]  }
0x3ed: {  	v28 =	vor.u32 v62, v28;
	v27 =	vmul.f32 $1.023750000e+03, v13;
	v26 =	vmul.f32 $1.023750000e+03, v26  }
0x3ee: {  	v28 =	vand.u32 $0x3FF, v28;
	v7 =	vld [tilespmem:s29+$0xFFFFFFE0];
	v29 =	vtrunc.f32 v29;
	v30 =	vmul.f32 $1.023750000e+03, v30  }
0x3ef: {  	vm2 =	vge.f32 v5, v4;
	v13 =	vld [tilespmem:s29+$0xFFFFFF90];
	v27 =	vtrunc.f32 v27;
	v31 =	vtrunc.f32 v24  }
0x3f0: {  	[tilespmem:v22+s17+$0x0] =	vst.idx.add.f32.msk vm0, v2;
	v32 =	vsub.f32 v10, v4;
	v29 =	vcvt.f32.s32 v29;
	v24 =	vtrunc.f32 v26  }
0x3f1: {  	[tilespmem:v19+s17+$0x0] =	vst.idx.add.f32.msk vm8, v2;
	v26 =	vcvt.f32.s32 v31;
	v27 =	vcvt.f32.s32 v27;
	v31 =	vsub.f32 v9, v4  }
0x3f2: {  	vm3 =	vge.f32 v12, v4;
	[tilespmem:v22+s18+$0x0] =	vst.idx.add.f32.msk vm0, v17;
	v30 =	vtrunc.f32 v30;
	v22 =	vmul.f32 $1.023750000e+03, v32  }
0x3f3: {  	[tilespmem:v19+s18+$0x0] =	vst.idx.add.f32.msk vm8, v16;
	v18 =	vsub.f32 v7, v4;
	v36 =	vmul.f32 $1.023750000e+03, v31;
	v31 =	vmul.f32 $1.023750000e+03, v33  }
0x3f4: {  	[tilespmem:v23+s17+$0x0] =	vst.idx.add.f32.msk vm6, v2;
	v19 =	vshll.u32 v29, $0x4;
	v30 =	vcvt.f32.s32 v30;
	v35 =	vsub.f32 v13, v4  }
0x3f5: {  	[tilespmem:v23+s18+$0x0] =	vst.idx.add.f32.msk vm6, v20;
	v23 =	vshrl.u32 v29, $0x6;
	v34 =	vshll.u32 v26, $0x4;
	v31 =	vtrunc.f32 v31  }
0x3f6: {  	v26 =	vshrl.u32 v26, $0x6;
	v17 =	vmul.f32 $1.023750000e+03, v35;
	v31 =	vcvt.f32.s32 v31  }
0x3f7: {  	vm1 =	vge.f32 v13, v4;
	vm0 =	vge.f32 v9, v4;
	v26 =	vor.u32 v26, v34  }
0x3f8: {  	v16 =	vtrunc.f32 v17;
	v63 =	vshll.u32 v31, $0x4;
	v17 =	vshrl.u32 v31, $0x6  }
0x3f9: {  	[tilespmem:v28+s17+$0x0] =	vst.idx.add.f32.msk vm7, v2;
	v22 =	vtrunc.f32 v22;
	v16 =	vcvt.f32.s32 v16;
	v17 =	vor.u32 v17, v63  }
0x3fa: {  	[tilespmem:v28+s18+$0x0] =	vst.idx.add.f32.msk vm7, v21;
	v21 =	vshrl.u32 v30, $0x6;
	v31 =	vand.u32 $0x3FF, v17;
	v17 =	vcvt.f32.s32 v22  }
0x3fb: {  	v20 =	vtrunc.f32 v36;
	v22 =	vshll.u32 v16, $0x4;
	v16 =	vshrl.u32 v16, $0x6  }
0x3fc: {  	[tilespmem:v25+s17+$0x0] =	vst.idx.add.f32.msk vm5, v2;
	v16 =	vor.u32 v16, v22;
	v29 =	vshll.u32 v17, $0x4;
	v17 =	vshrl.u32 v17, $0x6  }
0x3fd: {  	[tilespmem:v25+s18+$0x0] =	vst.idx.add.f32.msk vm5, v15;
	v22 =	vand.u32 $0x3FF, v16;
	v16 =	vshll.u32 v30, $0x4;
	v15 =	vor.u32 v17, v29  }
0x3fe: {  	s28 =	simm.s32 $0x0;
	v20 =	vcvt.f32.s32 v20;
	v17 =	vand.u32 $0x3FF, v15;
	v15 =	vor.u32 v21, v16;
	v16 =	vld [tilespmem:s29+$0x50];
	s29 =	simm.s32 $0x180  }
.LBB2_30:
0x3ff: {  	s28 =	sadd.s32 $0x10, s28;
	[tilespmem:v31+s17+$0x0] =	vst.idx.add.f32.msk vm4, v2;
	v21 =	vand.u32 $0x3FF, v15;
	v19 =	vor.u32 v23, v19;
	v25 =	vshll.u32 v27, $0x4  }
0x400: {  	vm5 =	vge.f32 v10, v4;
	v15 =	vld [tilespmem:s29+$0x40];
	p0 =	slt.u32 s28, $0x7F0;
	v29 =	vshll.u32 v20, $0x4;
	v28 =	vand.u32 $0x3FF, v19  }
0x401: {  	v24 =	vcvt.f32.s32 v24;
	v27 =	vshrl.u32 v27, $0x6;
	v20 =	vshrl.u32 v20, $0x6;
	v19 =	vld [tilespmem:s29+$0x70]  }
0x402: {  	v18 =	vmul.f32 $1.023750000e+03, v18;
	v25 =	vor.u32 v27, v25;
	v29 =	vor.u32 v20, v29;
	v23 =	vld [tilespmem:s29+$0x60]  }
0x403: {  	v26 =	vand.u32 $0x3FF, v26;
	v34 =	vand.u32 $0x3FF, v25;
	v27 =	vand.u32 $0x3FF, v29;
	v20 =	vld [tilespmem:s29+$0xFFFFFF80]  }
0x404: {  	v18 =	vtrunc.f32 v18;
	v25 =	vshll.u32 v24, $0x4;
	v24 =	vshrl.u32 v24, $0x6;
	v35 =	vld [tilespmem:s29+$0xFFFFFF90]  }
0x405: {  	v18 =	vcvt.f32.s32 v18;
	v24 =	vor.u32 v24, v25;
	v25 =	vsub.f32 v16, v4;
	v30 =	vld [tilespmem:s29+$0xFFFFFFA0]  }
0x406: {  	v36 =	vand.u32 $0x3FF, v24;
	v32 =	vsub.f32 v15, v4;
	v29 =	vld [tilespmem:s29+$0xFFFFFFB0];
	v33 =	vsub.f32 v19, v4  }
0x407: {  	v38 =	vshll.u32 v18, $0x4;
	v39 =	vmul.f32 $1.023750000e+03, v25;
	v24 =	vld [tilespmem:s29+$0xFFFFFFC0];
	v37 =	vsub.f32 v23, v4  }
0x408: {  	v18 =	vshrl.u32 v18, $0x6;
	v41 =	vmul.f32 $1.023750000e+03, v32;
	v40 =	vld [tilespmem:s29+$0xFFFFFFD0];
	v33 =	vmul.f32 $1.023750000e+03, v33  }
0x409: {  	v18 =	vor.u32 v18, v38;
	v42 =	vsub.f32 v20, v4;
	v32 =	vld [tilespmem:s29+$0xFFFFFFE0];
	v37 =	vmul.f32 $1.023750000e+03, v37  }
0x40a: {  	v38 =	vtrunc.f32 v41;
	v25 =	vld [tilespmem:s29+$0xFFFFFFF0];
	v41 =	vtrunc.f32 v33;
	v33 =	vand.u32 $0x3FF, v18  }
0x40b: {  	vm7 =	vmmov vm2;
	v43 =	vld [tilespmem:s29+$0x0];
	v18 =	vtrunc.f32 v37;
	v37 =	vcvt.f32.s32 v41  }
0x40c: {  	vm2 =	vge.f32 v11, v4;
	v38 =	vcvt.f32.s32 v38;
	v41 =	vmul.f32 $1.023750000e+03, v42;
	v42 =	vld [tilespmem:s29+$0x10]  }
0x40d: {  	v18 =	vcvt.f32.s32 v18;
	v44 =	vshll.u32 v37, $0x4;
	v37 =	vshrl.u32 v37, $0x6;
	[tilespmem:v31+s18+$0x0] =	vst.idx.add.f32.msk vm4, v14;
	v14 =	vmovc v30  }
0x40e: {  	v30 =	vshll.u32 v38, $0x4;
	v38 =	vshrl.u32 v38, $0x6;
	v31 =	vld [tilespmem:s29+$0x20];
	v37 =	vor.u32 v37, v44  }
0x40f: {  	v45 =	vshll.u32 v18, $0x4;
	v18 =	vshrl.u32 v18, $0x6;
	v44 =	vld [tilespmem:s29+$0x30];
	v37 =	vand.u32 $0x3FF, v37  }
0x410: {  	v39 =	vtrunc.f32 v39;
	v41 =	vtrunc.f32 v41;
	v18 =	vor.u32 v18, v45;
	[tilespmem:v22+s17+$0x0] =	vst.idx.add.f32.msk vm1, v2  }
0x411: {  	v41 =	vcvt.f32.s32 v41;
	v30 =	vor.u32 v38, v30;
	v38 =	vand.u32 $0x3FF, v18;
	[tilespmem:v21+s17+$0x0] =	vst.idx.add.f32.msk vm3, v2  }
0x412: {  	vm9 =	vge.f32 v8, v4;
	v30 =	vand.u32 $0x3FF, v30;
	v18 =	vcvt.f32.s32 v39;
	[tilespmem:v28+s17+$0x0] =	vst.idx.add.f32.msk vm7, v2  }
0x413: {  	vm4 =	vge.f32 v6, v4;
	v39 =	vshll.u32 v41, $0x4;
	v41 =	vshrl.u32 v41, $0x6;
	[tilespmem:v17+s17+$0x0] =	vst.idx.add.f32.msk vm5, v2  }
0x414: {  	v39 =	vor.u32 v41, v39;
	[tilespmem:v21+s18+$0x0] =	vst.idx.add.f32.msk vm3, v12;
	v21 =	vshll.u32 v18, $0x4;
	v18 =	vshrl.u32 v18, $0x6;
	v12 =	vmovc v40  }
0x415: {  	vm12 =	vge.f32 v16, v4;
	v39 =	vand.u32 $0x3FF, v39;
	[tilespmem:v26+s17+$0x0] =	vst.idx.add.f32.msk vm2, v2;
	v18 =	vor.u32 v18, v21  }
0x416: {  	vm10 =	vge.f32 v7, v4;
	vm8 =	vge.f32 v20, v4;
	[tilespmem:v26+s18+$0x0] =	vst.idx.add.f32.msk vm2, v11;
	v26 =	vand.u32 $0x3FF, v18  }
0x417: {  	vm6 =	vge.f32 v15, v4;
	v18 =	vsub.f32 v44, v4;
	[tilespmem:v22+s18+$0x0] =	vst.idx.add.f32.msk vm1, v13;
	v13 =	vmov v35  }
0x418: {  	vm3 =	vge.f32 v23, v4;
	v21 =	vimm.f32 $0.0e+00;
	v11 =	vmovc v44;
	v22 =	vsub.f32 v31, v4;
	[tilespmem:v34+s17+$0x0] =	vst.idx.add.f32.msk vm9, v2  }
0x419: {  	vm2 =	vge.f32 v42, v4;
	v35 =	vsub.f32 v42, v4;
	v40 =	vmul.f32 $1.023750000e+03, v18;
	[tilespmem:v36+s17+$0x0] =	vst.idx.add.f32.msk vm4, v2  }
0x41a: {  	vm11 =	vge.f32 v19, v4;
	v41 =	vsub.f32 v43, v4;
	v22 =	vmul.f32 $1.023750000e+03, v22;
	[tilespmem:v34+s18+$0x0] =	vst.idx.add.f32.msk vm9, v8  }
0x41b: {  	v44 =	vsub.f32 v25, v4;
	vm9 =	vge.f32 v25, v4;
	v34 =	vmul.f32 $1.023750000e+03, v35;
	[tilespmem:v26+s17+$0x0] =	vst.idx.add.f32.msk vm12, v2  }
0x41c: {  	v18 =	vsub.f32 v32, v4;
	v35 =	vmul.f32 $1.023750000e+03, v41;
	v22 =	vtrunc.f32 v22;
	[tilespmem:v17+s18+$0x0] =	vst.idx.add.f32.msk vm5, v10;
	v10 =	vmovc v24  }
0x41d: {  	v41 =	vmul.f32 $1.023750000e+03, v44;
	v40 =	vtrunc.f32 v40;
	v8 =	vmovc v31;
	v17 =	vsub.f32 v12, v4;
	[tilespmem:v26+s18+$0x0] =	vst.idx.add.f32.msk vm12, v16  }
0x41e: {  	v24 =	vtrunc.f32 v35;
	v16 =	vsub.f32 v10, v4;
	v26 =	vcvt.f32.s32 v40;
	[tilespmem:v36+s18+$0x0] =	vst.idx.add.f32.msk vm4, v6;
	v6 =	vmovc v43  }
0x41f: {  	v31 =	vsub.f32 v29, v4;
	v35 =	vtrunc.f32 v41;
	v34 =	vtrunc.f32 v34;
	[tilespmem:v28+s18+$0x0] =	vst.idx.add.f32.msk vm7, v5;
	v5 =	vmovc v42  }
0x420: {  	v35 =	vcvt.f32.s32 v35;
	v28 =	vsub.f32 v14, v4;
	v36 =	vshll.u32 v26, $0x4;
	[tilespmem:v33+s17+$0x0] =	vst.idx.add.f32.msk vm10, v2  }
0x421: {  	v41 =	vmul.f32 $1.023750000e+03, v31;
	v40 =	vsub.f32 v13, v4;
	v26 =	vshrl.u32 v26, $0x6;
	[tilespmem:v27+s17+$0x0] =	vst.idx.add.f32.msk vm0, v2  }
0x422: {  	v31 =	vshrl.u32 v35, $0x6;
	v26 =	vor.u32 v26, v36;
	v28 =	vmul.f32 $1.023750000e+03, v28;
	[tilespmem:v27+s18+$0x0] =	vst.idx.add.f32.msk vm0, v9;
	v9 =	vmovc v29  }
0x423: {  	vm4 =	vge.f32 v14, v4;
	v27 =	vshll.u32 v35, $0x4;
	v29 =	vcvt.f32.s32 v34;
	[tilespmem:v33+s18+$0x0] =	vst.idx.add.f32.msk vm10, v7;
	v7 =	vmovc v32  }
0x424: {  	vm1 =	vge.f32 v13, v4;
	v28 =	vtrunc.f32 v28;
	v27 =	vor.u32 v31, v27;
	[tilespmem:v38+s17+$0x0] =	vst.idx.add.f32.msk vm3, v2  }
0x425: {  	v28 =	vcvt.f32.s32 v28;
	v32 =	vand.u32 $0x3FF, v27;
	v27 =	vcvt.f32.s32 v22;
	[tilespmem:v38+s18+$0x0] =	vst.idx.add.f32.msk vm3, v23  }
0x426: {  	v16 =	vmul.f32 $1.023750000e+03, v16;
	v22 =	vmul.f32 $1.023750000e+03, v40;
	vm3 =	vge.f32 v12, v4;
	[tilespmem:v37+s17+$0x0] =	vst.idx.add.f32.msk vm11, v2  }
0x427: {  	v17 =	vmul.f32 $1.023750000e+03, v17;
	vm0 =	vge.f32 v9, v4;
	v23 =	vshll.u32 v28, $0x4;
	[tilespmem:v37+s18+$0x0] =	vst.idx.add.f32.msk vm11, v19  }
0x428: {  	v22 =	vtrunc.f32 v22;
	v28 =	vshrl.u32 v28, $0x6;
	v19 =	vshll.u32 v29, $0x4;
	[tilespmem:v39+s17+$0x0] =	vst.idx.add.f32.msk vm8, v2  }
0x429: {  	v17 =	vtrunc.f32 v17;
	v16 =	vtrunc.f32 v16;
	[tilespmem:v39+s18+$0x0] =	vst.idx.add.f32.msk vm8, v20;
	v20 =	vor.u32 v28, v23  }
0x42a: {  	v16 =	vcvt.f32.s32 v16;
	v22 =	vcvt.f32.s32 v22;
	v31 =	vand.u32 $0x3FF, v20;
	[tilespmem:v30+s17+$0x0] =	vst.idx.add.f32.msk vm6, v2  }
.Ltmp14:
0x42b: {  	v17 =	vcvt.f32.s32 v17;
	v23 =	vshrl.u32 v29, $0x6;
	v20 =	vtrunc.f32 v41;
	[tilespmem:v32+s17+$0x0] =	vst.idx.add.f32.msk vm9, v2;
	(pc) =	sbr.rel @p0 .LBB2_30-.Ltmp14, $4  }
0x42c: {  	v28 =	vshll.u32 v22, $0x4;
	v22 =	vshrl.u32 v22, $0x6;
	v29 =	vshll.u32 v16, $0x4;
	[tilespmem:v32+s18+$0x0] =	vst.idx.add.f32.msk vm9, v25  }
0x42d: {  	v16 =	vshrl.u32 v16, $0x6;
	v22 =	vor.u32 v22, v28;
	v25 =	vshrl.u32 v17, $0x6;
	[tilespmem:v30+s18+$0x0] =	vst.idx.add.f32.msk vm6, v15  }
0x42e: {  	v22 =	vand.u32 $0x3FF, v22;
	v15 =	vor.u32 v16, v29;
	v16 =	vshll.u32 v17, $0x4  }
0x42f: {  	s30 =	simm.s32 $0x18440;
	v20 =	vcvt.f32.s32 v20;
	v17 =	vand.u32 $0x3FF, v15;
	v15 =	vor.u32 v25, v16;
	v16 =	vld [tilespmem:s29+$0x50];
	s29 =	sadd.s32 $0x100, s29  }
0x430: {  	_ =	sdelay $0x3  }
0x431: {  	v15 =	vand.u32 $0x3FF, v15;
	v19 =	vor.u32 v23, v19;
	vm2 =	vmmov vm2  }
0x432: {  	vm5 =	vge.f32 v10, v4;
	[tilespmem:v31+s17+$0x0] =	vst.idx.add.f32.msk vm4, v2;
	v19 =	vand.u32 $0x3FF, v19  }
0x433: {  	v25 =	vshll.u32 v27, $0x4;
	[tilespmem:v22+s17+$0x0] =	vst.idx.add.f32.msk vm1, v2  }
0x434: {  	vm13 =	vge.f32 v11, v4;
	[tilespmem:v31+s18+$0x0] =	vst.idx.add.f32.msk vm4, v14;
	v14 =	vshrl.u32 v27, $0x6;
	v61 =	vsub.f32 v16, v4  }
0x435: {  	v26 =	vand.u32 $0x3FF, v26;
	vm6 =	vge.f32 v8, v4;
	[tilespmem:v22+s18+$0x0] =	vst.idx.add.f32.msk vm1, v13;
	v14 =	vor.u32 v14, v25  }
0x436: {  	v14 =	vand.u32 $0x3FF, v14;
	[tilespmem:v15+s17+$0x0] =	vst.idx.add.f32.msk vm3, v2;
	v23 =	vmul.f32 $1.023750000e+03, v61  }
0x437: {  	v24 =	vcvt.f32.s32 v24;
	[tilespmem:v19+s17+$0x0] =	vst.idx.add.f32.msk vm2, v2  }
0x438: {  	v18 =	vmul.f32 $1.023750000e+03, v18;
	vm7 =	vge.f32 v6, v4;
	[tilespmem:v17+s17+$0x0] =	vst.idx.add.f32.msk vm5, v2;
	v23 =	vtrunc.f32 v23  }
0x439: {  	v62 =	vshll.u32 v24, $0x4;
	v24 =	vshrl.u32 v24, $0x6;
	[tilespmem:v15+s18+$0x0] =	vst.idx.add.f32.msk vm3, v12;
	v23 =	vcvt.f32.s32 v23  }
0x43a: {  	v13 =	vshll.u32 v20, $0x4;
	v63 =	vshrl.u32 v20, $0x6;
	v24 =	vor.u32 v24, v62;
	[tilespmem:v26+s17+$0x0] =	vst.idx.add.f32.msk vm13, v2  }
0x43b: {  	v24 =	vand.u32 $0x3FF, v24;
	[tilespmem:v14+s17+$0x0] =	vst.idx.add.f32.msk vm6, v2;
	v12 =	vshll.u32 v23, $0x4;
	v15 =	vshrl.u32 v23, $0x6  }
0x43c: {  	[tilespmem:v14+s18+$0x0] =	vst.idx.add.f32.msk vm6, v8;
	v8 =	vor.u32 v63, v13;
	v12 =	vor.u32 v15, v12;
	v15 =	vtrunc.f32 v18  }
0x43d: {  	[tilespmem:v26+s18+$0x0] =	vst.idx.add.f32.msk vm13, v11;
	v8 =	vand.u32 $0x3FF, v8;
	v11 =	vand.u32 $0x3FF, v12;
	v12 =	vcvt.f32.s32 v15  }
0x43e: {  	vm14 =	vge.f32 v16, v4;
	[tilespmem:v17+s18+$0x0] =	vst.idx.add.f32.msk vm5, v10  }
0x43f: {  	[tilespmem:v19+s18+$0x0] =	vst.idx.add.f32.msk vm2, v5;
	v15 =	vshll.u32 v12, $0x4;
	v12 =	vshrl.u32 v12, $0x6  }
0x440: {  	vm15 =	vge.f32 v7, v4;
	[tilespmem:v24+s17+$0x0] =	vst.idx.add.f32.msk vm7, v2;
	v12 =	vor.u32 v12, v15  }
0x441: {  	[tilespmem:v24+s18+$0x0] =	vst.idx.add.f32.msk vm7, v6;
	v12 =	vand.u32 $0x3FF, v12  }
0x442: {  	[tilespmem:v8+s17+$0x0] =	vst.idx.add.f32.msk vm0, v2  }
0x443: {  	[tilespmem:v8+s18+$0x0] =	vst.idx.add.f32.msk vm0, v9  }
0x444: {  	[tilespmem:v11+s17+$0x0] =	vst.idx.add.f32.msk vm14, v2  }
0x445: {  	[tilespmem:v11+s18+$0x0] =	vst.idx.add.f32.msk vm14, v16  }
0x446: {  	[tilespmem:v12+s17+$0x0] =	vst.idx.add.f32.msk vm15, v2  }
0x447: {  	[tilespmem:v12+s18+$0x0] =	vst.idx.add.f32.msk vm15, v7  }
0x448: {  	s28 =	simm.s32 $0x18040;
	v5 =	vld [tilespmem:s30+$0xFFFFFFC0]  }
0x449: {  	v6 =	vld [tilespmem:s28+$0xFFFFFFC0]  }
0x44a: {  	v7 =	vld [tilespmem:s30+$0xFFFFFFD0]  }
0x44b: {  	v8 =	vld [tilespmem:s28+$0xFFFFFFD0]  }
0x44c: {  	v9 =	vld [tilespmem:s30+$0xFFFFFFE0]  }
0x44d: {  	v10 =	vld [tilespmem:s28+$0xFFFFFFE0]  }
0x44e: {  	v11 =	vld [tilespmem:s30+$0xFFFFFFF0];
	v6 =	vadd.f32 v6, v21;
	v5 =	vadd.f32 v5, v21  }
0x44f: {  	v12 =	vld [tilespmem:s28+$0xFFFFFFF0]  }
0x450: {  	v13 =	vld [tilespmem:s30+$0x0];
	v8 =	vadd.f32 v8, v6;
	v5 =	vadd.f32 v7, v5  }
0x451: {  	v14 =	vld [tilespmem:s28+$0x0]  }
0x452: {  	v6 =	vld [tilespmem:s30+$0x10];
	v7 =	vadd.f32 v10, v8;
	v9 =	vadd.f32 v9, v5  }
0x453: {  	v8 =	vld [tilespmem:s28+$0x10]  }
0x454: {  	v5 =	vld [tilespmem:s30+$0x20];
	v10 =	vadd.f32 v12, v7;
	v11 =	vadd.f32 v11, v9  }
0x455: {  	v9 =	vld [tilespmem:s28+$0x20]  }
0x456: {  	v7 =	vld [tilespmem:s30+$0x30];
	v12 =	vadd.f32 v14, v10;
	v11 =	vadd.f32 v13, v11  }
0x457: {  	s29 =	simm.s32 $0x0;
	s30 =	simm.s32 $0x184C0;
	v10 =	vld [tilespmem:s28+$0x30]  }
.LBB2_32:
0x458: {  	v13 =	vld [tilespmem:s30+$0xFFFFFFC0];
	v8 =	vadd.f32 v8, v12;
	v6 =	vadd.f32 v6, v11;
	s28 =	sadd.s32 $0x80, s28  }
0x459: {  	s29 =	sadd.s32 $0x8, s29;
	v11 =	vld [tilespmem:s28+$0xFFFFFFC0]  }
0x45a: {  	p0 =	slt.u32 s29, $0x38;
	v12 =	vld [tilespmem:s30+$0xFFFFFFD0];
	v8 =	vadd.f32 v9, v8;
	v5 =	vadd.f32 v5, v6  }
0x45b: {  	v6 =	vld [tilespmem:s28+$0xFFFFFFD0]  }
0x45c: {  	v9 =	vld [tilespmem:s30+$0xFFFFFFE0];
	v8 =	vadd.f32 v10, v8;
	v5 =	vadd.f32 v7, v5  }
0x45d: {  	v7 =	vld [tilespmem:s28+$0xFFFFFFE0]  }
0x45e: {  	v8 =	vadd.f32 v11, v8;
	v5 =	vadd.f32 v13, v5;
	v10 =	vld [tilespmem:s30+$0xFFFFFFF0]  }
0x45f: {  	v11 =	vld [tilespmem:s28+$0xFFFFFFF0]  }
0x460: {  	v6 =	vadd.f32 v6, v8;
	v5 =	vadd.f32 v12, v5;
	v13 =	vld [tilespmem:s30+$0x0]  }
0x461: {  	v12 =	vld [tilespmem:s28+$0x0]  }
0x462: {  	v7 =	vadd.f32 v7, v6;
	v5 =	vadd.f32 v9, v5;
	v6 =	vld [tilespmem:s30+$0x10]  }
.Ltmp15:
0x463: {  	v8 =	vld [tilespmem:s28+$0x10];
	(pc) =	sbr.rel @p0 .LBB2_32-.Ltmp15, $4  }
0x464: {  	v7 =	vadd.f32 v11, v7;
	v10 =	vadd.f32 v10, v5;
	v5 =	vld [tilespmem:s30+$0x20]  }
0x465: {  	v9 =	vld [tilespmem:s28+$0x20]  }
0x466: {  	v12 =	vadd.f32 v12, v7;
	v11 =	vadd.f32 v13, v10;
	v7 =	vld [tilespmem:s30+$0x30]  }
0x467: {  	s30 =	sadd.s32 $0x80, s30;
	v10 =	vld [tilespmem:s28+$0x30]  }
0x468: {  	v8 =	vadd.f32 v8, v12;
	_ =	sdelay $0x1  }
0x469: {  	v8 =	vadd.f32 v9, v8  }
0x46a: {  	v6 =	vadd.f32 v6, v11  }
0x46b: {  	v8 =	vadd.f32 v10, v8  }
0x46c: {  	v5 =	vadd.f32 v5, v6  }
0x46d: {  	v6 =	vperm.xlane v8, v3  }
0x46e: {  	v5 =	vadd.f32 v7, v5  }
0x46f: {  	(xrf2) =	vadd.scan.msk.f32 $0xffff, v6  }
0x470: {  	v6 =	vperm.xlane v5, v3;
	_ =	sdelay $0x1  }
0x471: {  	(xrf2) =	vadd.scan.msk.f32 $0xffff, v6;
	_ =	sdelay $0x5  }
0x472: {  	s29 =	simm.s32 $0x183F0;
	s3 =	simm.s32 $0x3E  }
0x473: {  	s4 =	simm.s32 $0x3F;
	s3 =	scvt.s32.f32 s3;
	v7 =	vld [tilespmem:s29+$0x0];
	v6, _, _ =	vpop (xrf2)  }
0x474: {  	s0 =	simm.s32 $0x38;
	s4 =	scvt.s32.f32 s4;
	v6 =	vperm.xlane v6, v3  }
0x475: {  	s1 =	simm.s32 $0x3B;
	v4 =	vadd.f32 v1, v4;
	s0 =	scvt.s32.f32 s0;
	v9 =	vld [tilespmem:s29+$0xFFFFFFF0];
	s3 =	smul.f32 $9.768010340e-04, s3  }
0x476: {  	s1 =	scvt.s32.f32 s1;
	s4 =	smul.f32 $9.768010340e-04, s4;
	v6 =	vsub.f32 v6, v8;
	v8, _, _ =	vpop (xrf2)  }
0x477: {  	s5 =	simm.s32 $0x39;
	s30 =	simm.s32 $0x187F0;
	s0 =	smul.f32 $9.768010340e-04, s0;
	v10 =	vld [tilespmem:s29+$0xFFFFFFE0];
	v11 =	vadd.f32 s3, v4;
	v8 =	vperm.xlane v8, v3  }
0x478: {  	s14 =	simm.s32 $0x3D;
	s5 =	scvt.s32.f32 s5;
	s1 =	smul.f32 $9.768010340e-04, s1;
	v15 =	vadd.f32 s4, v4;
	v6 =	vadd.f32 v7, v6;
	v7 =	vld [tilespmem:s30+$0x0]  }
0x479: {  	s15 =	simm.s32 $0x3C;
	v12 =	vld [tilespmem:s29+$0xFFFFFFD0];
	v5 =	vsub.f32 v8, v5;
	v8 =	vadd.f32 s0, v4;
	s0 =	scvt.s32.f32 s14  }
0x47a: {  	s15 =	scvt.s32.f32 s15;
	v14 =	vld [tilespmem:s30+$0xFFFFFFF0];
	v16 =	vadd.f32 s1, v4;
	s14 =	smul.f32 $9.768010340e-04, s5;
	v13 =	vmax.f32 v6, $1.000000000e-30;
	v9 =	vadd.f32 v9, v6  }
0x47b: {  	v17 =	vld [tilespmem:s29+$0xFFFFFFC0];
	s4 =	simm.s32 $0x3A;
	v6 =	vmul.f32 v6, v15;
	(erf) = vrcp.f32 v13;
	v13 =	vimm.f32 $-3.000000000e+00;
	s0 =	smul.f32 $9.768010340e-04, s0  }
0x47c: {  	s1 =	scvt.s32.f32 s4;
	v18 =	vadd.f32 s14, v4;
	s14 =	smul.f32 $9.768010340e-04, s15;
	v15 =	vmax.f32 v9, $1.000000000e-30;
	v10 =	vadd.f32 v10, v9  }
0x47d: {  	v11 =	vmul.f32 v9, v11;
	v19 =	vadd.f32 s0, v4;
	v5 =	vadd.f32 v7, v5;
	v7 =	vld [tilespmem:s29+$0xFFFFFFB0]  }
0x47e: {  	s15 =	smul.f32 $9.768010340e-04, s1;
	(erf) = vrcp.f32 v15;
	v15 =	vld [tilespmem:s30+$0xFFFFFFE0];
	v20 =	vadd.f32 s14, v4;
	v9 =	vadd.f32 v12, v10  }
0x47f: {  	v21 =	vmax.f32 v10, $1.000000000e-30;
	v6 =	vsub.f32 v5, v6;
	v12 =	vadd.f32 v14, v5;
	v14 =	vld [tilespmem:s29+$0xFFFFFFA0]  }
0x480: {  	v22 =	vld [tilespmem:s30+$0xFFFFFFD0];
	v19 =	vmul.f32 v10, v19;
	v10 =	vadd.f32 s15, v4;
	v17 =	vadd.f32 v17, v9  }
0x481: {  	v23 =	vld [tilespmem:s29+$0xFFFFFF90];
	(erf) = vrcp.f32 v21;
	v5 =	vadd.f32 $-1.000000000e+00, v5;
	v24 =	vadd.f32 $-1.000000000e+00, v12  }
0x482: {  	[tilespmem:s29+$0xFFFFFFF0] =	vst v0;
	v21 =	vld [tilespmem:s30+$0xFFFFFFC0];
	v20 =	vmul.f32 v9, v20;
	v6 =	vadd.f32 $-1.000000000e+00, v6;
	v7 =	vadd.f32 v7, v17  }
0x483: {  	v28 =	vld [tilespmem:s30+$0xFFFFFF90];
	[tilespmem:s29+$0xFFFFFFD0] =	vst v0;
	v25 =	vmax.f32 v9, $1.000000000e-30;
	v11 =	vsub.f32 v12, v11;
	v9 =	vadd.f32 v15, v12  }
0x484: {  	[tilespmem:s29+$0xFFFFFF90] =	vst v0;
	v26 =	vmax.f32 v17, $1.000000000e-30;
	v15 =	vld [tilespmem:s30+$0xFFFFFFB0];
	vm0 =	vge.f32 v6, $0.0e+00;
	v27 =	vpop (erf);
	v12 =	vadd.f32 v14, v7  }
0x485: {  	[tilespmem:s30+$0xFFFFFFF0] =	vst v0;
	v11 =	vadd.f32 $-1.000000000e+00, v11;
	v6 =	vadd.f32 v22, v9;
	v5 =	vmul.f32 v27, v5  }
0x486: {  	[tilespmem:s30+$0xFFFFFFD0] =	vst v0;
	v14 =	vmax.f32 v7, $1.000000000e-30;
	v22 =	vld [tilespmem:s30+$0xFFFFFFA0];
	v10 =	vmul.f32 v7, v10;
	v7 =	vadd.f32 v23, v12  }
0x487: {  	[tilespmem:s30+$0xFFFFFF90] =	vst v0;
	v17 =	vmul.f32 v17, v16;
	vm15 =	vge.f32 v11, $0.0e+00;
	v21 =	vadd.f32 v21, v6  }
0x488: {  	[tilespmem:s29+$0x0] =	vst v0;
	v11 =	vmax.f32 v12, $1.000000000e-30;
	v63 =	vmul.f32 v7, v8;
	v8 =	vmax.f32 v7, $1.000000000e-30  }
0x489: {  	[tilespmem:s30+$0x0] =	vst v0;
	v27 =	vnsel vm0, $0xC0400000, v5;
	v29 =	vadd.f32 v15, v21;
	v5 =	vpop (erf);
	(erf) = vrcp.f32 v8  }
0x48a: {  	[tilespmem:s29+$0xFFFFFFE0] =	vst v0;
	v8 =	vadd.f32 $-1.000000000e+00, v21;
	v23 =	vmul.f32 v5, v24;
	(erf) = vrcp.f32 v26  }
0x48b: {  	[tilespmem:s30+$0xFFFFFFE0] =	vst v0;
	v5 =	vadd.f32 $-1.000000000e+00, v6;
	v15 =	vadd.f32 v22, v29;
	(erf) = vrcp.f32 v11  }
0x48c: {  	[tilespmem:s29+$0xFFFFFFC0] =	vst v0;
	v6 =	vsub.f32 v6, v20;
	v16 =	vsub.f32 v29, v10;
	(erf) = vrcp.f32 v14  }
0x48d: {  	[tilespmem:s30+$0xFFFFFFC0] =	vst v0;
	v18 =	vmul.f32 v12, v18;
	v10 =	vadd.f32 v28, v15;
	v14 =	vsub.f32 v21, v17  }
0x48e: {  	[tilespmem:s29+$0xFFFFFFB0] =	vst v0;
	v13 =	vmax.f32 v13, v27;
	v12 =	vadd.f32 $-1.000000000e+00, v29;
	v6 =	vadd.f32 $-1.000000000e+00, v6  }
0x48f: {  	[tilespmem:s30+$0xFFFFFFB0] =	vst v0;
	v20 =	vnsel vm15, $0xC0400000, v23;
	v11 =	vsub.f32 v15, v18;
	v17 =	vsub.f32 v10, v63  }
0x490: {  	s28 =	simm.s32 $0x0;
	[tilespmem:s29+$0xFFFFFFA0] =	vst v0;
	v18 =	vsub.f32 v9, v19;
	v13 =	vmax.f32 v13, v20;
	v19 =	vadd.f32 $-1.000000000e+00, v14  }
0x491: {  	s31 =	simm.s32 $0x18770;
	s29 =	simm.s32 $0x30;
	[tilespmem:s30+$0xFFFFFFA0] =	vst v0;
	s30 =	simm.s32 $0x18370;
	v20 =	vadd.f32 $-1.000000000e+00, v10;
	v14 =	vpop (erf);
	v17 =	vadd.f32 $-1.000000000e+00, v17;
	(erf) = vrcp.f32 v25  }
.LBB2_34:
0x492: {  	v21 =	vld [tilespmem:s30+$0x0];
	s0 =	sadd.s32 $0x4, s29;
	s1 =	sadd.s32 $0x3, s29;
	s3 =	scvt.s32.f32 s29;
	v9 =	vadd.f32 $-1.000000000e+00, v9;
	vm0 =	vge.f32 v19, $0.0e+00;
	v16 =	vadd.f32 $-1.000000000e+00, v16;
	v19 =	vpop (erf)  }
0x493: {  	s4 =	sadd.s32 $0x6, s29;
	v23 =	vadd.f32 $-1.000000000e+00, v15;
	v22 =	vld [tilespmem:s31+$0xFFFFFFE0];
	s0 =	scvt.s32.f32 s0;
	s1 =	scvt.s32.f32 s1;
	v19 =	vmul.f32 v19, v20;
	vm2 =	vge.f32 v17, $0.0e+00;
	v17 =	vpop (erf)  }
0x494: {  	s5 =	sadd.s32 $0x7, s29;
	v18 =	vadd.f32 $-1.000000000e+00, v18;
	s4 =	scvt.s32.f32 s4;
	v20 =	vld [tilespmem:s30+$0xFFFFFFE0];
	s3 =	smul.f32 $9.768010340e-04, s3;
	v17 =	vmul.f32 v17, v8;
	vm1 =	vge.f32 v16, $0.0e+00;
	v8 =	vpop (erf)  }
0x495: {  	s14 =	sadd.s32 $0x1, s29;
	s5 =	scvt.s32.f32 s5;
	v9 =	vmul.f32 v14, v9;
	v16 =	vld [tilespmem:s31+$0xFFFFFFF0];
	[tilespmem:s30+$0xFFFFFFE0] =	vst v0;
	s1 =	smul.f32 $9.768010340e-04, s1;
	v14 =	vmul.f32 v8, v23;
	v8 =	vnsel vm2, $0xC0400000, v19;
	v15 =	vpop (erf)  }
0x496: {  	s15 =	sadd.s32 $0x5, s29;
	s14 =	scvt.s32.f32 s14;
	s4 =	smul.f32 $9.768010340e-04, s4;
	vm2 =	vge.f32 v18, $0.0e+00;
	v19 =	vld [tilespmem:s30+$0xFFFFFFF0];
	[tilespmem:s30+$0xFFFFFFF0] =	vst v0;
	v23 =	vadd.f32 s3, v4;
	v12 =	vmul.f32 v15, v12  }
0x497: {  	s28 =	sadd.s32 $0x8, s28;
	s3 =	smul.f32 $9.768010340e-04, s5;
	s5 =	scvt.s32.f32 s15;
	v9 =	vnsel vm2, $0xC0400000, v9;
	v17 =	vnsel vm0, $0xC0400000, v17;
	v7 =	vadd.f32 v21, v7;
	v15 =	vld [tilespmem:s31+$0x0];
	[tilespmem:s31+$0xFFFFFFF0] =	vst v0  }
0x498: {  	p0 =	slt.u32 s28, $0x38;
	v18 =	vadd.f32 s4, v4;
	v24 =	vadd.f32 s1, v4;
	s1 =	smul.f32 $9.768010340e-04, s14;
	v13 =	vmax.f32 v13, v9;
	[tilespmem:s30+$0x0] =	vst v0;
	v21 =	vld [tilespmem:s30+$0xFFFFFFD0]  }
0x499: {  	v9 =	vadd.f32 s3, v4;
	s3 =	smul.f32 $9.768010340e-04, s5;
	v12 =	vnsel vm1, $0xC0400000, v12;
	v29 =	vmax.f32 v7, $1.000000000e-30;
	[tilespmem:s31+$0x0] =	vst v0;
	v26 =	vld [tilespmem:s30+$0xFFFFFFC0]  }
0x49a: {  	v11 =	vadd.f32 $-1.000000000e+00, v11;
	s0 =	smul.f32 $9.768010340e-04, s0;
	v28 =	vadd.f32 s1, v4;
	[tilespmem:s31+$0xFFFFFFE0] =	vst v0;
	v27 =	vld [tilespmem:s31+$0xFFFFFFC0];
	(erf) = vrcp.f32 v29;
	v25 =	vpop (erf)  }
0x49b: {  	s1 =	sadd.s32 $0x2, s29;
	v9 =	vmul.f32 v7, v9;
	v7 =	vadd.f32 v19, v7;
	v19 =	vadd.f32 s3, v4;
	[tilespmem:s30+$0xFFFFFFC0] =	vst v0;
	v29 =	vld [tilespmem:s31+$0xFFFFFFB0]  }
0x49c: {  	vm0 =	vge.f32 v6, $0.0e+00;
	v10 =	vadd.f32 v15, v10;
	v15 =	vadd.f32 s0, v4;
	[tilespmem:s31+$0xFFFFFFC0] =	vst v0;
	v30 =	vld [tilespmem:s30+$0xFFFFFFB0];
	s0 =	scvt.s32.f32 s1  }
0x49d: {  	v6 =	vmul.f32 v7, v18;
	v18 =	vmax.f32 v7, $1.000000000e-30;
	v7 =	vadd.f32 v20, v7;
	[tilespmem:s30+$0xFFFFFFB0] =	vst v0;
	v20 =	vld [tilespmem:s31+$0xFFFFFFA0]  }
0x49e: {  	v9 =	vsub.f32 v10, v9;
	v16 =	vadd.f32 v16, v10;
	s0 =	smul.f32 $9.768010340e-04, s0;
	[tilespmem:s31+$0xFFFFFFB0] =	vst v0;
	v31 =	vld [tilespmem:s30+$0xFFFFFFA0];
	(erf) = vrcp.f32 v18  }
0x49f: {  	vm1 =	vge.f32 v11, $0.0e+00;
	v18 =	vmax.f32 v7, $1.000000000e-30;
	v21 =	vadd.f32 v21, v7;
	v32 =	vld [tilespmem:s31+$0xFFFFFFD0];
	[tilespmem:s30+$0xFFFFFFA0] =	vst v0  }
0x4a0: {  	v19 =	vmul.f32 v7, v19;
	[tilespmem:s30+$0xFFFFFFD0] =	vst v0;
	v7 =	vadd.f32 s0, v4;
	v11 =	vld [tilespmem:s30+$0xFFFFFF90];
	(erf) = vrcp.f32 v18  }
0x4a1: {  	v15 =	vmul.f32 v21, v15;
	[tilespmem:s31+$0xFFFFFFD0] =	vst v0;
	v18 =	vadd.f32 v26, v21;
	v26 =	vnsel vm1, $0xC0400000, v14  }
0x4a2: {  	v10 =	vadd.f32 $-1.000000000e+00, v10;
	v14 =	vadd.f32 $-1.000000000e+00, v16;
	v21 =	vmax.f32 v21, $1.000000000e-30;
	[tilespmem:s31+$0xFFFFFFA0] =	vst v0  }
0x4a3: {  	v33 =	vadd.f32 $-1.000000000e+00, v9;
	v34 =	vmax.f32 v18, $1.000000000e-30;
	v30 =	vadd.f32 v30, v18;
	v9 =	vpop (erf)  }
0x4a4: {  	v6 =	vsub.f32 v16, v6;
	v35 =	vmul.f32 v9, v10;
	v9 =	vadd.f32 v22, v16  }
0x4a5: {  	v5 =	vmul.f32 v25, v5;
	v16 =	vmax.f32 v30, $1.000000000e-30;
	v22 =	vadd.f32 v31, v30  }
0x4a6: {  	vm1 =	vge.f32 v33, $0.0e+00;
	v30 =	vmul.f32 v30, v7;
	v25 =	vadd.f32 v32, v9  }
0x4a7: {  	v31 =	vnsel vm1, $0xC0400000, v35;
	v7 =	vadd.f32 v11, v22;
	v10 =	vpop (erf);
	v11 =	vnsel vm0, $0xC0400000, v5  }
0x4a8: {  	v6 =	vadd.f32 $-1.000000000e+00, v6;
	v10 =	vmul.f32 v10, v14;
	v5 =	vadd.f32 $-1.000000000e+00, v25  }
0x4a9: {  	v27 =	vadd.f32 v27, v25;
	v23 =	vmul.f32 v7, v23;
	v32 =	vmax.f32 v7, $1.000000000e-30;
	v14 =	vpop (erf)  }
0x4aa: {  	vm0 =	vge.f32 v6, $0.0e+00;
	v6 =	vmax.f32 v22, $1.000000000e-30;
	v11 =	vmax.f32 v13, v11  }
0x4ab: {  	v18 =	vmul.f32 v18, v24;
	v22 =	vmul.f32 v22, v28;
	v13 =	vsub.f32 v25, v15;
	v24 =	vld [tilespmem:s31+$0xFFFFFF90]  }
0x4ac: {  	v11 =	vmax.f32 v11, v17;
	v25 =	vadd.f32 v29, v27;
	[tilespmem:s30+$0xFFFFFF90] =	vst v0;
	(erf) = vrcp.f32 v32  }
0x4ad: {  	v17 =	vnsel vm0, $0xC0400000, v10;
	v10 =	vmax.f32 v11, v12;
	[tilespmem:s31+$0xFFFFFF90] =	vst v0;
	(erf) = vrcp.f32 v34  }
0x4ae: {  	v11 =	vmax.f32 v10, v26;
	v15 =	vadd.f32 v20, v25;
	(erf) = vrcp.f32 v6  }
0x4af: {  	v12 =	vadd.f32 $-1.000000000e+00, v25;
	v6 =	vadd.f32 $-1.000000000e+00, v13;
	(erf) = vrcp.f32 v16  }
.Ltmp16:
0x4b0: {  	v8 =	vmax.f32 v11, v8;
	v16 =	vsub.f32 v25, v30;
	v10 =	vadd.f32 v24, v15;
	(pc) =	sbr.rel @p0 .LBB2_34-.Ltmp16, $4  }
0x4b1: {  	v20 =	vsub.f32 v27, v18;
	v11 =	vmax.f32 v8, v31;
	v8 =	vadd.f32 $-1.000000000e+00, v27  }
0x4b2: {  	v13 =	vmax.f32 v11, v17;
	v11 =	vsub.f32 v15, v22;
	v17 =	vsub.f32 v10, v23  }
0x4b3: {  	v18 =	vsub.f32 v9, v19;
	v19 =	vadd.f32 $-1.000000000e+00, v20  }
0x4b4: {  	s29 =	sadd.s32 $0xFFFFFFF8, s29;
	s30 =	sadd.s32 $0xFFFFFF80, s30;
	s31 =	sadd.s32 $0xFFFFFF80, s31;
	v20 =	vadd.f32 $-1.000000000e+00, v10;
	v17 =	vadd.f32 $-1.000000000e+00, v17;
	(erf) = vrcp.f32 v21  }
0x4b5: {  	_ =	sdelay $0x3  }
0x4b6: {  	v4 =	vpop (erf)  }
0x4b7: {  	v7 =	vpop (erf)  }
0x4b8: {  	v9 =	vadd.f32 $-1.000000000e+00, v9;
	v16 =	vadd.f32 $-1.000000000e+00, v16;
	v10 =	vpop (erf)  }
0x4b9: {  	v18 =	vadd.f32 $-1.000000000e+00, v18;
	vm0 =	vge.f32 v19, $0.0e+00;
	v4 =	vmul.f32 v4, v20;
	v63 =	vpop (erf)  }
0x4ba: {  	vm13 =	vge.f32 v6, $0.0e+00;
	v7 =	vmul.f32 v7, v8;
	v9 =	vmul.f32 v14, v9;
	v8 =	vpop (erf)  }
0x4bb: {  	vm1 =	vge.f32 v16, $0.0e+00;
	vm2 =	vge.f32 v18, $0.0e+00;
	v5 =	vmul.f32 v8, v5  }
0x4bc: {  	v12 =	vmul.f32 v63, v12;
	v9 =	vnsel vm2, $0xC0400000, v9;
	v8 =	vadd.f32 $-1.000000000e+00, v15  }
0x4bd: {  	v6 =	vmax.f32 v13, v9;
	v9 =	vadd.f32 $-1.000000000e+00, v11;
	v5 =	vnsel vm13, $0xC0400000, v5  }
0x4be: {  	v7 =	vnsel vm0, $0xC0400000, v7;
	v8 =	vmul.f32 v10, v8;
	v5 =	vmax.f32 v6, v5  }
0x4bf: {  	vm14 =	vge.f32 v9, $0.0e+00;
	v6 =	vnsel vm1, $0xC0400000, v12;
	v5 =	vmax.f32 v5, v7  }
0x4c0: {  	vm15 =	vge.f32 v17, $0.0e+00;
	v7 =	vnsel vm14, $0xC0400000, v8;
	v5 =	vmax.f32 v5, v6  }
0x4c1: {  	v4 =	vnsel vm15, $0xC0400000, v4;
	v5 =	vmax.f32 v5, v7  }
0x4c2: {  	v4 =	vmax.f32 v5, v4  }
0x4c3: {  	(xrf0) =	vmax.scan.msk.f32 $0xffff, v4;
	_ =	sdelay $0x5  }
0x4c4: {  	v4, _, _ =	vpop (xrf0)  }
0x4c5: {  	(v2sf) =	vpush v4, $0xF;
	_ =	sdelay $0xc  }
0x4c6: {  	s28 =	simm.s32 $0x40  }
0x4c7: {  	v6 =	vld [tilespmem:s28+$0x30]  }
0x4c8: {  	s1 =	sadd.f32 $-3.051757810e-05, s25;
	v8 =	vld [tilespmem:s28+$0xFFFFFFD0];
	s0 =	spop (v2sf)  }
0x4c9: {  	v10 =	vld [tilespmem:s28+$0xFFFFFFE0];
	s0 =	smax.f32 s26, s0  }
0x4ca: {  	v9 =	vld [tilespmem:s28+$0xFFFFFFF0];
	s0 =	smin.f32 s1, s0  }
0x4cb: {  	v7 =	vld [tilespmem:s28+$0x0];
	v4 =	vmov s0  }
0x4cc: {  	v5 =	vld [tilespmem:s28+$0x10];
	v12 =	vsub.f32 v6, v4  }
0x4cd: {  	v6 =	vld [tilespmem:s28+$0x20];
	v11 =	vsub.f32 v8, v4  }
0x4ce: {  	s25 =	simm.s32 $0x0;
	s26 =	simm.s32 $0xC0;
	v8 =	vld [tilespmem:s28+$0xFFFFFFC0];
	v10 =	vsub.f32 v10, v4;
	v12 =	vmax.f32 v12, $0.0e+00  }
.LBB2_36:
0x4cf: {  	v13 =	vld [tilespmem:s26+$0x30];
	s25 =	sadd.s32 $0x8, s25;
	v11 =	vmax.f32 v11, $0.0e+00;
	v9 =	vsub.f32 v9, v4;
	[tilespmem:s28+$0x30] =	vst v12  }
0x4d0: {  	v12 =	vld [tilespmem:s26+$0xFFFFFFD0];
	p0 =	slt.u32 s25, $0x7F8;
	[tilespmem:s28+$0xFFFFFFD0] =	vst v11;
	v10 =	vmax.f32 v10, $0.0e+00;
	v7 =	vsub.f32 v7, v4  }
0x4d1: {  	v14 =	vld [tilespmem:s26+$0xFFFFFFE0];
	[tilespmem:s28+$0xFFFFFFE0] =	vst v10;
	v10 =	vmax.f32 v9, $0.0e+00;
	v5 =	vsub.f32 v5, v4  }
.Ltmp17:
0x4d2: {  	v9 =	vld [tilespmem:s26+$0xFFFFFFF0];
	[tilespmem:s28+$0xFFFFFFF0] =	vst v10;
	v10 =	vmax.f32 v7, $0.0e+00;
	v6 =	vsub.f32 v6, v4;
	(pc) =	sbr.rel @p0 .LBB2_36-.Ltmp17, $4  }
0x4d3: {  	v7 =	vld [tilespmem:s26+$0x0];
	v8 =	vsub.f32 v8, v4;
	[tilespmem:s28+$0x0] =	vst v10;
	v10 =	vmax.f32 v5, $0.0e+00  }
0x4d4: {  	v5 =	vld [tilespmem:s26+$0x10];
	v13 =	vsub.f32 v13, v4;
	[tilespmem:s28+$0x10] =	vst v10;
	v10 =	vmax.f32 v6, $0.0e+00  }
0x4d5: {  	v11 =	vsub.f32 v12, v4;
	v6 =	vld [tilespmem:s26+$0x20];
	v15 =	vmax.f32 v8, $0.0e+00;
	[tilespmem:s28+$0x20] =	vst v10  }
0x4d6: {  	v8 =	vld [tilespmem:s26+$0xFFFFFFC0];
	v10 =	vsub.f32 v14, v4;
	v12 =	vmax.f32 v13, $0.0e+00;
	[tilespmem:s28+$0xFFFFFFC0] =	vst v15;
	s28 =	smov.u32 s26;
	s26 =	sadd.s32 $0x80, s26  }
0x4d7: {  	v11 =	vmax.f32 v11, $0.0e+00;
	v9 =	vsub.f32 v9, v4;
	[tilespmem:s28+$0x30] =	vst v12  }
0x4d8: {  	[tilespmem:s28+$0xFFFFFFD0] =	vst v11;
	v10 =	vmax.f32 v10, $0.0e+00;
	v7 =	vsub.f32 v7, v4  }
0x4d9: {  	[tilespmem:s28+$0xFFFFFFE0] =	vst v10;
	v9 =	vmax.f32 v9, $0.0e+00;
	v5 =	vsub.f32 v5, v4  }
0x4da: {  	[tilespmem:s28+$0xFFFFFFF0] =	vst v9;
	v7 =	vmax.f32 v7, $0.0e+00;
	v6 =	vsub.f32 v6, v4  }
0x4db: {  	v4 =	vsub.f32 v8, v4;
	[tilespmem:s28+$0x0] =	vst v7;
	v5 =	vmax.f32 v5, $0.0e+00  }
0x4dc: {  	[tilespmem:s28+$0x10] =	vst v5;
	v5 =	vmax.f32 v6, $0.0e+00  }
0x4dd: {  	v4 =	vmax.f32 v4, $0.0e+00;
	[tilespmem:s28+$0x20] =	vst v5  }
0x4de: {  	[tilespmem:s28+$0xFFFFFFC0] =	vst v4  }
0x4df: {  	[hbm4b:s10+s13] =	stream.strided.scatter [tilespmem:s2], [sflag:$0x4], $0x8000, s12, s13, $0x38;
	[tilespmem:$0x18800] =	vst v63  }
0x4e0: {  	_ =	swait.ge [sflag:s22], $0x8000  }
0x4e1: {  	[sflag:s22] =	ssyncset.done $0x0  }
0x4e2: {  	s24 =	sadd.s32 $0x1, s24;
	[sflag:s22] =	ssyncadd.s32 $0xFFFF8000  }
0x4e3: {  	p0 =	sne.s32 s24, s11;
	_ =	swait.ge [sflag:s23], $0x8000  }
.Ltmp18:
0x4e4: {  	[sflag:s23] =	ssyncset.done $0x0;
	(pc) =	sbr.rel @p0 .LBB2_1-.Ltmp18, $4  }
0x4e5: {  	[sflag:s23] =	ssyncadd.s32 $0xFFFF8000  }
0x4e6: {  	_ =	swait.ge [sflag:s21], $0x8000  }
0x4e7: {  	[sflag:s21] =	ssyncset.done $0x0  }
0x4e8: {  	[sflag:s21] =	ssyncadd.s32 $0xFFFF8000  }
0x4e9: {  	_ =	sfence.sel $0x180000  }
0x4ea: {  	[bflag:$0x0] =	sbarrier.arrive $0xFFFF  }
0x4eb: {  	_ =	strace $0x90000047  }
0x4ec: {  	s0 =	stileid.u32;
	[bflag:$0x2] =	sbarrier.arrive $0xFFFF  }
0x4ed: {  	p0 =	sne.s32 s0, $0x0;
	s0 =	rddreg [dreg:$0x2]  }
0x4ee: {  	s0 =	sadd.s32 @!p0 $0x100000, s0  }
0x4ef: {  	[sflag:s0] =	ssyncadd.tile.s32 @!p0 $0x1;
	_ =	shalt  }
.Lfunc_end2:
_tile_overlayer_lowered:
.L_overlay_start_2:
0x4f0: {  	(tag) =	ssettag $0x2  }
0x4f1: {  	s0 =	rddreg [dreg:$0x0];
	s2 =	stileid.u32  }
0x4f2: {  	s1 =	rddreg [dreg:$0x1];
	p0 =	sne.s32 s2, $0x0  }
0x4f3: {  	s3 =	rddreg [dreg:$0x2];
	[bflag:$0x3] =	sbarrier.arrive $0xFFFF;
	s2 =	simm.s32 @!p0 $0x1C07  }
0x4f4: {  	[timem:s3], [sflag:s2] =	dma.local @!p0 [hbm:s0], s1  }
0x4f5: {  	s0 =	simm.s32 @!p0 $0x7  }
0x4f6: {  	_ =	swait.ge @!p0 [sflag:s0], s1  }
0x4f7: {  	s1 =	ssub.s32 @!p0 $0x0, s1;
	[sflag:s0] =	ssyncset.done @!p0 $0x0  }
0x4f8: {  	[sflag:s0] =	ssyncadd.s32 @!p0 s1  }
0x4f9: {  	[bflag:$0x3] =	sbarrier.arrive $0xFFFF  }
0x4fa: {  	_ =	shalt  }

</sc_bundles>
